<compile_context>
chip_gen: v7x
topology: tpu7x:2x2x1
jax: 0.10.2.dev20260603
libtpu: 0.0.44.dev20260713+nightly
codegen_flags: <defaults>
</compile_context>

<pallas_src>
import functools

import jax
import jax.numpy as jnp
from jax import lax
from jax.experimental import pallas as pl
from jax.experimental.pallas import tpu as pltpu
from jax.experimental.pallas import tpu_sc as plsc

NB = 8
NW = 32
NSUB = 16
BATCH = 128
CH = 4


def _ta_body(w_ref, a_ref, o_ref):
    res = jnp.dot(w_ref[...], a_ref[...],
                  preferred_element_type=jnp.float32)
    ba = res.shape[1]
    o_ref[...] = jnp.swapaxes(res.reshape(NB, ba // BATCH, BATCH), 0, 1)


def _transf_a_packed(a_sbf_t, w_asbf_t, block_a=2560):
    AD, A = a_sbf_t.shape
    grid = A // block_a
    bt = block_a // BATCH
    return pl.pallas_call(
        _ta_body,
        grid=(grid,),
        in_specs=[
            pl.BlockSpec((NB, AD), lambda i: (0, 0)),
            pl.BlockSpec((AD, block_a), lambda i: (0, i)),
        ],
        out_specs=pl.BlockSpec((bt, NB, BATCH), lambda i: (i, 0, 0)),
        out_shape=jax.ShapeDtypeStruct((A // BATCH, NB, BATCH), jnp.float32),
    )(w_asbf_t, a_sbf_t)


def _make_segsum(E, A, n_batch):
    ept = E // NSUB
    n_chunk = n_batch // CH
    rows_per_chunk = CH * BATCH
    per_tile = n_batch * BATCH
    mesh = plsc.VectorSubcoreMesh(core_axis_name="c", subcore_axis_name="s")

    @functools.partial(
        pl.kernel,
        mesh=mesh,
        compiler_params=pltpu.CompilerParams(use_tc_tiling_on_sc=False),
        out_type=jax.ShapeDtypeStruct((2, NB, E), jnp.float32),
        scratch_types=[pltpu.VMEM_SHARED((E,), jnp.float32)] * NB + [
            pltpu.VMEM((n_batch, BATCH), jnp.int32),
            pltpu.VMEM((2, CH, NB, BATCH), jnp.float32),
            pltpu.SemaphoreType.DMA,
            pltpu.SemaphoreType.DMA,
        ],
    )
    def segsum(kj_ref, val_ref, zero_ref, out_ref, *accs_and_scratch):
        accs = accs_and_scratch[:NB]
        idx_v, val_c, sem, sem_l = accs_and_scratch[NB:]
        c = lax.axis_index("c")
        s = lax.axis_index("s")
        wid = c * NSUB + s
        ncv = jnp.minimum((A - wid * per_tile) // rows_per_chunk, n_chunk)
        zdescs = [pltpu.async_copy(zero_ref.at[j, pl.ds(s * ept, ept)],
                                   accs[j].at[pl.ds(s * ept, ept)], sem)
                  for j in range(NB)]
        for d in zdescs:
            d.wait()
        plsc.subcore_barrier()
        pltpu.sync_copy(kj_ref.at[wid], idx_v)

        tile_base = wid * (per_tile // BATCH)
        pltpu.async_copy(val_ref.at[pl.ds(tile_base, CH)], val_c.at[0], sem_l)

        def chunk_body(k, carry):
            buf = lax.rem(k, 2)
            pltpu.make_async_copy(val_ref.at[pl.ds(tile_base + k * CH, CH)],
                                  val_c.at[buf], sem_l).wait()
            @pl.when(k + 1 < ncv)
            def _():
                pltpu.async_copy(
                    val_ref.at[pl.ds(tile_base + (k + 1) * CH, CH)],
                    val_c.at[lax.rem(k + 1, 2)], sem_l)
            descs = []
            for b in range(CH):
                for j in range(NB):
                    descs.append(pltpu.async_copy(
                        val_c.at[buf, b, j],
                        accs[j].at[idx_v.at[k * CH + b]],
                        sem, add=True))
            for d in descs:
                d.wait()
            return carry
        lax.fori_loop(0, ncv, chunk_body, 0)
        plsc.subcore_barrier()
        for j in range(NB):
            pltpu.sync_copy(accs[j].at[pl.ds(s * ept, ept)],
                            out_ref.at[c, j, pl.ds(s * ept, ept)])

    return segsum


def _segment_sum_sc(t_a_packed, kj_idx, E):
    A = t_a_packed.shape[0] * BATCH
    rows_per_chunk = CH * BATCH
    per_tile = -(-A // (NW * rows_per_chunk)) * rows_per_chunk
    n_batch = per_tile // BATCH
    a_pad = per_tile * NW
    kj32 = kj_idx.astype(jnp.int32)
    kj_p = jnp.pad(kj32, (0, a_pad - A)).reshape(NW, n_batch, BATCH)
    zeros = jnp.zeros((NB, E), jnp.float32)
    return _make_segsum(E, A, n_batch)(kj_p, t_a_packed, zeros)


def _final_body(m_ref, e_ref, s_ref, wn_ref, bn_ref, we_ref, f2_ref, o_ref):
    pre = jnp.dot(m_ref[...], wn_ref[...],
                  preferred_element_type=jnp.float32) + bn_ref[...]
    tn = pre * jax.nn.sigmoid(pre)
    te = jnp.dot(jnp.transpose(e_ref[...]), we_ref[...],
                 preferred_element_type=jnp.float32)
    me = tn * te
    s = jnp.transpose(s_ref[0] + s_ref[1])
    p = jnp.concatenate([me * s[:, j:j + 1] for j in range(NB)], axis=1)
    o_ref[...] = jnp.dot(p, f2_ref[...], preferred_element_type=jnp.float32)


def _final(m_ji, e_rbf_t, s2, W_nbr, b_nbr, W_erbf, F2r, block_e=3200):
    E, D = m_ji.shape
    NR = e_rbf_t.shape[0]
    grid = E // block_e
    return pl.pallas_call(
        _final_body,
        grid=(grid,),
        in_specs=[
            pl.BlockSpec((block_e, D), lambda i: (i, 0)),
            pl.BlockSpec((NR, block_e), lambda i: (0, i)),
            pl.BlockSpec((2, NB, block_e), lambda i: (0, 0, i)),
            pl.BlockSpec((D, D), lambda i: (0, 0)),
            pl.BlockSpec((1, D), lambda i: (0, 0)),
            pl.BlockSpec((NR, D), lambda i: (0, 0)),
            pl.BlockSpec((NB * D, D), lambda i: (0, 0)),
        ],
        out_specs=pl.BlockSpec((block_e, D), lambda i: (i, 0)),
        out_shape=jax.ShapeDtypeStruct((E, D), jnp.float32),
    )(m_ji, e_rbf_t, s2, W_nbr, b_nbr, W_erbf, F2r)


def kernel(m_ji, nbr_list, angle_list, e_rbf, a_sbf, kj_idx,
           W_nbr, b_nbr, W_erbf, W_asbf, final_w):
    E, D = m_ji.shape
    t_a_packed = _transf_a_packed(jnp.transpose(a_sbf),
                                  jnp.transpose(W_asbf))
    s2 = _segment_sum_sc(t_a_packed, kj_idx, E)
    F2r = jnp.transpose(final_w, (1, 2, 0)).reshape(NB * D, D)
    return _final(m_ji, jnp.transpose(e_rbf), s2, W_nbr,
                  b_nbr.reshape(1, D), W_erbf, F2r)

# --- scband reference (transcript-rebuilt; emitter-appended) ---
"""Pipeline reference for scband-directed-message-62646392979551 (READ-ONLY COPY).

The authoritative reference and input builder live on the scoring server;
editing this copy changes nothing except your own understanding.
"""

import jax, jax.numpy as jnp
import numpy as np

E = 160000
A = 320000
D = 128          # atom_embed_dim
N_RBF = 6
A_DIM = 7 * 6    # n_spher * l_spher
N_BI = 8         # n_bilinear


def _silu(x):
    return x * jax.nn.sigmoid(x)


def setup_inputs(seed: int = 0) -> dict:
    key = jax.random.key(seed)
    ks = [jax.random.fold_in(key, i) for i in range(16)]
    m_ji = jax.random.normal(ks[0], (E, D), dtype=jnp.float32)
    nbr_list = jax.random.randint(ks[1], (E, 2), 0, 10000, dtype=jnp.int64)
    angle_list = jax.random.randint(ks[2], (A, 3), 0, E, dtype=jnp.int64)
    e_rbf = jax.random.normal(ks[3], (E, N_RBF), dtype=jnp.float32)
    a_sbf = jax.random.normal(ks[4], (A, A_DIM), dtype=jnp.float32)
    kj_idx = jax.random.randint(ks[5], (A,), 0, E, dtype=jnp.int64)
    # learned parameters (xavier-uniform style scaling)
    def xavier(k, shape, fan_in, fan_out):
        lim = float(np.sqrt(6.0 / (fan_in + fan_out)))
        return jax.random.uniform(k, shape, dtype=jnp.float32, minval=-lim, maxval=lim)
    W_nbr = xavier(ks[6], (D, D), D, D)            # nbr_m_linear weight, [in, out]
    b_nbr = jnp.zeros((D,), dtype=jnp.float32)     # nbr_m_linear bias
    W_erbf = xavier(ks[7], (N_RBF, D), N_RBF, D)   # e_rbf_linear weight (no bias)
    W_asbf = xavier(ks[8], (A_DIM, N_BI), A_DIM, N_BI)  # a_sbf_linear weight (no bias)
    final_w = xavier(ks[9], (D, N_BI, D), D * N_BI, D)  # bilinear tensor [i, j, l]
    return {
        "m_ji": m_ji, "nbr_list": nbr_list, "angle_list": angle_list,
        "e_rbf": e_rbf, "a_sbf": a_sbf, "kj_idx": kj_idx,
        "W_nbr": W_nbr, "b_nbr": b_nbr, "W_erbf": W_erbf,
        "W_asbf": W_asbf, "final_w": final_w,
    }


def reference(m_ji, nbr_list, angle_list, e_rbf, a_sbf, kj_idx,
              W_nbr, b_nbr, W_erbf, W_asbf, final_w):
    # nbr_m_block: gather neighbor messages, linear + swish
    m_kj = jnp.take(m_ji, kj_idx, axis=0)                  # [A, D]
    transf_nbr_m = _silu(m_kj @ W_nbr + b_nbr)             # [A, D]
    # e_block: gather rbf features per triplet, linear (no bias)
    repeated_e = jnp.take(e_rbf, kj_idx, axis=0)           # [A, N_RBF]
    transf_e_rbf = repeated_e @ W_erbf                     # [A, D]
    m_and_e = transf_nbr_m * transf_e_rbf                  # [A, D]
    # angular basis projection
    transf_a = a_sbf @ W_asbf                              # [A, N_BI]
    # bilinear contraction: 'wj,wl,ijl->wi'
    out = jnp.einsum('wj,wl,ijl->wi', transf_a, m_and_e, final_w)  # [A, D]
    # scatter-add back to edges (equivalent to the transpose/scatter/transpose in torch)
    final = jax.ops.segment_sum(out, kj_idx, num_segments=m_ji.shape[0])  # [E, D]
    return final

if __name__ == "__main__":
    import jax
    _d = setup_inputs()
    print(jax.jit(kernel)(*tuple(_d.values())))

</pallas_src>

<mosaic_0001>
#map = affine_map<(d0, d1) -> (0, 0, 0)>
#map1 = affine_map<(d0, d1) -> (0, 0)>
module attributes {stable_mosaic.version = 14 : i64} {
  func.func @segsum(%arg0: i32, %arg1: i32, %arg2: memref<32x80x128xi32, #tpu.memory_space<hbm>>, %arg3: memref<2500x8x128xf32, #tpu.memory_space<hbm>>, %arg4: memref<8x160000xf32, #tpu.memory_space<hbm>>, %arg5: memref<2x8x160000xf32, #tpu.memory_space<hbm>>, %arg6: memref<160000xf32, #tpu.memory_space<vmem_shared>>, %arg7: memref<160000xf32, #tpu.memory_space<vmem_shared>>, %arg8: memref<160000xf32, #tpu.memory_space<vmem_shared>>, %arg9: memref<160000xf32, #tpu.memory_space<vmem_shared>>, %arg10: memref<160000xf32, #tpu.memory_space<vmem_shared>>, %arg11: memref<160000xf32, #tpu.memory_space<vmem_shared>>, %arg12: memref<160000xf32, #tpu.memory_space<vmem_shared>>, %arg13: memref<160000xf32, #tpu.memory_space<vmem_shared>>, %arg14: memref<80x128xi32, #tpu.memory_space<vmem>>, %arg15: memref<2x4x8x128xf32, #tpu.memory_space<vmem>>, %arg16: memref<!tpu.dma_semaphore, #tpu.memory_space<semaphore_mem>>, %arg17: memref<!tpu.dma_semaphore, #tpu.memory_space<semaphore_mem>>) attributes {dimension_semantics = [#tpu.dimension_semantics<core_parallel>, #tpu.dimension_semantics<subcore_parallel>], iteration_bounds = array<i64: 2, 16>, scalar_prefetch = 0 : i64, scratch_operands = 12 : i64, tpu.core_type = #tpu.core_type<sc_vector_subcore>, window_params = [{transform_indices = #map}, {transform_indices = #map}, {transform_indices = #map1}, {transform_indices = #map}]} {
    %mul3A = arith.constant 16 : i32
    %mul3A_0 = arith.muli %arg0, %mul3A : i32
    %add3A = arith.addi %mul3A_0, %arg1 : i32
    %mul3A_1 = arith.constant 10240 : i32
    %mul3A_2 = arith.muli %add3A, %mul3A_1 : i32
    %sub3A = arith.constant 320000 : i32
    %sub3A_3 = arith.subi %sub3A, %mul3A_2 : i32
    %jit3A = arith.constant 512 : i32
    %div3A = arith.divsi %sub3A_3, %jit3A : i32
    %sign3A = arith.constant 0 : i32
    %sign3A_4 = arith.cmpi sgt, %sub3A_3, %sign3A : i32
    %sign3A_5 = arith.extui %sign3A_4 : i1 to i32
    %sign3A_6 = arith.constant 0 : i32
    %sign3A_7 = arith.cmpi slt, %sub3A_3, %sign3A_6 : i32
    %sign3A_8 = arith.extui %sign3A_7 : i1 to i32
    %sign3A_9 = arith.subi %sign3A_5, %sign3A_8 : i32
    %sign3A_10 = arith.constant 0 : i32
    %sign3A_11 = arith.cmpi sgt, %jit3A, %sign3A_10 : i32
    %sign3A_12 = arith.extui %sign3A_11 : i1 to i32
    %sign3A_13 = arith.constant 0 : i32
    %sign3A_14 = arith.cmpi slt, %jit3A, %sign3A_13 : i32
    %sign3A_15 = arith.extui %sign3A_14 : i1 to i32
    %sign3A_16 = arith.subi %sign3A_12, %sign3A_15 : i32
    %ne3A = arith.cmpi ne, %sign3A_9, %sign3A_16 : i32
    %rem3A = arith.remsi %sub3A_3, %jit3A : i32
    %ne3A_17 = arith.constant 0 : i32
    %ne3A_18 = arith.cmpi ne, %rem3A, %ne3A_17 : i32
    %and3A = arith.andi %ne3A, %ne3A_18 : i1
    %sub3A_19 = arith.constant 1 : i32
    %sub3A_20 = arith.subi %div3A, %sub3A_19 : i32
    %select_n3A = arith.select %and3A, %sub3A_20, %div3A : i32
    %min3A = arith.constant 20 : i32
    %min3A_21 = arith.minsi %select_n3A, %min3A : i32
    %mul3A_22 = arith.constant 10000 : i32
    %mul3A_23 = arith.muli %arg1, %mul3A_22 : i32
    %mul3A_24 = arith.constant 10000 : i32
    %mul3A_25 = arith.muli %arg1, %mul3A_24 : i32
    %dma_start3A = arith.constant 0 : i32
    %dma_start3A_26 = tpu.memref_slice %arg6[%mul3A_25] : memref<160000xf32, #tpu.memory_space<vmem_shared>> -> memref<10000xf32, #tpu.memory_space<vmem_shared>>
    %dma_start3A_27 = tpu.memref_slice %arg4[%dma_start3A, %mul3A_23] : memref<8x160000xf32, #tpu.memory_space<hbm>> -> memref<1x10000xf32, #tpu.memory_space<hbm>>
    %dma_start3A_28 = tpu.memref_squeeze %dma_start3A_27 : memref<1x10000xf32, #tpu.memory_space<hbm>> -> memref<10000xf32, #tpu.memory_space<hbm>>
    tpu.enqueue_dma source(%dma_start3A_28 : memref<10000xf32, #tpu.memory_space<hbm>>) target(%dma_start3A_26 : memref<10000xf32, #tpu.memory_space<vmem_shared>>) target_semaphore(%arg16 : memref<!tpu.dma_semaphore, #tpu.memory_space<semaphore_mem>>)
    %mul3A_29 = arith.constant 10000 : i32
    %mul3A_30 = arith.muli %arg1, %mul3A_29 : i32
    %mul3A_31 = arith.constant 10000 : i32
    %mul3A_32 = arith.muli %arg1, %mul3A_31 : i32
    %dma_start3A_33 = arith.constant 1 : i32
    %dma_start3A_34 = tpu.memref_slice %arg7[%mul3A_32] : memref<160000xf32, #tpu.memory_space<vmem_shared>> -> memref<10000xf32, #tpu.memory_space<vmem_shared>>
    %dma_start3A_35 = tpu.memref_slice %arg4[%dma_start3A_33, %mul3A_30] : memref<8x160000xf32, #tpu.memory_space<hbm>> -> memref<1x10000xf32, #tpu.memory_space<hbm>>
    %dma_start3A_36 = tpu.memref_squeeze %dma_start3A_35 : memref<1x10000xf32, #tpu.memory_space<hbm>> -> memref<10000xf32, #tpu.memory_space<hbm>>
    tpu.enqueue_dma source(%dma_start3A_36 : memref<10000xf32, #tpu.memory_space<hbm>>) target(%dma_start3A_34 : memref<10000xf32, #tpu.memory_space<vmem_shared>>) target_semaphore(%arg16 : memref<!tpu.dma_semaphore, #tpu.memory_space<semaphore_mem>>)
    %mul3A_37 = arith.constant 10000 : i32
    %mul3A_38 = arith.muli %arg1, %mul3A_37 : i32
    %mul3A_39 = arith.constant 10000 : i32
    %mul3A_40 = arith.muli %arg1, %mul3A_39 : i32
    %dma_start3A_41 = arith.constant 2 : i32
    %dma_start3A_42 = tpu.memref_slice %arg8[%mul3A_40] : memref<160000xf32, #tpu.memory_space<vmem_shared>> -> memref<10000xf32, #tpu.memory_space<vmem_shared>>
    %dma_start3A_43 = tpu.memref_slice %arg4[%dma_start3A_41, %mul3A_38] : memref<8x160000xf32, #tpu.memory_space<hbm>> -> memref<1x10000xf32, #tpu.memory_space<hbm>>
    %dma_start3A_44 = tpu.memref_squeeze %dma_start3A_43 : memref<1x10000xf32, #tpu.memory_space<hbm>> -> memref<10000xf32, #tpu.memory_space<hbm>>
    tpu.enqueue_dma source(%dma_start3A_44 : memref<10000xf32, #tpu.memory_space<hbm>>) target(%dma_start3A_42 : memref<10000xf32, #tpu.memory_space<vmem_shared>>) target_semaphore(%arg16 : memref<!tpu.dma_semaphore, #tpu.memory_space<semaphore_mem>>)
    %mul3A_45 = arith.constant 10000 : i32
    %mul3A_46 = arith.muli %arg1, %mul3A_45 : i32
    %mul3A_47 = arith.constant 10000 : i32
    %mul3A_48 = arith.muli %arg1, %mul3A_47 : i32
    %dma_start3A_49 = arith.constant 3 : i32
    %dma_start3A_50 = tpu.memref_slice %arg9[%mul3A_48] : memref<160000xf32, #tpu.memory_space<vmem_shared>> -> memref<10000xf32, #tpu.memory_space<vmem_shared>>
    %dma_start3A_51 = tpu.memref_slice %arg4[%dma_start3A_49, %mul3A_46] : memref<8x160000xf32, #tpu.memory_space<hbm>> -> memref<1x10000xf32, #tpu.memory_space<hbm>>
    %dma_start3A_52 = tpu.memref_squeeze %dma_start3A_51 : memref<1x10000xf32, #tpu.memory_space<hbm>> -> memref<10000xf32, #tpu.memory_space<hbm>>
    tpu.enqueue_dma source(%dma_start3A_52 : memref<10000xf32, #tpu.memory_space<hbm>>) target(%dma_start3A_50 : memref<10000xf32, #tpu.memory_space<vmem_shared>>) target_semaphore(%arg16 : memref<!tpu.dma_semaphore, #tpu.memory_space<semaphore_mem>>)
    %mul3A_53 = arith.constant 10000 : i32
    %mul3A_54 = arith.muli %arg1, %mul3A_53 : i32
    %mul3A_55 = arith.constant 10000 : i32
    %mul3A_56 = arith.muli %arg1, %mul3A_55 : i32
    %dma_start3A_57 = arith.constant 4 : i32
    %dma_start3A_58 = tpu.memref_slice %arg10[%mul3A_56] : memref<160000xf32, #tpu.memory_space<vmem_shared>> -> memref<10000xf32, #tpu.memory_space<vmem_shared>>
    %dma_start3A_59 = tpu.memref_slice %arg4[%dma_start3A_57, %mul3A_54] : memref<8x160000xf32, #tpu.memory_space<hbm>> -> memref<1x10000xf32, #tpu.memory_space<hbm>>
    %dma_start3A_60 = tpu.memref_squeeze %dma_start3A_59 : memref<1x10000xf32, #tpu.memory_space<hbm>> -> memref<10000xf32, #tpu.memory_space<hbm>>
    tpu.enqueue_dma source(%dma_start3A_60 : memref<10000xf32, #tpu.memory_space<hbm>>) target(%dma_start3A_58 : memref<10000xf32, #tpu.memory_space<vmem_shared>>) target_semaphore(%arg16 : memref<!tpu.dma_semaphore, #tpu.memory_space<semaphore_mem>>)
    %mul3A_61 = arith.constant 10000 : i32
    %mul3A_62 = arith.muli %arg1, %mul3A_61 : i32
    %mul3A_63 = arith.constant 10000 : i32
    %mul3A_64 = arith.muli %arg1, %mul3A_63 : i32
    %dma_start3A_65 = arith.constant 5 : i32
    %dma_start3A_66 = tpu.memref_slice %arg11[%mul3A_64] : memref<160000xf32, #tpu.memory_space<vmem_shared>> -> memref<10000xf32, #tpu.memory_space<vmem_shared>>
    %dma_start3A_67 = tpu.memref_slice %arg4[%dma_start3A_65, %mul3A_62] : memref<8x160000xf32, #tpu.memory_space<hbm>> -> memref<1x10000xf32, #tpu.memory_space<hbm>>
    %dma_start3A_68 = tpu.memref_squeeze %dma_start3A_67 : memref<1x10000xf32, #tpu.memory_space<hbm>> -> memref<10000xf32, #tpu.memory_space<hbm>>
    tpu.enqueue_dma source(%dma_start3A_68 : memref<10000xf32, #tpu.memory_space<hbm>>) target(%dma_start3A_66 : memref<10000xf32, #tpu.memory_space<vmem_shared>>) target_semaphore(%arg16 : memref<!tpu.dma_semaphore, #tpu.memory_space<semaphore_mem>>)
    %mul3A_69 = arith.constant 10000 : i32
    %mul3A_70 = arith.muli %arg1, %mul3A_69 : i32
    %mul3A_71 = arith.constant 10000 : i32
    %mul3A_72 = arith.muli %arg1, %mul3A_71 : i32
    %dma_start3A_73 = arith.constant 6 : i32
    %dma_start3A_74 = tpu.memref_slice %arg12[%mul3A_72] : memref<160000xf32, #tpu.memory_space<vmem_shared>> -> memref<10000xf32, #tpu.memory_space<vmem_shared>>
    %dma_start3A_75 = tpu.memref_slice %arg4[%dma_start3A_73, %mul3A_70] : memref<8x160000xf32, #tpu.memory_space<hbm>> -> memref<1x10000xf32, #tpu.memory_space<hbm>>
    %dma_start3A_76 = tpu.memref_squeeze %dma_start3A_75 : memref<1x10000xf32, #tpu.memory_space<hbm>> -> memref<10000xf32, #tpu.memory_space<hbm>>
    tpu.enqueue_dma source(%dma_start3A_76 : memref<10000xf32, #tpu.memory_space<hbm>>) target(%dma_start3A_74 : memref<10000xf32, #tpu.memory_space<vmem_shared>>) target_semaphore(%arg16 : memref<!tpu.dma_semaphore, #tpu.memory_space<semaphore_mem>>)
    %mul3A_77 = arith.constant 10000 : i32
    %mul3A_78 = arith.muli %arg1, %mul3A_77 : i32
    %mul3A_79 = arith.constant 10000 : i32
    %mul3A_80 = arith.muli %arg1, %mul3A_79 : i32
    %dma_start3A_81 = arith.constant 7 : i32
    %dma_start3A_82 = tpu.memref_slice %arg13[%mul3A_80] : memref<160000xf32, #tpu.memory_space<vmem_shared>> -> memref<10000xf32, #tpu.memory_space<vmem_shared>>
    %dma_start3A_83 = tpu.memref_slice %arg4[%dma_start3A_81, %mul3A_78] : memref<8x160000xf32, #tpu.memory_space<hbm>> -> memref<1x10000xf32, #tpu.memory_space<hbm>>
    %dma_start3A_84 = tpu.memref_squeeze %dma_start3A_83 : memref<1x10000xf32, #tpu.memory_space<hbm>> -> memref<10000xf32, #tpu.memory_space<hbm>>
    tpu.enqueue_dma source(%dma_start3A_84 : memref<10000xf32, #tpu.memory_space<hbm>>) target(%dma_start3A_82 : memref<10000xf32, #tpu.memory_space<vmem_shared>>) target_semaphore(%arg16 : memref<!tpu.dma_semaphore, #tpu.memory_space<semaphore_mem>>)
    %dma_wait3A = arith.constant 0 : i32
    %dma_wait3A_85 = tpu.memref_slice %arg6[%mul3A_25] : memref<160000xf32, #tpu.memory_space<vmem_shared>> -> memref<10000xf32, #tpu.memory_space<vmem_shared>>
    %dma_wait3A_86 = tpu.memref_slice %arg4[%dma_wait3A, %mul3A_23] : memref<8x160000xf32, #tpu.memory_space<hbm>> -> memref<1x10000xf32, #tpu.memory_space<hbm>>
    %dma_wait3A_87 = tpu.memref_squeeze %dma_wait3A_86 : memref<1x10000xf32, #tpu.memory_space<hbm>> -> memref<10000xf32, #tpu.memory_space<hbm>>
    tpu.wait_dma2 semaphore(%arg16 : memref<!tpu.dma_semaphore, #tpu.memory_space<semaphore_mem>>) src(%dma_wait3A_87 : memref<10000xf32, #tpu.memory_space<hbm>>) dst(%dma_wait3A_85 : memref<10000xf32, #tpu.memory_space<vmem_shared>>)
    %dma_wait3A_88 = arith.constant 1 : i32
    %dma_wait3A_89 = tpu.memref_slice %arg7[%mul3A_32] : memref<160000xf32, #tpu.memory_space<vmem_shared>> -> memref<10000xf32, #tpu.memory_space<vmem_shared>>
    %dma_wait3A_90 = tpu.memref_slice %arg4[%dma_wait3A_88, %mul3A_30] : memref<8x160000xf32, #tpu.memory_space<hbm>> -> memref<1x10000xf32, #tpu.memory_space<hbm>>
    %dma_wait3A_91 = tpu.memref_squeeze %dma_wait3A_90 : memref<1x10000xf32, #tpu.memory_space<hbm>> -> memref<10000xf32, #tpu.memory_space<hbm>>
    tpu.wait_dma2 semaphore(%arg16 : memref<!tpu.dma_semaphore, #tpu.memory_space<semaphore_mem>>) src(%dma_wait3A_91 : memref<10000xf32, #tpu.memory_space<hbm>>) dst(%dma_wait3A_89 : memref<10000xf32, #tpu.memory_space<vmem_shared>>)
    %dma_wait3A_92 = arith.constant 2 : i32
    %dma_wait3A_93 = tpu.memref_slice %arg8[%mul3A_40] : memref<160000xf32, #tpu.memory_space<vmem_shared>> -> memref<10000xf32, #tpu.memory_space<vmem_shared>>
    %dma_wait3A_94 = tpu.memref_slice %arg4[%dma_wait3A_92, %mul3A_38] : memref<8x160000xf32, #tpu.memory_space<hbm>> -> memref<1x10000xf32, #tpu.memory_space<hbm>>
    %dma_wait3A_95 = tpu.memref_squeeze %dma_wait3A_94 : memref<1x10000xf32, #tpu.memory_space<hbm>> -> memref<10000xf32, #tpu.memory_space<hbm>>
    tpu.wait_dma2 semaphore(%arg16 : memref<!tpu.dma_semaphore, #tpu.memory_space<semaphore_mem>>) src(%dma_wait3A_95 : memref<10000xf32, #tpu.memory_space<hbm>>) dst(%dma_wait3A_93 : memref<10000xf32, #tpu.memory_space<vmem_shared>>)
    %dma_wait3A_96 = arith.constant 3 : i32
    %dma_wait3A_97 = tpu.memref_slice %arg9[%mul3A_48] : memref<160000xf32, #tpu.memory_space<vmem_shared>> -> memref<10000xf32, #tpu.memory_space<vmem_shared>>
    %dma_wait3A_98 = tpu.memref_slice %arg4[%dma_wait3A_96, %mul3A_46] : memref<8x160000xf32, #tpu.memory_space<hbm>> -> memref<1x10000xf32, #tpu.memory_space<hbm>>
    %dma_wait3A_99 = tpu.memref_squeeze %dma_wait3A_98 : memref<1x10000xf32, #tpu.memory_space<hbm>> -> memref<10000xf32, #tpu.memory_space<hbm>>
    tpu.wait_dma2 semaphore(%arg16 : memref<!tpu.dma_semaphore, #tpu.memory_space<semaphore_mem>>) src(%dma_wait3A_99 : memref<10000xf32, #tpu.memory_space<hbm>>) dst(%dma_wait3A_97 : memref<10000xf32, #tpu.memory_space<vmem_shared>>)
    %dma_wait3A_100 = arith.constant 4 : i32
    %dma_wait3A_101 = tpu.memref_slice %arg10[%mul3A_56] : memref<160000xf32, #tpu.memory_space<vmem_shared>> -> memref<10000xf32, #tpu.memory_space<vmem_shared>>
    %dma_wait3A_102 = tpu.memref_slice %arg4[%dma_wait3A_100, %mul3A_54] : memref<8x160000xf32, #tpu.memory_space<hbm>> -> memref<1x10000xf32, #tpu.memory_space<hbm>>
    %dma_wait3A_103 = tpu.memref_squeeze %dma_wait3A_102 : memref<1x10000xf32, #tpu.memory_space<hbm>> -> memref<10000xf32, #tpu.memory_space<hbm>>
    tpu.wait_dma2 semaphore(%arg16 : memref<!tpu.dma_semaphore, #tpu.memory_space<semaphore_mem>>) src(%dma_wait3A_103 : memref<10000xf32, #tpu.memory_space<hbm>>) dst(%dma_wait3A_101 : memref<10000xf32, #tpu.memory_space<vmem_shared>>)
    %dma_wait3A_104 = arith.constant 5 : i32
    %dma_wait3A_105 = tpu.memref_slice %arg11[%mul3A_64] : memref<160000xf32, #tpu.memory_space<vmem_shared>> -> memref<10000xf32, #tpu.memory_space<vmem_shared>>
    %dma_wait3A_106 = tpu.memref_slice %arg4[%dma_wait3A_104, %mul3A_62] : memref<8x160000xf32, #tpu.memory_space<hbm>> -> memref<1x10000xf32, #tpu.memory_space<hbm>>
    %dma_wait3A_107 = tpu.memref_squeeze %dma_wait3A_106 : memref<1x10000xf32, #tpu.memory_space<hbm>> -> memref<10000xf32, #tpu.memory_space<hbm>>
    tpu.wait_dma2 semaphore(%arg16 : memref<!tpu.dma_semaphore, #tpu.memory_space<semaphore_mem>>) src(%dma_wait3A_107 : memref<10000xf32, #tpu.memory_space<hbm>>) dst(%dma_wait3A_105 : memref<10000xf32, #tpu.memory_space<vmem_shared>>)
    %dma_wait3A_108 = arith.constant 6 : i32
    %dma_wait3A_109 = tpu.memref_slice %arg12[%mul3A_72] : memref<160000xf32, #tpu.memory_space<vmem_shared>> -> memref<10000xf32, #tpu.memory_space<vmem_shared>>
    %dma_wait3A_110 = tpu.memref_slice %arg4[%dma_wait3A_108, %mul3A_70] : memref<8x160000xf32, #tpu.memory_space<hbm>> -> memref<1x10000xf32, #tpu.memory_space<hbm>>
    %dma_wait3A_111 = tpu.memref_squeeze %dma_wait3A_110 : memref<1x10000xf32, #tpu.memory_space<hbm>> -> memref<10000xf32, #tpu.memory_space<hbm>>
    tpu.wait_dma2 semaphore(%arg16 : memref<!tpu.dma_semaphore, #tpu.memory_space<semaphore_mem>>) src(%dma_wait3A_111 : memref<10000xf32, #tpu.memory_space<hbm>>) dst(%dma_wait3A_109 : memref<10000xf32, #tpu.memory_space<vmem_shared>>)
    %dma_wait3A_112 = arith.constant 7 : i32
    %dma_wait3A_113 = tpu.memref_slice %arg13[%mul3A_80] : memref<160000xf32, #tpu.memory_space<vmem_shared>> -> memref<10000xf32, #tpu.memory_space<vmem_shared>>
    %dma_wait3A_114 = tpu.memref_slice %arg4[%dma_wait3A_112, %mul3A_78] : memref<8x160000xf32, #tpu.memory_space<hbm>> -> memref<1x10000xf32, #tpu.memory_space<hbm>>
    %dma_wait3A_115 = tpu.memref_squeeze %dma_wait3A_114 : memref<1x10000xf32, #tpu.memory_space<hbm>> -> memref<10000xf32, #tpu.memory_space<hbm>>
    tpu.wait_dma2 semaphore(%arg16 : memref<!tpu.dma_semaphore, #tpu.memory_space<semaphore_mem>>) src(%dma_wait3A_115 : memref<10000xf32, #tpu.memory_space<hbm>>) dst(%dma_wait3A_113 : memref<10000xf32, #tpu.memory_space<vmem_shared>>)
    %barrier3A = arith.constant 0 : index
    tpu.barrier barrier_id(%barrier3A)
    "tpu.region"() ({
      %run_scoped3A_184 = tpu.sem_alloc : memref<!tpu.dma_semaphore, #tpu.memory_space<semaphore_mem>>
      %dma_start3A_185 = arith.constant 0 : i32
      %dma_start3A_186 = arith.constant 0 : i32
      %dma_start3A_187 = tpu.memref_slice %arg2[%add3A, %dma_start3A_185, %dma_start3A_186] : memref<32x80x128xi32, #tpu.memory_space<hbm>> -> memref<1x80x128xi32, #tpu.memory_space<hbm>>
      %dma_start3A_188 = tpu.memref_squeeze %dma_start3A_187 : memref<1x80x128xi32, #tpu.memory_space<hbm>> -> memref<80x128xi32, #tpu.memory_space<hbm>>
      %dma_start3A_189 = arith.constant 0 : i32
      %dma_start3A_190 = arith.constant 0 : i32
      %dma_start3A_191 = tpu.memref_slice %arg2[%add3A, %dma_start3A_189, %dma_start3A_190] : memref<32x80x128xi32, #tpu.memory_space<hbm>> -> memref<1x80x128xi32, #tpu.memory_space<hbm>>
      %dma_start3A_192 = tpu.memref_squeeze %dma_start3A_191 : memref<1x80x128xi32, #tpu.memory_space<hbm>> -> memref<80x128xi32, #tpu.memory_space<hbm>>
      tpu.enqueue_dma source(%dma_start3A_192 : memref<80x128xi32, #tpu.memory_space<hbm>>) target(%arg14 : memref<80x128xi32, #tpu.memory_space<vmem>>) target_semaphore(%run_scoped3A_184 : memref<!tpu.dma_semaphore, #tpu.memory_space<semaphore_mem>>)
      %dma_wait3A_193 = arith.constant 0 : i32
      %dma_wait3A_194 = arith.constant 0 : i32
      %dma_wait3A_195 = tpu.memref_slice %arg2[%add3A, %dma_wait3A_193, %dma_wait3A_194] : memref<32x80x128xi32, #tpu.memory_space<hbm>> -> memref<1x80x128xi32, #tpu.memory_space<hbm>>
      %dma_wait3A_196 = tpu.memref_squeeze %dma_wait3A_195 : memref<1x80x128xi32, #tpu.memory_space<hbm>> -> memref<80x128xi32, #tpu.memory_space<hbm>>
      %dma_wait3A_197 = arith.constant 0 : i32
      %dma_wait3A_198 = arith.constant 0 : i32
      %dma_wait3A_199 = tpu.memref_slice %arg2[%add3A, %dma_wait3A_197, %dma_wait3A_198] : memref<32x80x128xi32, #tpu.memory_space<hbm>> -> memref<1x80x128xi32, #tpu.memory_space<hbm>>
      %dma_wait3A_200 = tpu.memref_squeeze %dma_wait3A_199 : memref<1x80x128xi32, #tpu.memory_space<hbm>> -> memref<80x128xi32, #tpu.memory_space<hbm>>
      tpu.wait_dma2 semaphore(%run_scoped3A_184 : memref<!tpu.dma_semaphore, #tpu.memory_space<semaphore_mem>>) src(%dma_wait3A_200 : memref<80x128xi32, #tpu.memory_space<hbm>>) dst(%arg14 : memref<80x128xi32, #tpu.memory_space<vmem>>)
      tpu.yield
    }) : () -> ()
    %mul3A_116 = arith.constant 80 : i32
    %mul3A_117 = arith.muli %add3A, %mul3A_116 : i32
    %dma_start3A_118 = arith.constant 0 : i32
    %dma_start3A_119 = arith.constant 0 : i32
    %dma_start3A_120 = arith.constant 0 : i32
    %dma_start3A_121 = arith.constant 0 : i32
    %dma_start3A_122 = tpu.memref_slice %arg15[%dma_start3A_118, %dma_start3A_119, %dma_start3A_120, %dma_start3A_121] : memref<2x4x8x128xf32, #tpu.memory_space<vmem>> -> memref<1x4x8x128xf32, #tpu.memory_space<vmem>>
    %dma_start3A_123 = tpu.memref_squeeze %dma_start3A_122 : memref<1x4x8x128xf32, #tpu.memory_space<vmem>> -> memref<4x8x128xf32, #tpu.memory_space<vmem>>
    %dma_start3A_124 = arith.constant 0 : i32
    %dma_start3A_125 = arith.constant 0 : i32
    %dma_start3A_126 = tpu.memref_slice %arg3[%mul3A_117, %dma_start3A_124, %dma_start3A_125] : memref<2500x8x128xf32, #tpu.memory_space<hbm>> -> memref<4x8x128xf32, #tpu.memory_space<hbm>>
    %dma_start3A_127 = arith.constant 0 : i32
    %dma_start3A_128 = arith.constant 0 : i32
    %dma_start3A_129 = arith.constant 0 : i32
    %dma_start3A_130 = tpu.memref_slice %arg15[%dma_start3A_118, %dma_start3A_127, %dma_start3A_128, %dma_start3A_129] : memref<2x4x8x128xf32, #tpu.memory_space<vmem>> -> memref<1x4x8x128xf32, #tpu.memory_space<vmem>>
    %dma_start3A_131 = tpu.memref_squeeze %dma_start3A_130 : memref<1x4x8x128xf32, #tpu.memory_space<vmem>> -> memref<4x8x128xf32, #tpu.memory_space<vmem>>
    %dma_start3A_132 = arith.constant 0 : i32
    %dma_start3A_133 = arith.constant 0 : i32
    %dma_start3A_134 = tpu.memref_slice %arg3[%mul3A_117, %dma_start3A_132, %dma_start3A_133] : memref<2500x8x128xf32, #tpu.memory_space<hbm>> -> memref<4x8x128xf32, #tpu.memory_space<hbm>>
    tpu.enqueue_dma source(%dma_start3A_134 : memref<4x8x128xf32, #tpu.memory_space<hbm>>) target(%dma_start3A_131 : memref<4x8x128xf32, #tpu.memory_space<vmem>>) target_semaphore(%arg17 : memref<!tpu.dma_semaphore, #tpu.memory_space<semaphore_mem>>)
    %while3A = arith.constant 0 : i32
    %while3A_135 = arith.constant 0 : i32
    %while3A_136 = arith.subi %min3A_21, %while3A_135 : i32
    %while3A_137 = arith.addi %while3A_135, %while3A_136 : i32
    %while3A_138 = arith.constant 1 : i32
    %while3A_139 = arith.divsi %while3A_136, %while3A_138 : i32
    %while3A_140 = arith.muli %while3A_139, %while3A_138 : i32
    %while3A_141 = arith.addi %while3A_135, %while3A_140 : i32
    %while3A_142 = arith.constant 1 : i32
    scf.for %while3A_184 = %while3A_135 to %while3A_141 step %while3A_142  : i32 {
      %rem3A_185 = arith.constant 2 : i32
      %rem3A_186 = arith.remsi %while3A_184, %rem3A_185 : i32
      %mul3A_187 = arith.constant 4 : i32
      %mul3A_188 = arith.muli %while3A_184, %mul3A_187 : i32
      %add3A_189 = arith.addi %mul3A_117, %mul3A_188 : i32
      %dma_wait3A_190 = arith.constant 0 : i32
      %dma_wait3A_191 = arith.constant 0 : i32
      %dma_wait3A_192 = arith.constant 0 : i32
      %dma_wait3A_193 = tpu.memref_slice %arg15[%rem3A_186, %dma_wait3A_190, %dma_wait3A_191, %dma_wait3A_192] : memref<2x4x8x128xf32, #tpu.memory_space<vmem>> -> memref<1x4x8x128xf32, #tpu.memory_space<vmem>>
      %dma_wait3A_194 = tpu.memref_squeeze %dma_wait3A_193 : memref<1x4x8x128xf32, #tpu.memory_space<vmem>> -> memref<4x8x128xf32, #tpu.memory_space<vmem>>
      %dma_wait3A_195 = arith.constant 0 : i32
      %dma_wait3A_196 = arith.constant 0 : i32
      %dma_wait3A_197 = tpu.memref_slice %arg3[%add3A_189, %dma_wait3A_195, %dma_wait3A_196] : memref<2500x8x128xf32, #tpu.memory_space<hbm>> -> memref<4x8x128xf32, #tpu.memory_space<hbm>>
      %dma_wait3A_198 = arith.constant 0 : i32
      %dma_wait3A_199 = arith.constant 0 : i32
      %dma_wait3A_200 = arith.constant 0 : i32
      %dma_wait3A_201 = tpu.memref_slice %arg15[%rem3A_186, %dma_wait3A_198, %dma_wait3A_199, %dma_wait3A_200] : memref<2x4x8x128xf32, #tpu.memory_space<vmem>> -> memref<1x4x8x128xf32, #tpu.memory_space<vmem>>
      %dma_wait3A_202 = tpu.memref_squeeze %dma_wait3A_201 : memref<1x4x8x128xf32, #tpu.memory_space<vmem>> -> memref<4x8x128xf32, #tpu.memory_space<vmem>>
      %dma_wait3A_203 = arith.constant 0 : i32
      %dma_wait3A_204 = arith.constant 0 : i32
      %dma_wait3A_205 = tpu.memref_slice %arg3[%add3A_189, %dma_wait3A_203, %dma_wait3A_204] : memref<2500x8x128xf32, #tpu.memory_space<hbm>> -> memref<4x8x128xf32, #tpu.memory_space<hbm>>
      tpu.wait_dma2 semaphore(%arg17 : memref<!tpu.dma_semaphore, #tpu.memory_space<semaphore_mem>>) src(%dma_wait3A_205 : memref<4x8x128xf32, #tpu.memory_space<hbm>>) dst(%dma_wait3A_202 : memref<4x8x128xf32, #tpu.memory_space<vmem>>)
      %add3A_206 = arith.constant 1 : i32
      %add3A_207 = arith.addi %while3A_184, %add3A_206 : i32
      %lt3A = arith.cmpi slt, %add3A_207, %min3A_21 : i32
      %convert_element_type3A = arith.extui %lt3A : i1 to i32
      %cond3A = arith.constant 0 : i32
      %cond3A_208 = arith.cmpi ne, %convert_element_type3A, %cond3A : i32
      scf.if %cond3A_208 {
        %add3A_977 = arith.constant 1 : i32
        %add3A_978 = arith.addi %while3A_184, %add3A_977 : i32
        %mul3A_979 = arith.constant 4 : i32
        %mul3A_980 = arith.muli %add3A_978, %mul3A_979 : i32
        %add3A_981 = arith.addi %mul3A_117, %mul3A_980 : i32
        %add3A_982 = arith.constant 1 : i32
        %add3A_983 = arith.addi %while3A_184, %add3A_982 : i32
        %rem3A_984 = arith.constant 2 : i32
        %rem3A_985 = arith.remsi %add3A_983, %rem3A_984 : i32
        %dma_start3A_986 = arith.constant 0 : i32
        %dma_start3A_987 = arith.constant 0 : i32
        %dma_start3A_988 = arith.constant 0 : i32
        %dma_start3A_989 = tpu.memref_slice %arg15[%rem3A_985, %dma_start3A_986, %dma_start3A_987, %dma_start3A_988] : memref<2x4x8x128xf32, #tpu.memory_space<vmem>> -> memref<1x4x8x128xf32, #tpu.memory_space<vmem>>
        %dma_start3A_990 = tpu.memref_squeeze %dma_start3A_989 : memref<1x4x8x128xf32, #tpu.memory_space<vmem>> -> memref<4x8x128xf32, #tpu.memory_space<vmem>>
        %dma_start3A_991 = arith.constant 0 : i32
        %dma_start3A_992 = arith.constant 0 : i32
        %dma_start3A_993 = tpu.memref_slice %arg3[%add3A_981, %dma_start3A_991, %dma_start3A_992] : memref<2500x8x128xf32, #tpu.memory_space<hbm>> -> memref<4x8x128xf32, #tpu.memory_space<hbm>>
        %dma_start3A_994 = arith.constant 0 : i32
        %dma_start3A_995 = arith.constant 0 : i32
        %dma_start3A_996 = arith.constant 0 : i32
        %dma_start3A_997 = tpu.memref_slice %arg15[%rem3A_985, %dma_start3A_994, %dma_start3A_995, %dma_start3A_996] : memref<2x4x8x128xf32, #tpu.memory_space<vmem>> -> memref<1x4x8x128xf32, #tpu.memory_space<vmem>>
        %dma_start3A_998 = tpu.memref_squeeze %dma_start3A_997 : memref<1x4x8x128xf32, #tpu.memory_space<vmem>> -> memref<4x8x128xf32, #tpu.memory_space<vmem>>
        %dma_start3A_999 = arith.constant 0 : i32
        %dma_start3A_1000 = arith.constant 0 : i32
        %dma_start3A_1001 = tpu.memref_slice %arg3[%add3A_981, %dma_start3A_999, %dma_start3A_1000] : memref<2500x8x128xf32, #tpu.memory_space<hbm>> -> memref<4x8x128xf32, #tpu.memory_space<hbm>>
        tpu.enqueue_dma source(%dma_start3A_1001 : memref<4x8x128xf32, #tpu.memory_space<hbm>>) target(%dma_start3A_998 : memref<4x8x128xf32, #tpu.memory_space<vmem>>) target_semaphore(%arg17 : memref<!tpu.dma_semaphore, #tpu.memory_space<semaphore_mem>>)
      } else {
      }
      %mul3A_209 = arith.constant 4 : i32
      %mul3A_210 = arith.muli %while3A_184, %mul3A_209 : i32
      %add3A_211 = arith.constant 0 : i32
      %add3A_212 = arith.addi %mul3A_210, %add3A_211 : i32
      %dma_start3A_213 = arith.constant 0 : i32
      %dma_start3A_214 = arith.constant 0 : i32
      %dma_start3A_215 = arith.constant 0 : i32
      %dma_start3A_216 = tpu.memref_slice %arg15[%rem3A_186, %dma_start3A_213, %dma_start3A_214, %dma_start3A_215] : memref<2x4x8x128xf32, #tpu.memory_space<vmem>> -> memref<1x1x1x128xf32, #tpu.memory_space<vmem>>
      %dma_start3A_217 = tpu.memref_squeeze %dma_start3A_216 : memref<1x1x1x128xf32, #tpu.memory_space<vmem>> -> memref<128xf32, #tpu.memory_space<vmem>>
      %dma_start3A_218 = arith.constant 0 : i32
      %dma_start3A_219 = tpu.memref_slice %arg14[%add3A_212, %dma_start3A_218] : memref<80x128xi32, #tpu.memory_space<vmem>> -> memref<1x128xi32, #tpu.memory_space<vmem>>
      %dma_start3A_220 = tpu.memref_squeeze %dma_start3A_219 : memref<1x128xi32, #tpu.memory_space<vmem>> -> memref<128xi32, #tpu.memory_space<vmem>>
      %dma_start3A_221 = arith.constant 0 : i32
      %dma_start3A_222 = tpu.memref_slice %arg6[%dma_start3A_221] : memref<160000xf32, #tpu.memory_space<vmem_shared>> -> memref<160000xf32, #tpu.memory_space<vmem_shared>>
      tpu.enqueue_indirect_dma source(%dma_start3A_217 : memref<128xf32, #tpu.memory_space<vmem>>) target(%dma_start3A_222 : memref<160000xf32, #tpu.memory_space<vmem_shared>>) offsets(%dma_start3A_220 : memref<128xi32, #tpu.memory_space<vmem>>) semaphore(%arg16 : memref<!tpu.dma_semaphore, #tpu.memory_space<semaphore_mem>>) {add = true}
      %mul3A_223 = arith.constant 4 : i32
      %mul3A_224 = arith.muli %while3A_184, %mul3A_223 : i32
      %add3A_225 = arith.constant 0 : i32
      %add3A_226 = arith.addi %mul3A_224, %add3A_225 : i32
      %dma_start3A_227 = arith.constant 0 : i32
      %dma_start3A_228 = arith.constant 1 : i32
      %dma_start3A_229 = arith.constant 0 : i32
      %dma_start3A_230 = tpu.memref_slice %arg15[%rem3A_186, %dma_start3A_227, %dma_start3A_228, %dma_start3A_229] : memref<2x4x8x128xf32, #tpu.memory_space<vmem>> -> memref<1x1x1x128xf32, #tpu.memory_space<vmem>>
      %dma_start3A_231 = tpu.memref_squeeze %dma_start3A_230 : memref<1x1x1x128xf32, #tpu.memory_space<vmem>> -> memref<128xf32, #tpu.memory_space<vmem>>
      %dma_start3A_232 = arith.constant 0 : i32
      %dma_start3A_233 = tpu.memref_slice %arg14[%add3A_226, %dma_start3A_232] : memref<80x128xi32, #tpu.memory_space<vmem>> -> memref<1x128xi32, #tpu.memory_space<vmem>>
      %dma_start3A_234 = tpu.memref_squeeze %dma_start3A_233 : memref<1x128xi32, #tpu.memory_space<vmem>> -> memref<128xi32, #tpu.memory_space<vmem>>
      %dma_start3A_235 = arith.constant 0 : i32
      %dma_start3A_236 = tpu.memref_slice %arg7[%dma_start3A_235] : memref<160000xf32, #tpu.memory_space<vmem_shared>> -> memref<160000xf32, #tpu.memory_space<vmem_shared>>
      tpu.enqueue_indirect_dma source(%dma_start3A_231 : memref<128xf32, #tpu.memory_space<vmem>>) target(%dma_start3A_236 : memref<160000xf32, #tpu.memory_space<vmem_shared>>) offsets(%dma_start3A_234 : memref<128xi32, #tpu.memory_space<vmem>>) semaphore(%arg16 : memref<!tpu.dma_semaphore, #tpu.memory_space<semaphore_mem>>) {add = true}
      %mul3A_237 = arith.constant 4 : i32
      %mul3A_238 = arith.muli %while3A_184, %mul3A_237 : i32
      %add3A_239 = arith.constant 0 : i32
      %add3A_240 = arith.addi %mul3A_238, %add3A_239 : i32
      %dma_start3A_241 = arith.constant 0 : i32
      %dma_start3A_242 = arith.constant 2 : i32
      %dma_start3A_243 = arith.constant 0 : i32
      %dma_start3A_244 = tpu.memref_slice %arg15[%rem3A_186, %dma_start3A_241, %dma_start3A_242, %dma_start3A_243] : memref<2x4x8x128xf32, #tpu.memory_space<vmem>> -> memref<1x1x1x128xf32, #tpu.memory_space<vmem>>
      %dma_start3A_245 = tpu.memref_squeeze %dma_start3A_244 : memref<1x1x1x128xf32, #tpu.memory_space<vmem>> -> memref<128xf32, #tpu.memory_space<vmem>>
      %dma_start3A_246 = arith.constant 0 : i32
      %dma_start3A_247 = tpu.memref_slice %arg14[%add3A_240, %dma_start3A_246] : memref<80x128xi32, #tpu.memory_space<vmem>> -> memref<1x128xi32, #tpu.memory_space<vmem>>
      %dma_start3A_248 = tpu.memref_squeeze %dma_start3A_247 : memref<1x128xi32, #tpu.memory_space<vmem>> -> memref<128xi32, #tpu.memory_space<vmem>>
      %dma_start3A_249 = arith.constant 0 : i32
      %dma_start3A_250 = tpu.memref_slice %arg8[%dma_start3A_249] : memref<160000xf32, #tpu.memory_space<vmem_shared>> -> memref<160000xf32, #tpu.memory_space<vmem_shared>>
      tpu.enqueue_indirect_dma source(%dma_start3A_245 : memref<128xf32, #tpu.memory_space<vmem>>) target(%dma_start3A_250 : memref<160000xf32, #tpu.memory_space<vmem_shared>>) offsets(%dma_start3A_248 : memref<128xi32, #tpu.memory_space<vmem>>) semaphore(%arg16 : memref<!tpu.dma_semaphore, #tpu.memory_space<semaphore_mem>>) {add = true}
      %mul3A_251 = arith.constant 4 : i32
      %mul3A_252 = arith.muli %while3A_184, %mul3A_251 : i32
      %add3A_253 = arith.constant 0 : i32
      %add3A_254 = arith.addi %mul3A_252, %add3A_253 : i32
      %dma_start3A_255 = arith.constant 0 : i32
      %dma_start3A_256 = arith.constant 3 : i32
      %dma_start3A_257 = arith.constant 0 : i32
      %dma_start3A_258 = tpu.memref_slice %arg15[%rem3A_186, %dma_start3A_255, %dma_start3A_256, %dma_start3A_257] : memref<2x4x8x128xf32, #tpu.memory_space<vmem>> -> memref<1x1x1x128xf32, #tpu.memory_space<vmem>>
      %dma_start3A_259 = tpu.memref_squeeze %dma_start3A_258 : memref<1x1x1x128xf32, #tpu.memory_space<vmem>> -> memref<128xf32, #tpu.memory_space<vmem>>
      %dma_start3A_260 = arith.constant 0 : i32
      %dma_start3A_261 = tpu.memref_slice %arg14[%add3A_254, %dma_start3A_260] : memref<80x128xi32, #tpu.memory_space<vmem>> -> memref<1x128xi32, #tpu.memory_space<vmem>>
      %dma_start3A_262 = tpu.memref_squeeze %dma_start3A_261 : memref<1x128xi32, #tpu.memory_space<vmem>> -> memref<128xi32, #tpu.memory_space<vmem>>
      %dma_start3A_263 = arith.constant 0 : i32
      %dma_start3A_264 = tpu.memref_slice %arg9[%dma_start3A_263] : memref<160000xf32, #tpu.memory_space<vmem_shared>> -> memref<160000xf32, #tpu.memory_space<vmem_shared>>
      tpu.enqueue_indirect_dma source(%dma_start3A_259 : memref<128xf32, #tpu.memory_space<vmem>>) target(%dma_start3A_264 : memref<160000xf32, #tpu.memory_space<vmem_shared>>) offsets(%dma_start3A_262 : memref<128xi32, #tpu.memory_space<vmem>>) semaphore(%arg16 : memref<!tpu.dma_semaphore, #tpu.memory_space<semaphore_mem>>) {add = true}
      %mul3A_265 = arith.constant 4 : i32
      %mul3A_266 = arith.muli %while3A_184, %mul3A_265 : i32
      %add3A_267 = arith.constant 0 : i32
      %add3A_268 = arith.addi %mul3A_266, %add3A_267 : i32
      %dma_start3A_269 = arith.constant 0 : i32
      %dma_start3A_270 = arith.constant 4 : i32
      %dma_start3A_271 = arith.constant 0 : i32
      %dma_start3A_272 = tpu.memref_slice %arg15[%rem3A_186, %dma_start3A_269, %dma_start3A_270, %dma_start3A_271] : memref<2x4x8x128xf32, #tpu.memory_space<vmem>> -> memref<1x1x1x128xf32, #tpu.memory_space<vmem>>
      %dma_start3A_273 = tpu.memref_squeeze %dma_start3A_272 : memref<1x1x1x128xf32, #tpu.memory_space<vmem>> -> memref<128xf32, #tpu.memory_space<vmem>>
      %dma_start3A_274 = arith.constant 0 : i32
      %dma_start3A_275 = tpu.memref_slice %arg14[%add3A_268, %dma_start3A_274] : memref<80x128xi32, #tpu.memory_space<vmem>> -> memref<1x128xi32, #tpu.memory_space<vmem>>
      %dma_start3A_276 = tpu.memref_squeeze %dma_start3A_275 : memref<1x128xi32, #tpu.memory_space<vmem>> -> memref<128xi32, #tpu.memory_space<vmem>>
      %dma_start3A_277 = arith.constant 0 : i32
      %dma_start3A_278 = tpu.memref_slice %arg10[%dma_start3A_277] : memref<160000xf32, #tpu.memory_space<vmem_shared>> -> memref<160000xf32, #tpu.memory_space<vmem_shared>>
      tpu.enqueue_indirect_dma source(%dma_start3A_273 : memref<128xf32, #tpu.memory_space<vmem>>) target(%dma_start3A_278 : memref<160000xf32, #tpu.memory_space<vmem_shared>>) offsets(%dma_start3A_276 : memref<128xi32, #tpu.memory_space<vmem>>) semaphore(%arg16 : memref<!tpu.dma_semaphore, #tpu.memory_space<semaphore_mem>>) {add = true}
      %mul3A_279 = arith.constant 4 : i32
      %mul3A_280 = arith.muli %while3A_184, %mul3A_279 : i32
      %add3A_281 = arith.constant 0 : i32
      %add3A_282 = arith.addi %mul3A_280, %add3A_281 : i32
      %dma_start3A_283 = arith.constant 0 : i32
      %dma_start3A_284 = arith.constant 5 : i32
      %dma_start3A_285 = arith.constant 0 : i32
      %dma_start3A_286 = tpu.memref_slice %arg15[%rem3A_186, %dma_start3A_283, %dma_start3A_284, %dma_start3A_285] : memref<2x4x8x128xf32, #tpu.memory_space<vmem>> -> memref<1x1x1x128xf32, #tpu.memory_space<vmem>>
      %dma_start3A_287 = tpu.memref_squeeze %dma_start3A_286 : memref<1x1x1x128xf32, #tpu.memory_space<vmem>> -> memref<128xf32, #tpu.memory_space<vmem>>
      %dma_start3A_288 = arith.constant 0 : i32
      %dma_start3A_289 = tpu.memref_slice %arg14[%add3A_282, %dma_start3A_288] : memref<80x128xi32, #tpu.memory_space<vmem>> -> memref<1x128xi32, #tpu.memory_space<vmem>>
      %dma_start3A_290 = tpu.memref_squeeze %dma_start3A_289 : memref<1x128xi32, #tpu.memory_space<vmem>> -> memref<128xi32, #tpu.memory_space<vmem>>
      %dma_start3A_291 = arith.constant 0 : i32
      %dma_start3A_292 = tpu.memref_slice %arg11[%dma_start3A_291] : memref<160000xf32, #tpu.memory_space<vmem_shared>> -> memref<160000xf32, #tpu.memory_space<vmem_shared>>
      tpu.enqueue_indirect_dma source(%dma_start3A_287 : memref<128xf32, #tpu.memory_space<vmem>>) target(%dma_start3A_292 : memref<160000xf32, #tpu.memory_space<vmem_shared>>) offsets(%dma_start3A_290 : memref<128xi32, #tpu.memory_space<vmem>>) semaphore(%arg16 : memref<!tpu.dma_semaphore, #tpu.memory_space<semaphore_mem>>) {add = true}
      %mul3A_293 = arith.constant 4 : i32
      %mul3A_294 = arith.muli %while3A_184, %mul3A_293 : i32
      %add3A_295 = arith.constant 0 : i32
      %add3A_296 = arith.addi %mul3A_294, %add3A_295 : i32
      %dma_start3A_297 = arith.constant 0 : i32
      %dma_start3A_298 = arith.constant 6 : i32
      %dma_start3A_299 = arith.constant 0 : i32
      %dma_start3A_300 = tpu.memref_slice %arg15[%rem3A_186, %dma_start3A_297, %dma_start3A_298, %dma_start3A_299] : memref<2x4x8x128xf32, #tpu.memory_space<vmem>> -> memref<1x1x1x128xf32, #tpu.memory_space<vmem>>
      %dma_start3A_301 = tpu.memref_squeeze %dma_start3A_300 : memref<1x1x1x128xf32, #tpu.memory_space<vmem>> -> memref<128xf32, #tpu.memory_space<vmem>>
      %dma_start3A_302 = arith.constant 0 : i32
      %dma_start3A_303 = tpu.memref_slice %arg14[%add3A_296, %dma_start3A_302] : memref<80x128xi32, #tpu.memory_space<vmem>> -> memref<1x128xi32, #tpu.memory_space<vmem>>
      %dma_start3A_304 = tpu.memref_squeeze %dma_start3A_303 : memref<1x128xi32, #tpu.memory_space<vmem>> -> memref<128xi32, #tpu.memory_space<vmem>>
      %dma_start3A_305 = arith.constant 0 : i32
      %dma_start3A_306 = tpu.memref_slice %arg12[%dma_start3A_305] : memref<160000xf32, #tpu.memory_space<vmem_shared>> -> memref<160000xf32, #tpu.memory_space<vmem_shared>>
      tpu.enqueue_indirect_dma source(%dma_start3A_301 : memref<128xf32, #tpu.memory_space<vmem>>) target(%dma_start3A_306 : memref<160000xf32, #tpu.memory_space<vmem_shared>>) offsets(%dma_start3A_304 : memref<128xi32, #tpu.memory_space<vmem>>) semaphore(%arg16 : memref<!tpu.dma_semaphore, #tpu.memory_space<semaphore_mem>>) {add = true}
      %mul3A_307 = arith.constant 4 : i32
      %mul3A_308 = arith.muli %while3A_184, %mul3A_307 : i32
      %add3A_309 = arith.constant 0 : i32
      %add3A_310 = arith.addi %mul3A_308, %add3A_309 : i32
      %dma_start3A_311 = arith.constant 0 : i32
      %dma_start3A_312 = arith.constant 7 : i32
      %dma_start3A_313 = arith.constant 0 : i32
      %dma_start3A_314 = tpu.memref_slice %arg15[%rem3A_186, %dma_start3A_311, %dma_start3A_312, %dma_start3A_313] : memref<2x4x8x128xf32, #tpu.memory_space<vmem>> -> memref<1x1x1x128xf32, #tpu.memory_space<vmem>>
      %dma_start3A_315 = tpu.memref_squeeze %dma_start3A_314 : memref<1x1x1x128xf32, #tpu.memory_space<vmem>> -> memref<128xf32, #tpu.memory_space<vmem>>
      %dma_start3A_316 = arith.constant 0 : i32
      %dma_start3A_317 = tpu.memref_slice %arg14[%add3A_310, %dma_start3A_316] : memref<80x128xi32, #tpu.memory_space<vmem>> -> memref<1x128xi32, #tpu.memory_space<vmem>>
      %dma_start3A_318 = tpu.memref_squeeze %dma_start3A_317 : memref<1x128xi32, #tpu.memory_space<vmem>> -> memref<128xi32, #tpu.memory_space<vmem>>
      %dma_start3A_319 = arith.constant 0 : i32
      %dma_start3A_320 = tpu.memref_slice %arg13[%dma_start3A_319] : memref<160000xf32, #tpu.memory_space<vmem_shared>> -> memref<160000xf32, #tpu.memory_space<vmem_shared>>
      tpu.enqueue_indirect_dma source(%dma_start3A_315 : memref<128xf32, #tpu.memory_space<vmem>>) target(%dma_start3A_320 : memref<160000xf32, #tpu.memory_space<vmem_shared>>) offsets(%dma_start3A_318 : memref<128xi32, #tpu.memory_space<vmem>>) semaphore(%arg16 : memref<!tpu.dma_semaphore, #tpu.memory_space<semaphore_mem>>) {add = true}
      %mul3A_321 = arith.constant 4 : i32
      %mul3A_322 = arith.muli %while3A_184, %mul3A_321 : i32
      %add3A_323 = arith.constant 1 : i32
      %add3A_324 = arith.addi %mul3A_322, %add3A_323 : i32
      %dma_start3A_325 = arith.constant 1 : i32
      %dma_start3A_326 = arith.constant 0 : i32
      %dma_start3A_327 = arith.constant 0 : i32
      %dma_start3A_328 = tpu.memref_slice %arg15[%rem3A_186, %dma_start3A_325, %dma_start3A_326, %dma_start3A_327] : memref<2x4x8x128xf32, #tpu.memory_space<vmem>> -> memref<1x1x1x128xf32, #tpu.memory_space<vmem>>
      %dma_start3A_329 = tpu.memref_squeeze %dma_start3A_328 : memref<1x1x1x128xf32, #tpu.memory_space<vmem>> -> memref<128xf32, #tpu.memory_space<vmem>>
      %dma_start3A_330 = arith.constant 0 : i32
      %dma_start3A_331 = tpu.memref_slice %arg14[%add3A_324, %dma_start3A_330] : memref<80x128xi32, #tpu.memory_space<vmem>> -> memref<1x128xi32, #tpu.memory_space<vmem>>
      %dma_start3A_332 = tpu.memref_squeeze %dma_start3A_331 : memref<1x128xi32, #tpu.memory_space<vmem>> -> memref<128xi32, #tpu.memory_space<vmem>>
      %dma_start3A_333 = arith.constant 0 : i32
      %dma_start3A_334 = tpu.memref_slice %arg6[%dma_start3A_333] : memref<160000xf32, #tpu.memory_space<vmem_shared>> -> memref<160000xf32, #tpu.memory_space<vmem_shared>>
      tpu.enqueue_indirect_dma source(%dma_start3A_329 : memref<128xf32, #tpu.memory_space<vmem>>) target(%dma_start3A_334 : memref<160000xf32, #tpu.memory_space<vmem_shared>>) offsets(%dma_start3A_332 : memref<128xi32, #tpu.memory_space<vmem>>) semaphore(%arg16 : memref<!tpu.dma_semaphore, #tpu.memory_space<semaphore_mem>>) {add = true}
      %mul3A_335 = arith.constant 4 : i32
      %mul3A_336 = arith.muli %while3A_184, %mul3A_335 : i32
      %add3A_337 = arith.constant 1 : i32
      %add3A_338 = arith.addi %mul3A_336, %add3A_337 : i32
      %dma_start3A_339 = arith.constant 1 : i32
      %dma_start3A_340 = arith.constant 1 : i32
      %dma_start3A_341 = arith.constant 0 : i32
      %dma_start3A_342 = tpu.memref_slice %arg15[%rem3A_186, %dma_start3A_339, %dma_start3A_340, %dma_start3A_341] : memref<2x4x8x128xf32, #tpu.memory_space<vmem>> -> memref<1x1x1x128xf32, #tpu.memory_space<vmem>>
      %dma_start3A_343 = tpu.memref_squeeze %dma_start3A_342 : memref<1x1x1x128xf32, #tpu.memory_space<vmem>> -> memref<128xf32, #tpu.memory_space<vmem>>
      %dma_start3A_344 = arith.constant 0 : i32
      %dma_start3A_345 = tpu.memref_slice %arg14[%add3A_338, %dma_start3A_344] : memref<80x128xi32, #tpu.memory_space<vmem>> -> memref<1x128xi32, #tpu.memory_space<vmem>>
      %dma_start3A_346 = tpu.memref_squeeze %dma_start3A_345 : memref<1x128xi32, #tpu.memory_space<vmem>> -> memref<128xi32, #tpu.memory_space<vmem>>
      %dma_start3A_347 = arith.constant 0 : i32
      %dma_start3A_348 = tpu.memref_slice %arg7[%dma_start3A_347] : memref<160000xf32, #tpu.memory_space<vmem_shared>> -> memref<160000xf32, #tpu.memory_space<vmem_shared>>
      tpu.enqueue_indirect_dma source(%dma_start3A_343 : memref<128xf32, #tpu.memory_space<vmem>>) target(%dma_start3A_348 : memref<160000xf32, #tpu.memory_space<vmem_shared>>) offsets(%dma_start3A_346 : memref<128xi32, #tpu.memory_space<vmem>>) semaphore(%arg16 : memref<!tpu.dma_semaphore, #tpu.memory_space<semaphore_mem>>) {add = true}
      %mul3A_349 = arith.constant 4 : i32
      %mul3A_350 = arith.muli %while3A_184, %mul3A_349 : i32
      %add3A_351 = arith.constant 1 : i32
      %add3A_352 = arith.addi %mul3A_350, %add3A_351 : i32
      %dma_start3A_353 = arith.constant 1 : i32
      %dma_start3A_354 = arith.constant 2 : i32
      %dma_start3A_355 = arith.constant 0 : i32
      %dma_start3A_356 = tpu.memref_slice %arg15[%rem3A_186, %dma_start3A_353, %dma_start3A_354, %dma_start3A_355] : memref<2x4x8x128xf32, #tpu.memory_space<vmem>> -> memref<1x1x1x128xf32, #tpu.memory_space<vmem>>
      %dma_start3A_357 = tpu.memref_squeeze %dma_start3A_356 : memref<1x1x1x128xf32, #tpu.memory_space<vmem>> -> memref<128xf32, #tpu.memory_space<vmem>>
      %dma_start3A_358 = arith.constant 0 : i32
      %dma_start3A_359 = tpu.memref_slice %arg14[%add3A_352, %dma_start3A_358] : memref<80x128xi32, #tpu.memory_space<vmem>> -> memref<1x128xi32, #tpu.memory_space<vmem>>
      %dma_start3A_360 = tpu.memref_squeeze %dma_start3A_359 : memref<1x128xi32, #tpu.memory_space<vmem>> -> memref<128xi32, #tpu.memory_space<vmem>>
      %dma_start3A_361 = arith.constant 0 : i32
      %dma_start3A_362 = tpu.memref_slice %arg8[%dma_start3A_361] : memref<160000xf32, #tpu.memory_space<vmem_shared>> -> memref<160000xf32, #tpu.memory_space<vmem_shared>>
      tpu.enqueue_indirect_dma source(%dma_start3A_357 : memref<128xf32, #tpu.memory_space<vmem>>) target(%dma_start3A_362 : memref<160000xf32, #tpu.memory_space<vmem_shared>>) offsets(%dma_start3A_360 : memref<128xi32, #tpu.memory_space<vmem>>) semaphore(%arg16 : memref<!tpu.dma_semaphore, #tpu.memory_space<semaphore_mem>>) {add = true}
      %mul3A_363 = arith.constant 4 : i32
      %mul3A_364 = arith.muli %while3A_184, %mul3A_363 : i32
      %add3A_365 = arith.constant 1 : i32
      %add3A_366 = arith.addi %mul3A_364, %add3A_365 : i32
      %dma_start3A_367 = arith.constant 1 : i32
      %dma_start3A_368 = arith.constant 3 : i32
      %dma_start3A_369 = arith.constant 0 : i32
      %dma_start3A_370 = tpu.memref_slice %arg15[%rem3A_186, %dma_start3A_367, %dma_start3A_368, %dma_start3A_369] : memref<2x4x8x128xf32, #tpu.memory_space<vmem>> -> memref<1x1x1x128xf32, #tpu.memory_space<vmem>>
      %dma_start3A_371 = tpu.memref_squeeze %dma_start3A_370 : memref<1x1x1x128xf32, #tpu.memory_space<vmem>> -> memref<128xf32, #tpu.memory_space<vmem>>
      %dma_start3A_372 = arith.constant 0 : i32
      %dma_start3A_373 = tpu.memref_slice %arg14[%add3A_366, %dma_start3A_372] : memref<80x128xi32, #tpu.memory_space<vmem>> -> memref<1x128xi32, #tpu.memory_space<vmem>>
      %dma_start3A_374 = tpu.memref_squeeze %dma_start3A_373 : memref<1x128xi32, #tpu.memory_space<vmem>> -> memref<128xi32, #tpu.memory_space<vmem>>
      %dma_start3A_375 = arith.constant 0 : i32
      %dma_start3A_376 = tpu.memref_slice %arg9[%dma_start3A_375] : memref<160000xf32, #tpu.memory_space<vmem_shared>> -> memref<160000xf32, #tpu.memory_space<vmem_shared>>
      tpu.enqueue_indirect_dma source(%dma_start3A_371 : memref<128xf32, #tpu.memory_space<vmem>>) target(%dma_start3A_376 : memref<160000xf32, #tpu.memory_space<vmem_shared>>) offsets(%dma_start3A_374 : memref<128xi32, #tpu.memory_space<vmem>>) semaphore(%arg16 : memref<!tpu.dma_semaphore, #tpu.memory_space<semaphore_mem>>) {add = true}
      %mul3A_377 = arith.constant 4 : i32
      %mul3A_378 = arith.muli %while3A_184, %mul3A_377 : i32
      %add3A_379 = arith.constant 1 : i32
      %add3A_380 = arith.addi %mul3A_378, %add3A_379 : i32
      %dma_start3A_381 = arith.constant 1 : i32
      %dma_start3A_382 = arith.constant 4 : i32
      %dma_start3A_383 = arith.constant 0 : i32
      %dma_start3A_384 = tpu.memref_slice %arg15[%rem3A_186, %dma_start3A_381, %dma_start3A_382, %dma_start3A_383] : memref<2x4x8x128xf32, #tpu.memory_space<vmem>> -> memref<1x1x1x128xf32, #tpu.memory_space<vmem>>
      %dma_start3A_385 = tpu.memref_squeeze %dma_start3A_384 : memref<1x1x1x128xf32, #tpu.memory_space<vmem>> -> memref<128xf32, #tpu.memory_space<vmem>>
      %dma_start3A_386 = arith.constant 0 : i32
      %dma_start3A_387 = tpu.memref_slice %arg14[%add3A_380, %dma_start3A_386] : memref<80x128xi32, #tpu.memory_space<vmem>> -> memref<1x128xi32, #tpu.memory_space<vmem>>
      %dma_start3A_388 = tpu.memref_squeeze %dma_start3A_387 : memref<1x128xi32, #tpu.memory_space<vmem>> -> memref<128xi32, #tpu.memory_space<vmem>>
      %dma_start3A_389 = arith.constant 0 : i32
      %dma_start3A_390 = tpu.memref_slice %arg10[%dma_start3A_389] : memref<160000xf32, #tpu.memory_space<vmem_shared>> -> memref<160000xf32, #tpu.memory_space<vmem_shared>>
      tpu.enqueue_indirect_dma source(%dma_start3A_385 : memref<128xf32, #tpu.memory_space<vmem>>) target(%dma_start3A_390 : memref<160000xf32, #tpu.memory_space<vmem_shared>>) offsets(%dma_start3A_388 : memref<128xi32, #tpu.memory_space<vmem>>) semaphore(%arg16 : memref<!tpu.dma_semaphore, #tpu.memory_space<semaphore_mem>>) {add = true}
      %mul3A_391 = arith.constant 4 : i32
      %mul3A_392 = arith.muli %while3A_184, %mul3A_391 : i32
      %add3A_393 = arith.constant 1 : i32
      %add3A_394 = arith.addi %mul3A_392, %add3A_393 : i32
      %dma_start3A_395 = arith.constant 1 : i32
      %dma_start3A_396 = arith.constant 5 : i32
      %dma_start3A_397 = arith.constant 0 : i32
      %dma_start3A_398 = tpu.memref_slice %arg15[%rem3A_186, %dma_start3A_395, %dma_start3A_396, %dma_start3A_397] : memref<2x4x8x128xf32, #tpu.memory_space<vmem>> -> memref<1x1x1x128xf32, #tpu.memory_space<vmem>>
      %dma_start3A_399 = tpu.memref_squeeze %dma_start3A_398 : memref<1x1x1x128xf32, #tpu.memory_space<vmem>> -> memref<128xf32, #tpu.memory_space<vmem>>
      %dma_start3A_400 = arith.constant 0 : i32
      %dma_start3A_401 = tpu.memref_slice %arg14[%add3A_394, %dma_start3A_400] : memref<80x128xi32, #tpu.memory_space<vmem>> -> memref<1x128xi32, #tpu.memory_space<vmem>>
      %dma_start3A_402 = tpu.memref_squeeze %dma_start3A_401 : memref<1x128xi32, #tpu.memory_space<vmem>> -> memref<128xi32, #tpu.memory_space<vmem>>
      %dma_start3A_403 = arith.constant 0 : i32
      %dma_start3A_404 = tpu.memref_slice %arg11[%dma_start3A_403] : memref<160000xf32, #tpu.memory_space<vmem_shared>> -> memref<160000xf32, #tpu.memory_space<vmem_shared>>
      tpu.enqueue_indirect_dma source(%dma_start3A_399 : memref<128xf32, #tpu.memory_space<vmem>>) target(%dma_start3A_404 : memref<160000xf32, #tpu.memory_space<vmem_shared>>) offsets(%dma_start3A_402 : memref<128xi32, #tpu.memory_space<vmem>>) semaphore(%arg16 : memref<!tpu.dma_semaphore, #tpu.memory_space<semaphore_mem>>) {add = true}
      %mul3A_405 = arith.constant 4 : i32
      %mul3A_406 = arith.muli %while3A_184, %mul3A_405 : i32
      %add3A_407 = arith.constant 1 : i32
      %add3A_408 = arith.addi %mul3A_406, %add3A_407 : i32
      %dma_start3A_409 = arith.constant 1 : i32
      %dma_start3A_410 = arith.constant 6 : i32
      %dma_start3A_411 = arith.constant 0 : i32
      %dma_start3A_412 = tpu.memref_slice %arg15[%rem3A_186, %dma_start3A_409, %dma_start3A_410, %dma_start3A_411] : memref<2x4x8x128xf32, #tpu.memory_space<vmem>> -> memref<1x1x1x128xf32, #tpu.memory_space<vmem>>
      %dma_start3A_413 = tpu.memref_squeeze %dma_start3A_412 : memref<1x1x1x128xf32, #tpu.memory_space<vmem>> -> memref<128xf32, #tpu.memory_space<vmem>>
      %dma_start3A_414 = arith.constant 0 : i32
      %dma_start3A_415 = tpu.memref_slice %arg14[%add3A_408, %dma_start3A_414] : memref<80x128xi32, #tpu.memory_space<vmem>> -> memref<1x128xi32, #tpu.memory_space<vmem>>
      %dma_start3A_416 = tpu.memref_squeeze %dma_start3A_415 : memref<1x128xi32, #tpu.memory_space<vmem>> -> memref<128xi32, #tpu.memory_space<vmem>>
      %dma_start3A_417 = arith.constant 0 : i32
      %dma_start3A_418 = tpu.memref_slice %arg12[%dma_start3A_417] : memref<160000xf32, #tpu.memory_space<vmem_shared>> -> memref<160000xf32, #tpu.memory_space<vmem_shared>>
      tpu.enqueue_indirect_dma source(%dma_start3A_413 : memref<128xf32, #tpu.memory_space<vmem>>) target(%dma_start3A_418 : memref<160000xf32, #tpu.memory_space<vmem_shared>>) offsets(%dma_start3A_416 : memref<128xi32, #tpu.memory_space<vmem>>) semaphore(%arg16 : memref<!tpu.dma_semaphore, #tpu.memory_space<semaphore_mem>>) {add = true}
      %mul3A_419 = arith.constant 4 : i32
      %mul3A_420 = arith.muli %while3A_184, %mul3A_419 : i32
      %add3A_421 = arith.constant 1 : i32
      %add3A_422 = arith.addi %mul3A_420, %add3A_421 : i32
      %dma_start3A_423 = arith.constant 1 : i32
      %dma_start3A_424 = arith.constant 7 : i32
      %dma_start3A_425 = arith.constant 0 : i32
      %dma_start3A_426 = tpu.memref_slice %arg15[%rem3A_186, %dma_start3A_423, %dma_start3A_424, %dma_start3A_425] : memref<2x4x8x128xf32, #tpu.memory_space<vmem>> -> memref<1x1x1x128xf32, #tpu.memory_space<vmem>>
      %dma_start3A_427 = tpu.memref_squeeze %dma_start3A_426 : memref<1x1x1x128xf32, #tpu.memory_space<vmem>> -> memref<128xf32, #tpu.memory_space<vmem>>
      %dma_start3A_428 = arith.constant 0 : i32
      %dma_start3A_429 = tpu.memref_slice %arg14[%add3A_422, %dma_start3A_428] : memref<80x128xi32, #tpu.memory_space<vmem>> -> memref<1x128xi32, #tpu.memory_space<vmem>>
      %dma_start3A_430 = tpu.memref_squeeze %dma_start3A_429 : memref<1x128xi32, #tpu.memory_space<vmem>> -> memref<128xi32, #tpu.memory_space<vmem>>
      %dma_start3A_431 = arith.constant 0 : i32
      %dma_start3A_432 = tpu.memref_slice %arg13[%dma_start3A_431] : memref<160000xf32, #tpu.memory_space<vmem_shared>> -> memref<160000xf32, #tpu.memory_space<vmem_shared>>
      tpu.enqueue_indirect_dma source(%dma_start3A_427 : memref<128xf32, #tpu.memory_space<vmem>>) target(%dma_start3A_432 : memref<160000xf32, #tpu.memory_space<vmem_shared>>) offsets(%dma_start3A_430 : memref<128xi32, #tpu.memory_space<vmem>>) semaphore(%arg16 : memref<!tpu.dma_semaphore, #tpu.memory_space<semaphore_mem>>) {add = true}
      %mul3A_433 = arith.constant 4 : i32
      %mul3A_434 = arith.muli %while3A_184, %mul3A_433 : i32
      %add3A_435 = arith.constant 2 : i32
      %add3A_436 = arith.addi %mul3A_434, %add3A_435 : i32
      %dma_start3A_437 = arith.constant 2 : i32
      %dma_start3A_438 = arith.constant 0 : i32
      %dma_start3A_439 = arith.constant 0 : i32
      %dma_start3A_440 = tpu.memref_slice %arg15[%rem3A_186, %dma_start3A_437, %dma_start3A_438, %dma_start3A_439] : memref<2x4x8x128xf32, #tpu.memory_space<vmem>> -> memref<1x1x1x128xf32, #tpu.memory_space<vmem>>
      %dma_start3A_441 = tpu.memref_squeeze %dma_start3A_440 : memref<1x1x1x128xf32, #tpu.memory_space<vmem>> -> memref<128xf32, #tpu.memory_space<vmem>>
      %dma_start3A_442 = arith.constant 0 : i32
      %dma_start3A_443 = tpu.memref_slice %arg14[%add3A_436, %dma_start3A_442] : memref<80x128xi32, #tpu.memory_space<vmem>> -> memref<1x128xi32, #tpu.memory_space<vmem>>
      %dma_start3A_444 = tpu.memref_squeeze %dma_start3A_443 : memref<1x128xi32, #tpu.memory_space<vmem>> -> memref<128xi32, #tpu.memory_space<vmem>>
      %dma_start3A_445 = arith.constant 0 : i32
      %dma_start3A_446 = tpu.memref_slice %arg6[%dma_start3A_445] : memref<160000xf32, #tpu.memory_space<vmem_shared>> -> memref<160000xf32, #tpu.memory_space<vmem_shared>>
      tpu.enqueue_indirect_dma source(%dma_start3A_441 : memref<128xf32, #tpu.memory_space<vmem>>) target(%dma_start3A_446 : memref<160000xf32, #tpu.memory_space<vmem_shared>>) offsets(%dma_start3A_444 : memref<128xi32, #tpu.memory_space<vmem>>) semaphore(%arg16 : memref<!tpu.dma_semaphore, #tpu.memory_space<semaphore_mem>>) {add = true}
      %mul3A_447 = arith.constant 4 : i32
      %mul3A_448 = arith.muli %while3A_184, %mul3A_447 : i32
      %add3A_449 = arith.constant 2 : i32
      %add3A_450 = arith.addi %mul3A_448, %add3A_449 : i32
      %dma_start3A_451 = arith.constant 2 : i32
      %dma_start3A_452 = arith.constant 1 : i32
      %dma_start3A_453 = arith.constant 0 : i32
      %dma_start3A_454 = tpu.memref_slice %arg15[%rem3A_186, %dma_start3A_451, %dma_start3A_452, %dma_start3A_453] : memref<2x4x8x128xf32, #tpu.memory_space<vmem>> -> memref<1x1x1x128xf32, #tpu.memory_space<vmem>>
      %dma_start3A_455 = tpu.memref_squeeze %dma_start3A_454 : memref<1x1x1x128xf32, #tpu.memory_space<vmem>> -> memref<128xf32, #tpu.memory_space<vmem>>
      %dma_start3A_456 = arith.constant 0 : i32
      %dma_start3A_457 = tpu.memref_slice %arg14[%add3A_450, %dma_start3A_456] : memref<80x128xi32, #tpu.memory_space<vmem>> -> memref<1x128xi32, #tpu.memory_space<vmem>>
      %dma_start3A_458 = tpu.memref_squeeze %dma_start3A_457 : memref<1x128xi32, #tpu.memory_space<vmem>> -> memref<128xi32, #tpu.memory_space<vmem>>
      %dma_start3A_459 = arith.constant 0 : i32
      %dma_start3A_460 = tpu.memref_slice %arg7[%dma_start3A_459] : memref<160000xf32, #tpu.memory_space<vmem_shared>> -> memref<160000xf32, #tpu.memory_space<vmem_shared>>
      tpu.enqueue_indirect_dma source(%dma_start3A_455 : memref<128xf32, #tpu.memory_space<vmem>>) target(%dma_start3A_460 : memref<160000xf32, #tpu.memory_space<vmem_shared>>) offsets(%dma_start3A_458 : memref<128xi32, #tpu.memory_space<vmem>>) semaphore(%arg16 : memref<!tpu.dma_semaphore, #tpu.memory_space<semaphore_mem>>) {add = true}
      %mul3A_461 = arith.constant 4 : i32
      %mul3A_462 = arith.muli %while3A_184, %mul3A_461 : i32
      %add3A_463 = arith.constant 2 : i32
      %add3A_464 = arith.addi %mul3A_462, %add3A_463 : i32
      %dma_start3A_465 = arith.constant 2 : i32
      %dma_start3A_466 = arith.constant 2 : i32
      %dma_start3A_467 = arith.constant 0 : i32
      %dma_start3A_468 = tpu.memref_slice %arg15[%rem3A_186, %dma_start3A_465, %dma_start3A_466, %dma_start3A_467] : memref<2x4x8x128xf32, #tpu.memory_space<vmem>> -> memref<1x1x1x128xf32, #tpu.memory_space<vmem>>
      %dma_start3A_469 = tpu.memref_squeeze %dma_start3A_468 : memref<1x1x1x128xf32, #tpu.memory_space<vmem>> -> memref<128xf32, #tpu.memory_space<vmem>>
      %dma_start3A_470 = arith.constant 0 : i32
      %dma_start3A_471 = tpu.memref_slice %arg14[%add3A_464, %dma_start3A_470] : memref<80x128xi32, #tpu.memory_space<vmem>> -> memref<1x128xi32, #tpu.memory_space<vmem>>
      %dma_start3A_472 = tpu.memref_squeeze %dma_start3A_471 : memref<1x128xi32, #tpu.memory_space<vmem>> -> memref<128xi32, #tpu.memory_space<vmem>>
      %dma_start3A_473 = arith.constant 0 : i32
      %dma_start3A_474 = tpu.memref_slice %arg8[%dma_start3A_473] : memref<160000xf32, #tpu.memory_space<vmem_shared>> -> memref<160000xf32, #tpu.memory_space<vmem_shared>>
      tpu.enqueue_indirect_dma source(%dma_start3A_469 : memref<128xf32, #tpu.memory_space<vmem>>) target(%dma_start3A_474 : memref<160000xf32, #tpu.memory_space<vmem_shared>>) offsets(%dma_start3A_472 : memref<128xi32, #tpu.memory_space<vmem>>) semaphore(%arg16 : memref<!tpu.dma_semaphore, #tpu.memory_space<semaphore_mem>>) {add = true}
      %mul3A_475 = arith.constant 4 : i32
      %mul3A_476 = arith.muli %while3A_184, %mul3A_475 : i32
      %add3A_477 = arith.constant 2 : i32
      %add3A_478 = arith.addi %mul3A_476, %add3A_477 : i32
      %dma_start3A_479 = arith.constant 2 : i32
      %dma_start3A_480 = arith.constant 3 : i32
      %dma_start3A_481 = arith.constant 0 : i32
      %dma_start3A_482 = tpu.memref_slice %arg15[%rem3A_186, %dma_start3A_479, %dma_start3A_480, %dma_start3A_481] : memref<2x4x8x128xf32, #tpu.memory_space<vmem>> -> memref<1x1x1x128xf32, #tpu.memory_space<vmem>>
      %dma_start3A_483 = tpu.memref_squeeze %dma_start3A_482 : memref<1x1x1x128xf32, #tpu.memory_space<vmem>> -> memref<128xf32, #tpu.memory_space<vmem>>
      %dma_start3A_484 = arith.constant 0 : i32
      %dma_start3A_485 = tpu.memref_slice %arg14[%add3A_478, %dma_start3A_484] : memref<80x128xi32, #tpu.memory_space<vmem>> -> memref<1x128xi32, #tpu.memory_space<vmem>>
      %dma_start3A_486 = tpu.memref_squeeze %dma_start3A_485 : memref<1x128xi32, #tpu.memory_space<vmem>> -> memref<128xi32, #tpu.memory_space<vmem>>
      %dma_start3A_487 = arith.constant 0 : i32
      %dma_start3A_488 = tpu.memref_slice %arg9[%dma_start3A_487] : memref<160000xf32, #tpu.memory_space<vmem_shared>> -> memref<160000xf32, #tpu.memory_space<vmem_shared>>
      tpu.enqueue_indirect_dma source(%dma_start3A_483 : memref<128xf32, #tpu.memory_space<vmem>>) target(%dma_start3A_488 : memref<160000xf32, #tpu.memory_space<vmem_shared>>) offsets(%dma_start3A_486 : memref<128xi32, #tpu.memory_space<vmem>>) semaphore(%arg16 : memref<!tpu.dma_semaphore, #tpu.memory_space<semaphore_mem>>) {add = true}
      %mul3A_489 = arith.constant 4 : i32
      %mul3A_490 = arith.muli %while3A_184, %mul3A_489 : i32
      %add3A_491 = arith.constant 2 : i32
      %add3A_492 = arith.addi %mul3A_490, %add3A_491 : i32
      %dma_start3A_493 = arith.constant 2 : i32
      %dma_start3A_494 = arith.constant 4 : i32
      %dma_start3A_495 = arith.constant 0 : i32
      %dma_start3A_496 = tpu.memref_slice %arg15[%rem3A_186, %dma_start3A_493, %dma_start3A_494, %dma_start3A_495] : memref<2x4x8x128xf32, #tpu.memory_space<vmem>> -> memref<1x1x1x128xf32, #tpu.memory_space<vmem>>
      %dma_start3A_497 = tpu.memref_squeeze %dma_start3A_496 : memref<1x1x1x128xf32, #tpu.memory_space<vmem>> -> memref<128xf32, #tpu.memory_space<vmem>>
      %dma_start3A_498 = arith.constant 0 : i32
      %dma_start3A_499 = tpu.memref_slice %arg14[%add3A_492, %dma_start3A_498] : memref<80x128xi32, #tpu.memory_space<vmem>> -> memref<1x128xi32, #tpu.memory_space<vmem>>
      %dma_start3A_500 = tpu.memref_squeeze %dma_start3A_499 : memref<1x128xi32, #tpu.memory_space<vmem>> -> memref<128xi32, #tpu.memory_space<vmem>>
      %dma_start3A_501 = arith.constant 0 : i32
      %dma_start3A_502 = tpu.memref_slice %arg10[%dma_start3A_501] : memref<160000xf32, #tpu.memory_space<vmem_shared>> -> memref<160000xf32, #tpu.memory_space<vmem_shared>>
      tpu.enqueue_indirect_dma source(%dma_start3A_497 : memref<128xf32, #tpu.memory_space<vmem>>) target(%dma_start3A_502 : memref<160000xf32, #tpu.memory_space<vmem_shared>>) offsets(%dma_start3A_500 : memref<128xi32, #tpu.memory_space<vmem>>) semaphore(%arg16 : memref<!tpu.dma_semaphore, #tpu.memory_space<semaphore_mem>>) {add = true}
      %mul3A_503 = arith.constant 4 : i32
      %mul3A_504 = arith.muli %while3A_184, %mul3A_503 : i32
      %add3A_505 = arith.constant 2 : i32
      %add3A_506 = arith.addi %mul3A_504, %add3A_505 : i32
      %dma_start3A_507 = arith.constant 2 : i32
      %dma_start3A_508 = arith.constant 5 : i32
      %dma_start3A_509 = arith.constant 0 : i32
      %dma_start3A_510 = tpu.memref_slice %arg15[%rem3A_186, %dma_start3A_507, %dma_start3A_508, %dma_start3A_509] : memref<2x4x8x128xf32, #tpu.memory_space<vmem>> -> memref<1x1x1x128xf32, #tpu.memory_space<vmem>>
      %dma_start3A_511 = tpu.memref_squeeze %dma_start3A_510 : memref<1x1x1x128xf32, #tpu.memory_space<vmem>> -> memref<128xf32, #tpu.memory_space<vmem>>
      %dma_start3A_512 = arith.constant 0 : i32
      %dma_start3A_513 = tpu.memref_slice %arg14[%add3A_506, %dma_start3A_512] : memref<80x128xi32, #tpu.memory_space<vmem>> -> memref<1x128xi32, #tpu.memory_space<vmem>>
      %dma_start3A_514 = tpu.memref_squeeze %dma_start3A_513 : memref<1x128xi32, #tpu.memory_space<vmem>> -> memref<128xi32, #tpu.memory_space<vmem>>
      %dma_start3A_515 = arith.constant 0 : i32
      %dma_start3A_516 = tpu.memref_slice %arg11[%dma_start3A_515] : memref<160000xf32, #tpu.memory_space<vmem_shared>> -> memref<160000xf32, #tpu.memory_space<vmem_shared>>
      tpu.enqueue_indirect_dma source(%dma_start3A_511 : memref<128xf32, #tpu.memory_space<vmem>>) target(%dma_start3A_516 : memref<160000xf32, #tpu.memory_space<vmem_shared>>) offsets(%dma_start3A_514 : memref<128xi32, #tpu.memory_space<vmem>>) semaphore(%arg16 : memref<!tpu.dma_semaphore, #tpu.memory_space<semaphore_mem>>) {add = true}
      %mul3A_517 = arith.constant 4 : i32
      %mul3A_518 = arith.muli %while3A_184, %mul3A_517 : i32
      %add3A_519 = arith.constant 2 : i32
      %add3A_520 = arith.addi %mul3A_518, %add3A_519 : i32
      %dma_start3A_521 = arith.constant 2 : i32
      %dma_start3A_522 = arith.constant 6 : i32
      %dma_start3A_523 = arith.constant 0 : i32
      %dma_start3A_524 = tpu.memref_slice %arg15[%rem3A_186, %dma_start3A_521, %dma_start3A_522, %dma_start3A_523] : memref<2x4x8x128xf32, #tpu.memory_space<vmem>> -> memref<1x1x1x128xf32, #tpu.memory_space<vmem>>
      %dma_start3A_525 = tpu.memref_squeeze %dma_start3A_524 : memref<1x1x1x128xf32, #tpu.memory_space<vmem>> -> memref<128xf32, #tpu.memory_space<vmem>>
      %dma_start3A_526 = arith.constant 0 : i32
      %dma_start3A_527 = tpu.memref_slice %arg14[%add3A_520, %dma_start3A_526] : memref<80x128xi32, #tpu.memory_space<vmem>> -> memref<1x128xi32, #tpu.memory_space<vmem>>
      %dma_start3A_528 = tpu.memref_squeeze %dma_start3A_527 : memref<1x128xi32, #tpu.memory_space<vmem>> -> memref<128xi32, #tpu.memory_space<vmem>>
      %dma_start3A_529 = arith.constant 0 : i32
      %dma_start3A_530 = tpu.memref_slice %arg12[%dma_start3A_529] : memref<160000xf32, #tpu.memory_space<vmem_shared>> -> memref<160000xf32, #tpu.memory_space<vmem_shared>>
      tpu.enqueue_indirect_dma source(%dma_start3A_525 : memref<128xf32, #tpu.memory_space<vmem>>) target(%dma_start3A_530 : memref<160000xf32, #tpu.memory_space<vmem_shared>>) offsets(%dma_start3A_528 : memref<128xi32, #tpu.memory_space<vmem>>) semaphore(%arg16 : memref<!tpu.dma_semaphore, #tpu.memory_space<semaphore_mem>>) {add = true}
      %mul3A_531 = arith.constant 4 : i32
      %mul3A_532 = arith.muli %while3A_184, %mul3A_531 : i32
      %add3A_533 = arith.constant 2 : i32
      %add3A_534 = arith.addi %mul3A_532, %add3A_533 : i32
      %dma_start3A_535 = arith.constant 2 : i32
      %dma_start3A_536 = arith.constant 7 : i32
      %dma_start3A_537 = arith.constant 0 : i32
      %dma_start3A_538 = tpu.memref_slice %arg15[%rem3A_186, %dma_start3A_535, %dma_start3A_536, %dma_start3A_537] : memref<2x4x8x128xf32, #tpu.memory_space<vmem>> -> memref<1x1x1x128xf32, #tpu.memory_space<vmem>>
      %dma_start3A_539 = tpu.memref_squeeze %dma_start3A_538 : memref<1x1x1x128xf32, #tpu.memory_space<vmem>> -> memref<128xf32, #tpu.memory_space<vmem>>
      %dma_start3A_540 = arith.constant 0 : i32
      %dma_start3A_541 = tpu.memref_slice %arg14[%add3A_534, %dma_start3A_540] : memref<80x128xi32, #tpu.memory_space<vmem>> -> memref<1x128xi32, #tpu.memory_space<vmem>>
      %dma_start3A_542 = tpu.memref_squeeze %dma_start3A_541 : memref<1x128xi32, #tpu.memory_space<vmem>> -> memref<128xi32, #tpu.memory_space<vmem>>
      %dma_start3A_543 = arith.constant 0 : i32
      %dma_start3A_544 = tpu.memref_slice %arg13[%dma_start3A_543] : memref<160000xf32, #tpu.memory_space<vmem_shared>> -> memref<160000xf32, #tpu.memory_space<vmem_shared>>
      tpu.enqueue_indirect_dma source(%dma_start3A_539 : memref<128xf32, #tpu.memory_space<vmem>>) target(%dma_start3A_544 : memref<160000xf32, #tpu.memory_space<vmem_shared>>) offsets(%dma_start3A_542 : memref<128xi32, #tpu.memory_space<vmem>>) semaphore(%arg16 : memref<!tpu.dma_semaphore, #tpu.memory_space<semaphore_mem>>) {add = true}
      %mul3A_545 = arith.constant 4 : i32
      %mul3A_546 = arith.muli %while3A_184, %mul3A_545 : i32
      %add3A_547 = arith.constant 3 : i32
      %add3A_548 = arith.addi %mul3A_546, %add3A_547 : i32
      %dma_start3A_549 = arith.constant 3 : i32
      %dma_start3A_550 = arith.constant 0 : i32
      %dma_start3A_551 = arith.constant 0 : i32
      %dma_start3A_552 = tpu.memref_slice %arg15[%rem3A_186, %dma_start3A_549, %dma_start3A_550, %dma_start3A_551] : memref<2x4x8x128xf32, #tpu.memory_space<vmem>> -> memref<1x1x1x128xf32, #tpu.memory_space<vmem>>
      %dma_start3A_553 = tpu.memref_squeeze %dma_start3A_552 : memref<1x1x1x128xf32, #tpu.memory_space<vmem>> -> memref<128xf32, #tpu.memory_space<vmem>>
      %dma_start3A_554 = arith.constant 0 : i32
      %dma_start3A_555 = tpu.memref_slice %arg14[%add3A_548, %dma_start3A_554] : memref<80x128xi32, #tpu.memory_space<vmem>> -> memref<1x128xi32, #tpu.memory_space<vmem>>
      %dma_start3A_556 = tpu.memref_squeeze %dma_start3A_555 : memref<1x128xi32, #tpu.memory_space<vmem>> -> memref<128xi32, #tpu.memory_space<vmem>>
      %dma_start3A_557 = arith.constant 0 : i32
      %dma_start3A_558 = tpu.memref_slice %arg6[%dma_start3A_557] : memref<160000xf32, #tpu.memory_space<vmem_shared>> -> memref<160000xf32, #tpu.memory_space<vmem_shared>>
      tpu.enqueue_indirect_dma source(%dma_start3A_553 : memref<128xf32, #tpu.memory_space<vmem>>) target(%dma_start3A_558 : memref<160000xf32, #tpu.memory_space<vmem_shared>>) offsets(%dma_start3A_556 : memref<128xi32, #tpu.memory_space<vmem>>) semaphore(%arg16 : memref<!tpu.dma_semaphore, #tpu.memory_space<semaphore_mem>>) {add = true}
      %mul3A_559 = arith.constant 4 : i32
      %mul3A_560 = arith.muli %while3A_184, %mul3A_559 : i32
      %add3A_561 = arith.constant 3 : i32
      %add3A_562 = arith.addi %mul3A_560, %add3A_561 : i32
      %dma_start3A_563 = arith.constant 3 : i32
      %dma_start3A_564 = arith.constant 1 : i32
      %dma_start3A_565 = arith.constant 0 : i32
      %dma_start3A_566 = tpu.memref_slice %arg15[%rem3A_186, %dma_start3A_563, %dma_start3A_564, %dma_start3A_565] : memref<2x4x8x128xf32, #tpu.memory_space<vmem>> -> memref<1x1x1x128xf32, #tpu.memory_space<vmem>>
      %dma_start3A_567 = tpu.memref_squeeze %dma_start3A_566 : memref<1x1x1x128xf32, #tpu.memory_space<vmem>> -> memref<128xf32, #tpu.memory_space<vmem>>
      %dma_start3A_568 = arith.constant 0 : i32
      %dma_start3A_569 = tpu.memref_slice %arg14[%add3A_562, %dma_start3A_568] : memref<80x128xi32, #tpu.memory_space<vmem>> -> memref<1x128xi32, #tpu.memory_space<vmem>>
      %dma_start3A_570 = tpu.memref_squeeze %dma_start3A_569 : memref<1x128xi32, #tpu.memory_space<vmem>> -> memref<128xi32, #tpu.memory_space<vmem>>
      %dma_start3A_571 = arith.constant 0 : i32
      %dma_start3A_572 = tpu.memref_slice %arg7[%dma_start3A_571] : memref<160000xf32, #tpu.memory_space<vmem_shared>> -> memref<160000xf32, #tpu.memory_space<vmem_shared>>
      tpu.enqueue_indirect_dma source(%dma_start3A_567 : memref<128xf32, #tpu.memory_space<vmem>>) target(%dma_start3A_572 : memref<160000xf32, #tpu.memory_space<vmem_shared>>) offsets(%dma_start3A_570 : memref<128xi32, #tpu.memory_space<vmem>>) semaphore(%arg16 : memref<!tpu.dma_semaphore, #tpu.memory_space<semaphore_mem>>) {add = true}
      %mul3A_573 = arith.constant 4 : i32
      %mul3A_574 = arith.muli %while3A_184, %mul3A_573 : i32
      %add3A_575 = arith.constant 3 : i32
      %add3A_576 = arith.addi %mul3A_574, %add3A_575 : i32
      %dma_start3A_577 = arith.constant 3 : i32
      %dma_start3A_578 = arith.constant 2 : i32
      %dma_start3A_579 = arith.constant 0 : i32
      %dma_start3A_580 = tpu.memref_slice %arg15[%rem3A_186, %dma_start3A_577, %dma_start3A_578, %dma_start3A_579] : memref<2x4x8x128xf32, #tpu.memory_space<vmem>> -> memref<1x1x1x128xf32, #tpu.memory_space<vmem>>
      %dma_start3A_581 = tpu.memref_squeeze %dma_start3A_580 : memref<1x1x1x128xf32, #tpu.memory_space<vmem>> -> memref<128xf32, #tpu.memory_space<vmem>>
      %dma_start3A_582 = arith.constant 0 : i32
      %dma_start3A_583 = tpu.memref_slice %arg14[%add3A_576, %dma_start3A_582] : memref<80x128xi32, #tpu.memory_space<vmem>> -> memref<1x128xi32, #tpu.memory_space<vmem>>
      %dma_start3A_584 = tpu.memref_squeeze %dma_start3A_583 : memref<1x128xi32, #tpu.memory_space<vmem>> -> memref<128xi32, #tpu.memory_space<vmem>>
      %dma_start3A_585 = arith.constant 0 : i32
      %dma_start3A_586 = tpu.memref_slice %arg8[%dma_start3A_585] : memref<160000xf32, #tpu.memory_space<vmem_shared>> -> memref<160000xf32, #tpu.memory_space<vmem_shared>>
      tpu.enqueue_indirect_dma source(%dma_start3A_581 : memref<128xf32, #tpu.memory_space<vmem>>) target(%dma_start3A_586 : memref<160000xf32, #tpu.memory_space<vmem_shared>>) offsets(%dma_start3A_584 : memref<128xi32, #tpu.memory_space<vmem>>) semaphore(%arg16 : memref<!tpu.dma_semaphore, #tpu.memory_space<semaphore_mem>>) {add = true}
      %mul3A_587 = arith.constant 4 : i32
      %mul3A_588 = arith.muli %while3A_184, %mul3A_587 : i32
      %add3A_589 = arith.constant 3 : i32
      %add3A_590 = arith.addi %mul3A_588, %add3A_589 : i32
      %dma_start3A_591 = arith.constant 3 : i32
      %dma_start3A_592 = arith.constant 3 : i32
      %dma_start3A_593 = arith.constant 0 : i32
      %dma_start3A_594 = tpu.memref_slice %arg15[%rem3A_186, %dma_start3A_591, %dma_start3A_592, %dma_start3A_593] : memref<2x4x8x128xf32, #tpu.memory_space<vmem>> -> memref<1x1x1x128xf32, #tpu.memory_space<vmem>>
      %dma_start3A_595 = tpu.memref_squeeze %dma_start3A_594 : memref<1x1x1x128xf32, #tpu.memory_space<vmem>> -> memref<128xf32, #tpu.memory_space<vmem>>
      %dma_start3A_596 = arith.constant 0 : i32
      %dma_start3A_597 = tpu.memref_slice %arg14[%add3A_590, %dma_start3A_596] : memref<80x128xi32, #tpu.memory_space<vmem>> -> memref<1x128xi32, #tpu.memory_space<vmem>>
      %dma_start3A_598 = tpu.memref_squeeze %dma_start3A_597 : memref<1x128xi32, #tpu.memory_space<vmem>> -> memref<128xi32, #tpu.memory_space<vmem>>
      %dma_start3A_599 = arith.constant 0 : i32
      %dma_start3A_600 = tpu.memref_slice %arg9[%dma_start3A_599] : memref<160000xf32, #tpu.memory_space<vmem_shared>> -> memref<160000xf32, #tpu.memory_space<vmem_shared>>
      tpu.enqueue_indirect_dma source(%dma_start3A_595 : memref<128xf32, #tpu.memory_space<vmem>>) target(%dma_start3A_600 : memref<160000xf32, #tpu.memory_space<vmem_shared>>) offsets(%dma_start3A_598 : memref<128xi32, #tpu.memory_space<vmem>>) semaphore(%arg16 : memref<!tpu.dma_semaphore, #tpu.memory_space<semaphore_mem>>) {add = true}
      %mul3A_601 = arith.constant 4 : i32
      %mul3A_602 = arith.muli %while3A_184, %mul3A_601 : i32
      %add3A_603 = arith.constant 3 : i32
      %add3A_604 = arith.addi %mul3A_602, %add3A_603 : i32
      %dma_start3A_605 = arith.constant 3 : i32
      %dma_start3A_606 = arith.constant 4 : i32
      %dma_start3A_607 = arith.constant 0 : i32
      %dma_start3A_608 = tpu.memref_slice %arg15[%rem3A_186, %dma_start3A_605, %dma_start3A_606, %dma_start3A_607] : memref<2x4x8x128xf32, #tpu.memory_space<vmem>> -> memref<1x1x1x128xf32, #tpu.memory_space<vmem>>
      %dma_start3A_609 = tpu.memref_squeeze %dma_start3A_608 : memref<1x1x1x128xf32, #tpu.memory_space<vmem>> -> memref<128xf32, #tpu.memory_space<vmem>>
      %dma_start3A_610 = arith.constant 0 : i32
      %dma_start3A_611 = tpu.memref_slice %arg14[%add3A_604, %dma_start3A_610] : memref<80x128xi32, #tpu.memory_space<vmem>> -> memref<1x128xi32, #tpu.memory_space<vmem>>
      %dma_start3A_612 = tpu.memref_squeeze %dma_start3A_611 : memref<1x128xi32, #tpu.memory_space<vmem>> -> memref<128xi32, #tpu.memory_space<vmem>>
      %dma_start3A_613 = arith.constant 0 : i32
      %dma_start3A_614 = tpu.memref_slice %arg10[%dma_start3A_613] : memref<160000xf32, #tpu.memory_space<vmem_shared>> -> memref<160000xf32, #tpu.memory_space<vmem_shared>>
      tpu.enqueue_indirect_dma source(%dma_start3A_609 : memref<128xf32, #tpu.memory_space<vmem>>) target(%dma_start3A_614 : memref<160000xf32, #tpu.memory_space<vmem_shared>>) offsets(%dma_start3A_612 : memref<128xi32, #tpu.memory_space<vmem>>) semaphore(%arg16 : memref<!tpu.dma_semaphore, #tpu.memory_space<semaphore_mem>>) {add = true}
      %mul3A_615 = arith.constant 4 : i32
      %mul3A_616 = arith.muli %while3A_184, %mul3A_615 : i32
      %add3A_617 = arith.constant 3 : i32
      %add3A_618 = arith.addi %mul3A_616, %add3A_617 : i32
      %dma_start3A_619 = arith.constant 3 : i32
      %dma_start3A_620 = arith.constant 5 : i32
      %dma_start3A_621 = arith.constant 0 : i32
      %dma_start3A_622 = tpu.memref_slice %arg15[%rem3A_186, %dma_start3A_619, %dma_start3A_620, %dma_start3A_621] : memref<2x4x8x128xf32, #tpu.memory_space<vmem>> -> memref<1x1x1x128xf32, #tpu.memory_space<vmem>>
      %dma_start3A_623 = tpu.memref_squeeze %dma_start3A_622 : memref<1x1x1x128xf32, #tpu.memory_space<vmem>> -> memref<128xf32, #tpu.memory_space<vmem>>
      %dma_start3A_624 = arith.constant 0 : i32
      %dma_start3A_625 = tpu.memref_slice %arg14[%add3A_618, %dma_start3A_624] : memref<80x128xi32, #tpu.memory_space<vmem>> -> memref<1x128xi32, #tpu.memory_space<vmem>>
      %dma_start3A_626 = tpu.memref_squeeze %dma_start3A_625 : memref<1x128xi32, #tpu.memory_space<vmem>> -> memref<128xi32, #tpu.memory_space<vmem>>
      %dma_start3A_627 = arith.constant 0 : i32
      %dma_start3A_628 = tpu.memref_slice %arg11[%dma_start3A_627] : memref<160000xf32, #tpu.memory_space<vmem_shared>> -> memref<160000xf32, #tpu.memory_space<vmem_shared>>
      tpu.enqueue_indirect_dma source(%dma_start3A_623 : memref<128xf32, #tpu.memory_space<vmem>>) target(%dma_start3A_628 : memref<160000xf32, #tpu.memory_space<vmem_shared>>) offsets(%dma_start3A_626 : memref<128xi32, #tpu.memory_space<vmem>>) semaphore(%arg16 : memref<!tpu.dma_semaphore, #tpu.memory_space<semaphore_mem>>) {add = true}
      %mul3A_629 = arith.constant 4 : i32
      %mul3A_630 = arith.muli %while3A_184, %mul3A_629 : i32
      %add3A_631 = arith.constant 3 : i32
      %add3A_632 = arith.addi %mul3A_630, %add3A_631 : i32
      %dma_start3A_633 = arith.constant 3 : i32
      %dma_start3A_634 = arith.constant 6 : i32
      %dma_start3A_635 = arith.constant 0 : i32
      %dma_start3A_636 = tpu.memref_slice %arg15[%rem3A_186, %dma_start3A_633, %dma_start3A_634, %dma_start3A_635] : memref<2x4x8x128xf32, #tpu.memory_space<vmem>> -> memref<1x1x1x128xf32, #tpu.memory_space<vmem>>
      %dma_start3A_637 = tpu.memref_squeeze %dma_start3A_636 : memref<1x1x1x128xf32, #tpu.memory_space<vmem>> -> memref<128xf32, #tpu.memory_space<vmem>>
      %dma_start3A_638 = arith.constant 0 : i32
      %dma_start3A_639 = tpu.memref_slice %arg14[%add3A_632, %dma_start3A_638] : memref<80x128xi32, #tpu.memory_space<vmem>> -> memref<1x128xi32, #tpu.memory_space<vmem>>
      %dma_start3A_640 = tpu.memref_squeeze %dma_start3A_639 : memref<1x128xi32, #tpu.memory_space<vmem>> -> memref<128xi32, #tpu.memory_space<vmem>>
      %dma_start3A_641 = arith.constant 0 : i32
      %dma_start3A_642 = tpu.memref_slice %arg12[%dma_start3A_641] : memref<160000xf32, #tpu.memory_space<vmem_shared>> -> memref<160000xf32, #tpu.memory_space<vmem_shared>>
      tpu.enqueue_indirect_dma source(%dma_start3A_637 : memref<128xf32, #tpu.memory_space<vmem>>) target(%dma_start3A_642 : memref<160000xf32, #tpu.memory_space<vmem_shared>>) offsets(%dma_start3A_640 : memref<128xi32, #tpu.memory_space<vmem>>) semaphore(%arg16 : memref<!tpu.dma_semaphore, #tpu.memory_space<semaphore_mem>>) {add = true}
      %mul3A_643 = arith.constant 4 : i32
      %mul3A_644 = arith.muli %while3A_184, %mul3A_643 : i32
      %add3A_645 = arith.constant 3 : i32
      %add3A_646 = arith.addi %mul3A_644, %add3A_645 : i32
      %dma_start3A_647 = arith.constant 3 : i32
      %dma_start3A_648 = arith.constant 7 : i32
      %dma_start3A_649 = arith.constant 0 : i32
      %dma_start3A_650 = tpu.memref_slice %arg15[%rem3A_186, %dma_start3A_647, %dma_start3A_648, %dma_start3A_649] : memref<2x4x8x128xf32, #tpu.memory_space<vmem>> -> memref<1x1x1x128xf32, #tpu.memory_space<vmem>>
      %dma_start3A_651 = tpu.memref_squeeze %dma_start3A_650 : memref<1x1x1x128xf32, #tpu.memory_space<vmem>> -> memref<128xf32, #tpu.memory_space<vmem>>
      %dma_start3A_652 = arith.constant 0 : i32
      %dma_start3A_653 = tpu.memref_slice %arg14[%add3A_646, %dma_start3A_652] : memref<80x128xi32, #tpu.memory_space<vmem>> -> memref<1x128xi32, #tpu.memory_space<vmem>>
      %dma_start3A_654 = tpu.memref_squeeze %dma_start3A_653 : memref<1x128xi32, #tpu.memory_space<vmem>> -> memref<128xi32, #tpu.memory_space<vmem>>
      %dma_start3A_655 = arith.constant 0 : i32
      %dma_start3A_656 = tpu.memref_slice %arg13[%dma_start3A_655] : memref<160000xf32, #tpu.memory_space<vmem_shared>> -> memref<160000xf32, #tpu.memory_space<vmem_shared>>
      tpu.enqueue_indirect_dma source(%dma_start3A_651 : memref<128xf32, #tpu.memory_space<vmem>>) target(%dma_start3A_656 : memref<160000xf32, #tpu.memory_space<vmem_shared>>) offsets(%dma_start3A_654 : memref<128xi32, #tpu.memory_space<vmem>>) semaphore(%arg16 : memref<!tpu.dma_semaphore, #tpu.memory_space<semaphore_mem>>) {add = true}
      %dma_wait3A_657 = arith.constant 0 : i32
      %dma_wait3A_658 = arith.constant 0 : i32
      %dma_wait3A_659 = arith.constant 0 : i32
      %dma_wait3A_660 = tpu.memref_slice %arg15[%rem3A_186, %dma_wait3A_657, %dma_wait3A_658, %dma_wait3A_659] : memref<2x4x8x128xf32, #tpu.memory_space<vmem>> -> memref<1x1x1x128xf32, #tpu.memory_space<vmem>>
      %dma_wait3A_661 = tpu.memref_squeeze %dma_wait3A_660 : memref<1x1x1x128xf32, #tpu.memory_space<vmem>> -> memref<128xf32, #tpu.memory_space<vmem>>
      %dma_wait3A_662 = arith.constant 0 : i32
      %dma_wait3A_663 = tpu.memref_slice %arg14[%add3A_212, %dma_wait3A_662] : memref<80x128xi32, #tpu.memory_space<vmem>> -> memref<1x128xi32, #tpu.memory_space<vmem>>
      %dma_wait3A_664 = tpu.memref_squeeze %dma_wait3A_663 : memref<1x128xi32, #tpu.memory_space<vmem>> -> memref<128xi32, #tpu.memory_space<vmem>>
      %dma_wait3A_665 = arith.constant 0 : i32
      %dma_wait3A_666 = tpu.memref_slice %arg6[%dma_wait3A_665] : memref<160000xf32, #tpu.memory_space<vmem_shared>> -> memref<160000xf32, #tpu.memory_space<vmem_shared>>
      tpu.wait_indirect_dma semaphore(%arg16 : memref<!tpu.dma_semaphore, #tpu.memory_space<semaphore_mem>>) src(%dma_wait3A_661 : memref<128xf32, #tpu.memory_space<vmem>>) dst(%dma_wait3A_666 : memref<160000xf32, #tpu.memory_space<vmem_shared>>)
      %dma_wait3A_667 = arith.constant 0 : i32
      %dma_wait3A_668 = arith.constant 1 : i32
      %dma_wait3A_669 = arith.constant 0 : i32
      %dma_wait3A_670 = tpu.memref_slice %arg15[%rem3A_186, %dma_wait3A_667, %dma_wait3A_668, %dma_wait3A_669] : memref<2x4x8x128xf32, #tpu.memory_space<vmem>> -> memref<1x1x1x128xf32, #tpu.memory_space<vmem>>
      %dma_wait3A_671 = tpu.memref_squeeze %dma_wait3A_670 : memref<1x1x1x128xf32, #tpu.memory_space<vmem>> -> memref<128xf32, #tpu.memory_space<vmem>>
      %dma_wait3A_672 = arith.constant 0 : i32
      %dma_wait3A_673 = tpu.memref_slice %arg14[%add3A_226, %dma_wait3A_672] : memref<80x128xi32, #tpu.memory_space<vmem>> -> memref<1x128xi32, #tpu.memory_space<vmem>>
      %dma_wait3A_674 = tpu.memref_squeeze %dma_wait3A_673 : memref<1x128xi32, #tpu.memory_space<vmem>> -> memref<128xi32, #tpu.memory_space<vmem>>
      %dma_wait3A_675 = arith.constant 0 : i32
      %dma_wait3A_676 = tpu.memref_slice %arg7[%dma_wait3A_675] : memref<160000xf32, #tpu.memory_space<vmem_shared>> -> memref<160000xf32, #tpu.memory_space<vmem_shared>>
      tpu.wait_indirect_dma semaphore(%arg16 : memref<!tpu.dma_semaphore, #tpu.memory_space<semaphore_mem>>) src(%dma_wait3A_671 : memref<128xf32, #tpu.memory_space<vmem>>) dst(%dma_wait3A_676 : memref<160000xf32, #tpu.memory_space<vmem_shared>>)
      %dma_wait3A_677 = arith.constant 0 : i32
      %dma_wait3A_678 = arith.constant 2 : i32
      %dma_wait3A_679 = arith.constant 0 : i32
      %dma_wait3A_680 = tpu.memref_slice %arg15[%rem3A_186, %dma_wait3A_677, %dma_wait3A_678, %dma_wait3A_679] : memref<2x4x8x128xf32, #tpu.memory_space<vmem>> -> memref<1x1x1x128xf32, #tpu.memory_space<vmem>>
      %dma_wait3A_681 = tpu.memref_squeeze %dma_wait3A_680 : memref<1x1x1x128xf32, #tpu.memory_space<vmem>> -> memref<128xf32, #tpu.memory_space<vmem>>
      %dma_wait3A_682 = arith.constant 0 : i32
      %dma_wait3A_683 = tpu.memref_slice %arg14[%add3A_240, %dma_wait3A_682] : memref<80x128xi32, #tpu.memory_space<vmem>> -> memref<1x128xi32, #tpu.memory_space<vmem>>
      %dma_wait3A_684 = tpu.memref_squeeze %dma_wait3A_683 : memref<1x128xi32, #tpu.memory_space<vmem>> -> memref<128xi32, #tpu.memory_space<vmem>>
      %dma_wait3A_685 = arith.constant 0 : i32
      %dma_wait3A_686 = tpu.memref_slice %arg8[%dma_wait3A_685] : memref<160000xf32, #tpu.memory_space<vmem_shared>> -> memref<160000xf32, #tpu.memory_space<vmem_shared>>
      tpu.wait_indirect_dma semaphore(%arg16 : memref<!tpu.dma_semaphore, #tpu.memory_space<semaphore_mem>>) src(%dma_wait3A_681 : memref<128xf32, #tpu.memory_space<vmem>>) dst(%dma_wait3A_686 : memref<160000xf32, #tpu.memory_space<vmem_shared>>)
      %dma_wait3A_687 = arith.constant 0 : i32
      %dma_wait3A_688 = arith.constant 3 : i32
      %dma_wait3A_689 = arith.constant 0 : i32
      %dma_wait3A_690 = tpu.memref_slice %arg15[%rem3A_186, %dma_wait3A_687, %dma_wait3A_688, %dma_wait3A_689] : memref<2x4x8x128xf32, #tpu.memory_space<vmem>> -> memref<1x1x1x128xf32, #tpu.memory_space<vmem>>
      %dma_wait3A_691 = tpu.memref_squeeze %dma_wait3A_690 : memref<1x1x1x128xf32, #tpu.memory_space<vmem>> -> memref<128xf32, #tpu.memory_space<vmem>>
      %dma_wait3A_692 = arith.constant 0 : i32
      %dma_wait3A_693 = tpu.memref_slice %arg14[%add3A_254, %dma_wait3A_692] : memref<80x128xi32, #tpu.memory_space<vmem>> -> memref<1x128xi32, #tpu.memory_space<vmem>>
      %dma_wait3A_694 = tpu.memref_squeeze %dma_wait3A_693 : memref<1x128xi32, #tpu.memory_space<vmem>> -> memref<128xi32, #tpu.memory_space<vmem>>
      %dma_wait3A_695 = arith.constant 0 : i32
      %dma_wait3A_696 = tpu.memref_slice %arg9[%dma_wait3A_695] : memref<160000xf32, #tpu.memory_space<vmem_shared>> -> memref<160000xf32, #tpu.memory_space<vmem_shared>>
      tpu.wait_indirect_dma semaphore(%arg16 : memref<!tpu.dma_semaphore, #tpu.memory_space<semaphore_mem>>) src(%dma_wait3A_691 : memref<128xf32, #tpu.memory_space<vmem>>) dst(%dma_wait3A_696 : memref<160000xf32, #tpu.memory_space<vmem_shared>>)
      %dma_wait3A_697 = arith.constant 0 : i32
      %dma_wait3A_698 = arith.constant 4 : i32
      %dma_wait3A_699 = arith.constant 0 : i32
      %dma_wait3A_700 = tpu.memref_slice %arg15[%rem3A_186, %dma_wait3A_697, %dma_wait3A_698, %dma_wait3A_699] : memref<2x4x8x128xf32, #tpu.memory_space<vmem>> -> memref<1x1x1x128xf32, #tpu.memory_space<vmem>>
      %dma_wait3A_701 = tpu.memref_squeeze %dma_wait3A_700 : memref<1x1x1x128xf32, #tpu.memory_space<vmem>> -> memref<128xf32, #tpu.memory_space<vmem>>
      %dma_wait3A_702 = arith.constant 0 : i32
      %dma_wait3A_703 = tpu.memref_slice %arg14[%add3A_268, %dma_wait3A_702] : memref<80x128xi32, #tpu.memory_space<vmem>> -> memref<1x128xi32, #tpu.memory_space<vmem>>
      %dma_wait3A_704 = tpu.memref_squeeze %dma_wait3A_703 : memref<1x128xi32, #tpu.memory_space<vmem>> -> memref<128xi32, #tpu.memory_space<vmem>>
      %dma_wait3A_705 = arith.constant 0 : i32
      %dma_wait3A_706 = tpu.memref_slice %arg10[%dma_wait3A_705] : memref<160000xf32, #tpu.memory_space<vmem_shared>> -> memref<160000xf32, #tpu.memory_space<vmem_shared>>
      tpu.wait_indirect_dma semaphore(%arg16 : memref<!tpu.dma_semaphore, #tpu.memory_space<semaphore_mem>>) src(%dma_wait3A_701 : memref<128xf32, #tpu.memory_space<vmem>>) dst(%dma_wait3A_706 : memref<160000xf32, #tpu.memory_space<vmem_shared>>)
      %dma_wait3A_707 = arith.constant 0 : i32
      %dma_wait3A_708 = arith.constant 5 : i32
      %dma_wait3A_709 = arith.constant 0 : i32
      %dma_wait3A_710 = tpu.memref_slice %arg15[%rem3A_186, %dma_wait3A_707, %dma_wait3A_708, %dma_wait3A_709] : memref<2x4x8x128xf32, #tpu.memory_space<vmem>> -> memref<1x1x1x128xf32, #tpu.memory_space<vmem>>
      %dma_wait3A_711 = tpu.memref_squeeze %dma_wait3A_710 : memref<1x1x1x128xf32, #tpu.memory_space<vmem>> -> memref<128xf32, #tpu.memory_space<vmem>>
      %dma_wait3A_712 = arith.constant 0 : i32
      %dma_wait3A_713 = tpu.memref_slice %arg14[%add3A_282, %dma_wait3A_712] : memref<80x128xi32, #tpu.memory_space<vmem>> -> memref<1x128xi32, #tpu.memory_space<vmem>>
      %dma_wait3A_714 = tpu.memref_squeeze %dma_wait3A_713 : memref<1x128xi32, #tpu.memory_space<vmem>> -> memref<128xi32, #tpu.memory_space<vmem>>
      %dma_wait3A_715 = arith.constant 0 : i32
      %dma_wait3A_716 = tpu.memref_slice %arg11[%dma_wait3A_715] : memref<160000xf32, #tpu.memory_space<vmem_shared>> -> memref<160000xf32, #tpu.memory_space<vmem_shared>>
      tpu.wait_indirect_dma semaphore(%arg16 : memref<!tpu.dma_semaphore, #tpu.memory_space<semaphore_mem>>) src(%dma_wait3A_711 : memref<128xf32, #tpu.memory_space<vmem>>) dst(%dma_wait3A_716 : memref<160000xf32, #tpu.memory_space<vmem_shared>>)
      %dma_wait3A_717 = arith.constant 0 : i32
      %dma_wait3A_718 = arith.constant 6 : i32
      %dma_wait3A_719 = arith.constant 0 : i32
      %dma_wait3A_720 = tpu.memref_slice %arg15[%rem3A_186, %dma_wait3A_717, %dma_wait3A_718, %dma_wait3A_719] : memref<2x4x8x128xf32, #tpu.memory_space<vmem>> -> memref<1x1x1x128xf32, #tpu.memory_space<vmem>>
      %dma_wait3A_721 = tpu.memref_squeeze %dma_wait3A_720 : memref<1x1x1x128xf32, #tpu.memory_space<vmem>> -> memref<128xf32, #tpu.memory_space<vmem>>
      %dma_wait3A_722 = arith.constant 0 : i32
      %dma_wait3A_723 = tpu.memref_slice %arg14[%add3A_296, %dma_wait3A_722] : memref<80x128xi32, #tpu.memory_space<vmem>> -> memref<1x128xi32, #tpu.memory_space<vmem>>
      %dma_wait3A_724 = tpu.memref_squeeze %dma_wait3A_723 : memref<1x128xi32, #tpu.memory_space<vmem>> -> memref<128xi32, #tpu.memory_space<vmem>>
      %dma_wait3A_725 = arith.constant 0 : i32
      %dma_wait3A_726 = tpu.memref_slice %arg12[%dma_wait3A_725] : memref<160000xf32, #tpu.memory_space<vmem_shared>> -> memref<160000xf32, #tpu.memory_space<vmem_shared>>
      tpu.wait_indirect_dma semaphore(%arg16 : memref<!tpu.dma_semaphore, #tpu.memory_space<semaphore_mem>>) src(%dma_wait3A_721 : memref<128xf32, #tpu.memory_space<vmem>>) dst(%dma_wait3A_726 : memref<160000xf32, #tpu.memory_space<vmem_shared>>)
      %dma_wait3A_727 = arith.constant 0 : i32
      %dma_wait3A_728 = arith.constant 7 : i32
      %dma_wait3A_729 = arith.constant 0 : i32
      %dma_wait3A_730 = tpu.memref_slice %arg15[%rem3A_186, %dma_wait3A_727, %dma_wait3A_728, %dma_wait3A_729] : memref<2x4x8x128xf32, #tpu.memory_space<vmem>> -> memref<1x1x1x128xf32, #tpu.memory_space<vmem>>
      %dma_wait3A_731 = tpu.memref_squeeze %dma_wait3A_730 : memref<1x1x1x128xf32, #tpu.memory_space<vmem>> -> memref<128xf32, #tpu.memory_space<vmem>>
      %dma_wait3A_732 = arith.constant 0 : i32
      %dma_wait3A_733 = tpu.memref_slice %arg14[%add3A_310, %dma_wait3A_732] : memref<80x128xi32, #tpu.memory_space<vmem>> -> memref<1x128xi32, #tpu.memory_space<vmem>>
      %dma_wait3A_734 = tpu.memref_squeeze %dma_wait3A_733 : memref<1x128xi32, #tpu.memory_space<vmem>> -> memref<128xi32, #tpu.memory_space<vmem>>
      %dma_wait3A_735 = arith.constant 0 : i32
      %dma_wait3A_736 = tpu.memref_slice %arg13[%dma_wait3A_735] : memref<160000xf32, #tpu.memory_space<vmem_shared>> -> memref<160000xf32, #tpu.memory_space<vmem_shared>>
      tpu.wait_indirect_dma semaphore(%arg16 : memref<!tpu.dma_semaphore, #tpu.memory_space<semaphore_mem>>) src(%dma_wait3A_731 : memref<128xf32, #tpu.memory_space<vmem>>) dst(%dma_wait3A_736 : memref<160000xf32, #tpu.memory_space<vmem_shared>>)
      %dma_wait3A_737 = arith.constant 1 : i32
      %dma_wait3A_738 = arith.constant 0 : i32
      %dma_wait3A_739 = arith.constant 0 : i32
      %dma_wait3A_740 = tpu.memref_slice %arg15[%rem3A_186, %dma_wait3A_737, %dma_wait3A_738, %dma_wait3A_739] : memref<2x4x8x128xf32, #tpu.memory_space<vmem>> -> memref<1x1x1x128xf32, #tpu.memory_space<vmem>>
      %dma_wait3A_741 = tpu.memref_squeeze %dma_wait3A_740 : memref<1x1x1x128xf32, #tpu.memory_space<vmem>> -> memref<128xf32, #tpu.memory_space<vmem>>
      %dma_wait3A_742 = arith.constant 0 : i32
      %dma_wait3A_743 = tpu.memref_slice %arg14[%add3A_324, %dma_wait3A_742] : memref<80x128xi32, #tpu.memory_space<vmem>> -> memref<1x128xi32, #tpu.memory_space<vmem>>
      %dma_wait3A_744 = tpu.memref_squeeze %dma_wait3A_743 : memref<1x128xi32, #tpu.memory_space<vmem>> -> memref<128xi32, #tpu.memory_space<vmem>>
      %dma_wait3A_745 = arith.constant 0 : i32
      %dma_wait3A_746 = tpu.memref_slice %arg6[%dma_wait3A_745] : memref<160000xf32, #tpu.memory_space<vmem_shared>> -> memref<160000xf32, #tpu.memory_space<vmem_shared>>
      tpu.wait_indirect_dma semaphore(%arg16 : memref<!tpu.dma_semaphore, #tpu.memory_space<semaphore_mem>>) src(%dma_wait3A_741 : memref<128xf32, #tpu.memory_space<vmem>>) dst(%dma_wait3A_746 : memref<160000xf32, #tpu.memory_space<vmem_shared>>)
      %dma_wait3A_747 = arith.constant 1 : i32
      %dma_wait3A_748 = arith.constant 1 : i32
      %dma_wait3A_749 = arith.constant 0 : i32
      %dma_wait3A_750 = tpu.memref_slice %arg15[%rem3A_186, %dma_wait3A_747, %dma_wait3A_748, %dma_wait3A_749] : memref<2x4x8x128xf32, #tpu.memory_space<vmem>> -> memref<1x1x1x128xf32, #tpu.memory_space<vmem>>
      %dma_wait3A_751 = tpu.memref_squeeze %dma_wait3A_750 : memref<1x1x1x128xf32, #tpu.memory_space<vmem>> -> memref<128xf32, #tpu.memory_space<vmem>>
      %dma_wait3A_752 = arith.constant 0 : i32
      %dma_wait3A_753 = tpu.memref_slice %arg14[%add3A_338, %dma_wait3A_752] : memref<80x128xi32, #tpu.memory_space<vmem>> -> memref<1x128xi32, #tpu.memory_space<vmem>>
      %dma_wait3A_754 = tpu.memref_squeeze %dma_wait3A_753 : memref<1x128xi32, #tpu.memory_space<vmem>> -> memref<128xi32, #tpu.memory_space<vmem>>
      %dma_wait3A_755 = arith.constant 0 : i32
      %dma_wait3A_756 = tpu.memref_slice %arg7[%dma_wait3A_755] : memref<160000xf32, #tpu.memory_space<vmem_shared>> -> memref<160000xf32, #tpu.memory_space<vmem_shared>>
      tpu.wait_indirect_dma semaphore(%arg16 : memref<!tpu.dma_semaphore, #tpu.memory_space<semaphore_mem>>) src(%dma_wait3A_751 : memref<128xf32, #tpu.memory_space<vmem>>) dst(%dma_wait3A_756 : memref<160000xf32, #tpu.memory_space<vmem_shared>>)
      %dma_wait3A_757 = arith.constant 1 : i32
      %dma_wait3A_758 = arith.constant 2 : i32
      %dma_wait3A_759 = arith.constant 0 : i32
      %dma_wait3A_760 = tpu.memref_slice %arg15[%rem3A_186, %dma_wait3A_757, %dma_wait3A_758, %dma_wait3A_759] : memref<2x4x8x128xf32, #tpu.memory_space<vmem>> -> memref<1x1x1x128xf32, #tpu.memory_space<vmem>>
      %dma_wait3A_761 = tpu.memref_squeeze %dma_wait3A_760 : memref<1x1x1x128xf32, #tpu.memory_space<vmem>> -> memref<128xf32, #tpu.memory_space<vmem>>
      %dma_wait3A_762 = arith.constant 0 : i32
      %dma_wait3A_763 = tpu.memref_slice %arg14[%add3A_352, %dma_wait3A_762] : memref<80x128xi32, #tpu.memory_space<vmem>> -> memref<1x128xi32, #tpu.memory_space<vmem>>
      %dma_wait3A_764 = tpu.memref_squeeze %dma_wait3A_763 : memref<1x128xi32, #tpu.memory_space<vmem>> -> memref<128xi32, #tpu.memory_space<vmem>>
      %dma_wait3A_765 = arith.constant 0 : i32
      %dma_wait3A_766 = tpu.memref_slice %arg8[%dma_wait3A_765] : memref<160000xf32, #tpu.memory_space<vmem_shared>> -> memref<160000xf32, #tpu.memory_space<vmem_shared>>
      tpu.wait_indirect_dma semaphore(%arg16 : memref<!tpu.dma_semaphore, #tpu.memory_space<semaphore_mem>>) src(%dma_wait3A_761 : memref<128xf32, #tpu.memory_space<vmem>>) dst(%dma_wait3A_766 : memref<160000xf32, #tpu.memory_space<vmem_shared>>)
      %dma_wait3A_767 = arith.constant 1 : i32
      %dma_wait3A_768 = arith.constant 3 : i32
      %dma_wait3A_769 = arith.constant 0 : i32
      %dma_wait3A_770 = tpu.memref_slice %arg15[%rem3A_186, %dma_wait3A_767, %dma_wait3A_768, %dma_wait3A_769] : memref<2x4x8x128xf32, #tpu.memory_space<vmem>> -> memref<1x1x1x128xf32, #tpu.memory_space<vmem>>
      %dma_wait3A_771 = tpu.memref_squeeze %dma_wait3A_770 : memref<1x1x1x128xf32, #tpu.memory_space<vmem>> -> memref<128xf32, #tpu.memory_space<vmem>>
      %dma_wait3A_772 = arith.constant 0 : i32
      %dma_wait3A_773 = tpu.memref_slice %arg14[%add3A_366, %dma_wait3A_772] : memref<80x128xi32, #tpu.memory_space<vmem>> -> memref<1x128xi32, #tpu.memory_space<vmem>>
      %dma_wait3A_774 = tpu.memref_squeeze %dma_wait3A_773 : memref<1x128xi32, #tpu.memory_space<vmem>> -> memref<128xi32, #tpu.memory_space<vmem>>
      %dma_wait3A_775 = arith.constant 0 : i32
      %dma_wait3A_776 = tpu.memref_slice %arg9[%dma_wait3A_775] : memref<160000xf32, #tpu.memory_space<vmem_shared>> -> memref<160000xf32, #tpu.memory_space<vmem_shared>>
      tpu.wait_indirect_dma semaphore(%arg16 : memref<!tpu.dma_semaphore, #tpu.memory_space<semaphore_mem>>) src(%dma_wait3A_771 : memref<128xf32, #tpu.memory_space<vmem>>) dst(%dma_wait3A_776 : memref<160000xf32, #tpu.memory_space<vmem_shared>>)
      %dma_wait3A_777 = arith.constant 1 : i32
      %dma_wait3A_778 = arith.constant 4 : i32
      %dma_wait3A_779 = arith.constant 0 : i32
      %dma_wait3A_780 = tpu.memref_slice %arg15[%rem3A_186, %dma_wait3A_777, %dma_wait3A_778, %dma_wait3A_779] : memref<2x4x8x128xf32, #tpu.memory_space<vmem>> -> memref<1x1x1x128xf32, #tpu.memory_space<vmem>>
      %dma_wait3A_781 = tpu.memref_squeeze %dma_wait3A_780 : memref<1x1x1x128xf32, #tpu.memory_space<vmem>> -> memref<128xf32, #tpu.memory_space<vmem>>
      %dma_wait3A_782 = arith.constant 0 : i32
      %dma_wait3A_783 = tpu.memref_slice %arg14[%add3A_380, %dma_wait3A_782] : memref<80x128xi32, #tpu.memory_space<vmem>> -> memref<1x128xi32, #tpu.memory_space<vmem>>
      %dma_wait3A_784 = tpu.memref_squeeze %dma_wait3A_783 : memref<1x128xi32, #tpu.memory_space<vmem>> -> memref<128xi32, #tpu.memory_space<vmem>>
      %dma_wait3A_785 = arith.constant 0 : i32
      %dma_wait3A_786 = tpu.memref_slice %arg10[%dma_wait3A_785] : memref<160000xf32, #tpu.memory_space<vmem_shared>> -> memref<160000xf32, #tpu.memory_space<vmem_shared>>
      tpu.wait_indirect_dma semaphore(%arg16 : memref<!tpu.dma_semaphore, #tpu.memory_space<semaphore_mem>>) src(%dma_wait3A_781 : memref<128xf32, #tpu.memory_space<vmem>>) dst(%dma_wait3A_786 : memref<160000xf32, #tpu.memory_space<vmem_shared>>)
      %dma_wait3A_787 = arith.constant 1 : i32
      %dma_wait3A_788 = arith.constant 5 : i32
      %dma_wait3A_789 = arith.constant 0 : i32
      %dma_wait3A_790 = tpu.memref_slice %arg15[%rem3A_186, %dma_wait3A_787, %dma_wait3A_788, %dma_wait3A_789] : memref<2x4x8x128xf32, #tpu.memory_space<vmem>> -> memref<1x1x1x128xf32, #tpu.memory_space<vmem>>
      %dma_wait3A_791 = tpu.memref_squeeze %dma_wait3A_790 : memref<1x1x1x128xf32, #tpu.memory_space<vmem>> -> memref<128xf32, #tpu.memory_space<vmem>>
      %dma_wait3A_792 = arith.constant 0 : i32
      %dma_wait3A_793 = tpu.memref_slice %arg14[%add3A_394, %dma_wait3A_792] : memref<80x128xi32, #tpu.memory_space<vmem>> -> memref<1x128xi32, #tpu.memory_space<vmem>>
      %dma_wait3A_794 = tpu.memref_squeeze %dma_wait3A_793 : memref<1x128xi32, #tpu.memory_space<vmem>> -> memref<128xi32, #tpu.memory_space<vmem>>
      %dma_wait3A_795 = arith.constant 0 : i32
      %dma_wait3A_796 = tpu.memref_slice %arg11[%dma_wait3A_795] : memref<160000xf32, #tpu.memory_space<vmem_shared>> -> memref<160000xf32, #tpu.memory_space<vmem_shared>>
      tpu.wait_indirect_dma semaphore(%arg16 : memref<!tpu.dma_semaphore, #tpu.memory_space<semaphore_mem>>) src(%dma_wait3A_791 : memref<128xf32, #tpu.memory_space<vmem>>) dst(%dma_wait3A_796 : memref<160000xf32, #tpu.memory_space<vmem_shared>>)
      %dma_wait3A_797 = arith.constant 1 : i32
      %dma_wait3A_798 = arith.constant 6 : i32
      %dma_wait3A_799 = arith.constant 0 : i32
      %dma_wait3A_800 = tpu.memref_slice %arg15[%rem3A_186, %dma_wait3A_797, %dma_wait3A_798, %dma_wait3A_799] : memref<2x4x8x128xf32, #tpu.memory_space<vmem>> -> memref<1x1x1x128xf32, #tpu.memory_space<vmem>>
      %dma_wait3A_801 = tpu.memref_squeeze %dma_wait3A_800 : memref<1x1x1x128xf32, #tpu.memory_space<vmem>> -> memref<128xf32, #tpu.memory_space<vmem>>
      %dma_wait3A_802 = arith.constant 0 : i32
      %dma_wait3A_803 = tpu.memref_slice %arg14[%add3A_408, %dma_wait3A_802] : memref<80x128xi32, #tpu.memory_space<vmem>> -> memref<1x128xi32, #tpu.memory_space<vmem>>
      %dma_wait3A_804 = tpu.memref_squeeze %dma_wait3A_803 : memref<1x128xi32, #tpu.memory_space<vmem>> -> memref<128xi32, #tpu.memory_space<vmem>>
      %dma_wait3A_805 = arith.constant 0 : i32
      %dma_wait3A_806 = tpu.memref_slice %arg12[%dma_wait3A_805] : memref<160000xf32, #tpu.memory_space<vmem_shared>> -> memref<160000xf32, #tpu.memory_space<vmem_shared>>
      tpu.wait_indirect_dma semaphore(%arg16 : memref<!tpu.dma_semaphore, #tpu.memory_space<semaphore_mem>>) src(%dma_wait3A_801 : memref<128xf32, #tpu.memory_space<vmem>>) dst(%dma_wait3A_806 : memref<160000xf32, #tpu.memory_space<vmem_shared>>)
      %dma_wait3A_807 = arith.constant 1 : i32
      %dma_wait3A_808 = arith.constant 7 : i32
      %dma_wait3A_809 = arith.constant 0 : i32
      %dma_wait3A_810 = tpu.memref_slice %arg15[%rem3A_186, %dma_wait3A_807, %dma_wait3A_808, %dma_wait3A_809] : memref<2x4x8x128xf32, #tpu.memory_space<vmem>> -> memref<1x1x1x128xf32, #tpu.memory_space<vmem>>
      %dma_wait3A_811 = tpu.memref_squeeze %dma_wait3A_810 : memref<1x1x1x128xf32, #tpu.memory_space<vmem>> -> memref<128xf32, #tpu.memory_space<vmem>>
      %dma_wait3A_812 = arith.constant 0 : i32
      %dma_wait3A_813 = tpu.memref_slice %arg14[%add3A_422, %dma_wait3A_812] : memref<80x128xi32, #tpu.memory_space<vmem>> -> memref<1x128xi32, #tpu.memory_space<vmem>>
      %dma_wait3A_814 = tpu.memref_squeeze %dma_wait3A_813 : memref<1x128xi32, #tpu.memory_space<vmem>> -> memref<128xi32, #tpu.memory_space<vmem>>
      %dma_wait3A_815 = arith.constant 0 : i32
      %dma_wait3A_816 = tpu.memref_slice %arg13[%dma_wait3A_815] : memref<160000xf32, #tpu.memory_space<vmem_shared>> -> memref<160000xf32, #tpu.memory_space<vmem_shared>>
      tpu.wait_indirect_dma semaphore(%arg16 : memref<!tpu.dma_semaphore, #tpu.memory_space<semaphore_mem>>) src(%dma_wait3A_811 : memref<128xf32, #tpu.memory_space<vmem>>) dst(%dma_wait3A_816 : memref<160000xf32, #tpu.memory_space<vmem_shared>>)
      %dma_wait3A_817 = arith.constant 2 : i32
      %dma_wait3A_818 = arith.constant 0 : i32
      %dma_wait3A_819 = arith.constant 0 : i32
      %dma_wait3A_820 = tpu.memref_slice %arg15[%rem3A_186, %dma_wait3A_817, %dma_wait3A_818, %dma_wait3A_819] : memref<2x4x8x128xf32, #tpu.memory_space<vmem>> -> memref<1x1x1x128xf32, #tpu.memory_space<vmem>>
      %dma_wait3A_821 = tpu.memref_squeeze %dma_wait3A_820 : memref<1x1x1x128xf32, #tpu.memory_space<vmem>> -> memref<128xf32, #tpu.memory_space<vmem>>
      %dma_wait3A_822 = arith.constant 0 : i32
      %dma_wait3A_823 = tpu.memref_slice %arg14[%add3A_436, %dma_wait3A_822] : memref<80x128xi32, #tpu.memory_space<vmem>> -> memref<1x128xi32, #tpu.memory_space<vmem>>
      %dma_wait3A_824 = tpu.memref_squeeze %dma_wait3A_823 : memref<1x128xi32, #tpu.memory_space<vmem>> -> memref<128xi32, #tpu.memory_space<vmem>>
      %dma_wait3A_825 = arith.constant 0 : i32
      %dma_wait3A_826 = tpu.memref_slice %arg6[%dma_wait3A_825] : memref<160000xf32, #tpu.memory_space<vmem_shared>> -> memref<160000xf32, #tpu.memory_space<vmem_shared>>
      tpu.wait_indirect_dma semaphore(%arg16 : memref<!tpu.dma_semaphore, #tpu.memory_space<semaphore_mem>>) src(%dma_wait3A_821 : memref<128xf32, #tpu.memory_space<vmem>>) dst(%dma_wait3A_826 : memref<160000xf32, #tpu.memory_space<vmem_shared>>)
      %dma_wait3A_827 = arith.constant 2 : i32
      %dma_wait3A_828 = arith.constant 1 : i32
      %dma_wait3A_829 = arith.constant 0 : i32
      %dma_wait3A_830 = tpu.memref_slice %arg15[%rem3A_186, %dma_wait3A_827, %dma_wait3A_828, %dma_wait3A_829] : memref<2x4x8x128xf32, #tpu.memory_space<vmem>> -> memref<1x1x1x128xf32, #tpu.memory_space<vmem>>
      %dma_wait3A_831 = tpu.memref_squeeze %dma_wait3A_830 : memref<1x1x1x128xf32, #tpu.memory_space<vmem>> -> memref<128xf32, #tpu.memory_space<vmem>>
      %dma_wait3A_832 = arith.constant 0 : i32
      %dma_wait3A_833 = tpu.memref_slice %arg14[%add3A_450, %dma_wait3A_832] : memref<80x128xi32, #tpu.memory_space<vmem>> -> memref<1x128xi32, #tpu.memory_space<vmem>>
      %dma_wait3A_834 = tpu.memref_squeeze %dma_wait3A_833 : memref<1x128xi32, #tpu.memory_space<vmem>> -> memref<128xi32, #tpu.memory_space<vmem>>
      %dma_wait3A_835 = arith.constant 0 : i32
      %dma_wait3A_836 = tpu.memref_slice %arg7[%dma_wait3A_835] : memref<160000xf32, #tpu.memory_space<vmem_shared>> -> memref<160000xf32, #tpu.memory_space<vmem_shared>>
      tpu.wait_indirect_dma semaphore(%arg16 : memref<!tpu.dma_semaphore, #tpu.memory_space<semaphore_mem>>) src(%dma_wait3A_831 : memref<128xf32, #tpu.memory_space<vmem>>) dst(%dma_wait3A_836 : memref<160000xf32, #tpu.memory_space<vmem_shared>>)
      %dma_wait3A_837 = arith.constant 2 : i32
      %dma_wait3A_838 = arith.constant 2 : i32
      %dma_wait3A_839 = arith.constant 0 : i32
      %dma_wait3A_840 = tpu.memref_slice %arg15[%rem3A_186, %dma_wait3A_837, %dma_wait3A_838, %dma_wait3A_839] : memref<2x4x8x128xf32, #tpu.memory_space<vmem>> -> memref<1x1x1x128xf32, #tpu.memory_space<vmem>>
      %dma_wait3A_841 = tpu.memref_squeeze %dma_wait3A_840 : memref<1x1x1x128xf32, #tpu.memory_space<vmem>> -> memref<128xf32, #tpu.memory_space<vmem>>
      %dma_wait3A_842 = arith.constant 0 : i32
      %dma_wait3A_843 = tpu.memref_slice %arg14[%add3A_464, %dma_wait3A_842] : memref<80x128xi32, #tpu.memory_space<vmem>> -> memref<1x128xi32, #tpu.memory_space<vmem>>
      %dma_wait3A_844 = tpu.memref_squeeze %dma_wait3A_843 : memref<1x128xi32, #tpu.memory_space<vmem>> -> memref<128xi32, #tpu.memory_space<vmem>>
      %dma_wait3A_845 = arith.constant 0 : i32
      %dma_wait3A_846 = tpu.memref_slice %arg8[%dma_wait3A_845] : memref<160000xf32, #tpu.memory_space<vmem_shared>> -> memref<160000xf32, #tpu.memory_space<vmem_shared>>
      tpu.wait_indirect_dma semaphore(%arg16 : memref<!tpu.dma_semaphore, #tpu.memory_space<semaphore_mem>>) src(%dma_wait3A_841 : memref<128xf32, #tpu.memory_space<vmem>>) dst(%dma_wait3A_846 : memref<160000xf32, #tpu.memory_space<vmem_shared>>)
      %dma_wait3A_847 = arith.constant 2 : i32
      %dma_wait3A_848 = arith.constant 3 : i32
      %dma_wait3A_849 = arith.constant 0 : i32
      %dma_wait3A_850 = tpu.memref_slice %arg15[%rem3A_186, %dma_wait3A_847, %dma_wait3A_848, %dma_wait3A_849] : memref<2x4x8x128xf32, #tpu.memory_space<vmem>> -> memref<1x1x1x128xf32, #tpu.memory_space<vmem>>
      %dma_wait3A_851 = tpu.memref_squeeze %dma_wait3A_850 : memref<1x1x1x128xf32, #tpu.memory_space<vmem>> -> memref<128xf32, #tpu.memory_space<vmem>>
      %dma_wait3A_852 = arith.constant 0 : i32
      %dma_wait3A_853 = tpu.memref_slice %arg14[%add3A_478, %dma_wait3A_852] : memref<80x128xi32, #tpu.memory_space<vmem>> -> memref<1x128xi32, #tpu.memory_space<vmem>>
      %dma_wait3A_854 = tpu.memref_squeeze %dma_wait3A_853 : memref<1x128xi32, #tpu.memory_space<vmem>> -> memref<128xi32, #tpu.memory_space<vmem>>
      %dma_wait3A_855 = arith.constant 0 : i32
      %dma_wait3A_856 = tpu.memref_slice %arg9[%dma_wait3A_855] : memref<160000xf32, #tpu.memory_space<vmem_shared>> -> memref<160000xf32, #tpu.memory_space<vmem_shared>>
      tpu.wait_indirect_dma semaphore(%arg16 : memref<!tpu.dma_semaphore, #tpu.memory_space<semaphore_mem>>) src(%dma_wait3A_851 : memref<128xf32, #tpu.memory_space<vmem>>) dst(%dma_wait3A_856 : memref<160000xf32, #tpu.memory_space<vmem_shared>>)
      %dma_wait3A_857 = arith.constant 2 : i32
      %dma_wait3A_858 = arith.constant 4 : i32
      %dma_wait3A_859 = arith.constant 0 : i32
      %dma_wait3A_860 = tpu.memref_slice %arg15[%rem3A_186, %dma_wait3A_857, %dma_wait3A_858, %dma_wait3A_859] : memref<2x4x8x128xf32, #tpu.memory_space<vmem>> -> memref<1x1x1x128xf32, #tpu.memory_space<vmem>>
      %dma_wait3A_861 = tpu.memref_squeeze %dma_wait3A_860 : memref<1x1x1x128xf32, #tpu.memory_space<vmem>> -> memref<128xf32, #tpu.memory_space<vmem>>
      %dma_wait3A_862 = arith.constant 0 : i32
      %dma_wait3A_863 = tpu.memref_slice %arg14[%add3A_492, %dma_wait3A_862] : memref<80x128xi32, #tpu.memory_space<vmem>> -> memref<1x128xi32, #tpu.memory_space<vmem>>
      %dma_wait3A_864 = tpu.memref_squeeze %dma_wait3A_863 : memref<1x128xi32, #tpu.memory_space<vmem>> -> memref<128xi32, #tpu.memory_space<vmem>>
      %dma_wait3A_865 = arith.constant 0 : i32
      %dma_wait3A_866 = tpu.memref_slice %arg10[%dma_wait3A_865] : memref<160000xf32, #tpu.memory_space<vmem_shared>> -> memref<160000xf32, #tpu.memory_space<vmem_shared>>
      tpu.wait_indirect_dma semaphore(%arg16 : memref<!tpu.dma_semaphore, #tpu.memory_space<semaphore_mem>>) src(%dma_wait3A_861 : memref<128xf32, #tpu.memory_space<vmem>>) dst(%dma_wait3A_866 : memref<160000xf32, #tpu.memory_space<vmem_shared>>)
      %dma_wait3A_867 = arith.constant 2 : i32
      %dma_wait3A_868 = arith.constant 5 : i32
      %dma_wait3A_869 = arith.constant 0 : i32
      %dma_wait3A_870 = tpu.memref_slice %arg15[%rem3A_186, %dma_wait3A_867, %dma_wait3A_868, %dma_wait3A_869] : memref<2x4x8x128xf32, #tpu.memory_space<vmem>> -> memref<1x1x1x128xf32, #tpu.memory_space<vmem>>
      %dma_wait3A_871 = tpu.memref_squeeze %dma_wait3A_870 : memref<1x1x1x128xf32, #tpu.memory_space<vmem>> -> memref<128xf32, #tpu.memory_space<vmem>>
      %dma_wait3A_872 = arith.constant 0 : i32
      %dma_wait3A_873 = tpu.memref_slice %arg14[%add3A_506, %dma_wait3A_872] : memref<80x128xi32, #tpu.memory_space<vmem>> -> memref<1x128xi32, #tpu.memory_space<vmem>>
      %dma_wait3A_874 = tpu.memref_squeeze %dma_wait3A_873 : memref<1x128xi32, #tpu.memory_space<vmem>> -> memref<128xi32, #tpu.memory_space<vmem>>
      %dma_wait3A_875 = arith.constant 0 : i32
      %dma_wait3A_876 = tpu.memref_slice %arg11[%dma_wait3A_875] : memref<160000xf32, #tpu.memory_space<vmem_shared>> -> memref<160000xf32, #tpu.memory_space<vmem_shared>>
      tpu.wait_indirect_dma semaphore(%arg16 : memref<!tpu.dma_semaphore, #tpu.memory_space<semaphore_mem>>) src(%dma_wait3A_871 : memref<128xf32, #tpu.memory_space<vmem>>) dst(%dma_wait3A_876 : memref<160000xf32, #tpu.memory_space<vmem_shared>>)
      %dma_wait3A_877 = arith.constant 2 : i32
      %dma_wait3A_878 = arith.constant 6 : i32
      %dma_wait3A_879 = arith.constant 0 : i32
      %dma_wait3A_880 = tpu.memref_slice %arg15[%rem3A_186, %dma_wait3A_877, %dma_wait3A_878, %dma_wait3A_879] : memref<2x4x8x128xf32, #tpu.memory_space<vmem>> -> memref<1x1x1x128xf32, #tpu.memory_space<vmem>>
      %dma_wait3A_881 = tpu.memref_squeeze %dma_wait3A_880 : memref<1x1x1x128xf32, #tpu.memory_space<vmem>> -> memref<128xf32, #tpu.memory_space<vmem>>
      %dma_wait3A_882 = arith.constant 0 : i32
      %dma_wait3A_883 = tpu.memref_slice %arg14[%add3A_520, %dma_wait3A_882] : memref<80x128xi32, #tpu.memory_space<vmem>> -> memref<1x128xi32, #tpu.memory_space<vmem>>
      %dma_wait3A_884 = tpu.memref_squeeze %dma_wait3A_883 : memref<1x128xi32, #tpu.memory_space<vmem>> -> memref<128xi32, #tpu.memory_space<vmem>>
      %dma_wait3A_885 = arith.constant 0 : i32
      %dma_wait3A_886 = tpu.memref_slice %arg12[%dma_wait3A_885] : memref<160000xf32, #tpu.memory_space<vmem_shared>> -> memref<160000xf32, #tpu.memory_space<vmem_shared>>
      tpu.wait_indirect_dma semaphore(%arg16 : memref<!tpu.dma_semaphore, #tpu.memory_space<semaphore_mem>>) src(%dma_wait3A_881 : memref<128xf32, #tpu.memory_space<vmem>>) dst(%dma_wait3A_886 : memref<160000xf32, #tpu.memory_space<vmem_shared>>)
      %dma_wait3A_887 = arith.constant 2 : i32
      %dma_wait3A_888 = arith.constant 7 : i32
      %dma_wait3A_889 = arith.constant 0 : i32
      %dma_wait3A_890 = tpu.memref_slice %arg15[%rem3A_186, %dma_wait3A_887, %dma_wait3A_888, %dma_wait3A_889] : memref<2x4x8x128xf32, #tpu.memory_space<vmem>> -> memref<1x1x1x128xf32, #tpu.memory_space<vmem>>
      %dma_wait3A_891 = tpu.memref_squeeze %dma_wait3A_890 : memref<1x1x1x128xf32, #tpu.memory_space<vmem>> -> memref<128xf32, #tpu.memory_space<vmem>>
      %dma_wait3A_892 = arith.constant 0 : i32
      %dma_wait3A_893 = tpu.memref_slice %arg14[%add3A_534, %dma_wait3A_892] : memref<80x128xi32, #tpu.memory_space<vmem>> -> memref<1x128xi32, #tpu.memory_space<vmem>>
      %dma_wait3A_894 = tpu.memref_squeeze %dma_wait3A_893 : memref<1x128xi32, #tpu.memory_space<vmem>> -> memref<128xi32, #tpu.memory_space<vmem>>
      %dma_wait3A_895 = arith.constant 0 : i32
      %dma_wait3A_896 = tpu.memref_slice %arg13[%dma_wait3A_895] : memref<160000xf32, #tpu.memory_space<vmem_shared>> -> memref<160000xf32, #tpu.memory_space<vmem_shared>>
      tpu.wait_indirect_dma semaphore(%arg16 : memref<!tpu.dma_semaphore, #tpu.memory_space<semaphore_mem>>) src(%dma_wait3A_891 : memref<128xf32, #tpu.memory_space<vmem>>) dst(%dma_wait3A_896 : memref<160000xf32, #tpu.memory_space<vmem_shared>>)
      %dma_wait3A_897 = arith.constant 3 : i32
      %dma_wait3A_898 = arith.constant 0 : i32
      %dma_wait3A_899 = arith.constant 0 : i32
      %dma_wait3A_900 = tpu.memref_slice %arg15[%rem3A_186, %dma_wait3A_897, %dma_wait3A_898, %dma_wait3A_899] : memref<2x4x8x128xf32, #tpu.memory_space<vmem>> -> memref<1x1x1x128xf32, #tpu.memory_space<vmem>>
      %dma_wait3A_901 = tpu.memref_squeeze %dma_wait3A_900 : memref<1x1x1x128xf32, #tpu.memory_space<vmem>> -> memref<128xf32, #tpu.memory_space<vmem>>
      %dma_wait3A_902 = arith.constant 0 : i32
      %dma_wait3A_903 = tpu.memref_slice %arg14[%add3A_548, %dma_wait3A_902] : memref<80x128xi32, #tpu.memory_space<vmem>> -> memref<1x128xi32, #tpu.memory_space<vmem>>
      %dma_wait3A_904 = tpu.memref_squeeze %dma_wait3A_903 : memref<1x128xi32, #tpu.memory_space<vmem>> -> memref<128xi32, #tpu.memory_space<vmem>>
      %dma_wait3A_905 = arith.constant 0 : i32
      %dma_wait3A_906 = tpu.memref_slice %arg6[%dma_wait3A_905] : memref<160000xf32, #tpu.memory_space<vmem_shared>> -> memref<160000xf32, #tpu.memory_space<vmem_shared>>
      tpu.wait_indirect_dma semaphore(%arg16 : memref<!tpu.dma_semaphore, #tpu.memory_space<semaphore_mem>>) src(%dma_wait3A_901 : memref<128xf32, #tpu.memory_space<vmem>>) dst(%dma_wait3A_906 : memref<160000xf32, #tpu.memory_space<vmem_shared>>)
      %dma_wait3A_907 = arith.constant 3 : i32
      %dma_wait3A_908 = arith.constant 1 : i32
      %dma_wait3A_909 = arith.constant 0 : i32
      %dma_wait3A_910 = tpu.memref_slice %arg15[%rem3A_186, %dma_wait3A_907, %dma_wait3A_908, %dma_wait3A_909] : memref<2x4x8x128xf32, #tpu.memory_space<vmem>> -> memref<1x1x1x128xf32, #tpu.memory_space<vmem>>
      %dma_wait3A_911 = tpu.memref_squeeze %dma_wait3A_910 : memref<1x1x1x128xf32, #tpu.memory_space<vmem>> -> memref<128xf32, #tpu.memory_space<vmem>>
      %dma_wait3A_912 = arith.constant 0 : i32
      %dma_wait3A_913 = tpu.memref_slice %arg14[%add3A_562, %dma_wait3A_912] : memref<80x128xi32, #tpu.memory_space<vmem>> -> memref<1x128xi32, #tpu.memory_space<vmem>>
      %dma_wait3A_914 = tpu.memref_squeeze %dma_wait3A_913 : memref<1x128xi32, #tpu.memory_space<vmem>> -> memref<128xi32, #tpu.memory_space<vmem>>
      %dma_wait3A_915 = arith.constant 0 : i32
      %dma_wait3A_916 = tpu.memref_slice %arg7[%dma_wait3A_915] : memref<160000xf32, #tpu.memory_space<vmem_shared>> -> memref<160000xf32, #tpu.memory_space<vmem_shared>>
      tpu.wait_indirect_dma semaphore(%arg16 : memref<!tpu.dma_semaphore, #tpu.memory_space<semaphore_mem>>) src(%dma_wait3A_911 : memref<128xf32, #tpu.memory_space<vmem>>) dst(%dma_wait3A_916 : memref<160000xf32, #tpu.memory_space<vmem_shared>>)
      %dma_wait3A_917 = arith.constant 3 : i32
      %dma_wait3A_918 = arith.constant 2 : i32
      %dma_wait3A_919 = arith.constant 0 : i32
      %dma_wait3A_920 = tpu.memref_slice %arg15[%rem3A_186, %dma_wait3A_917, %dma_wait3A_918, %dma_wait3A_919] : memref<2x4x8x128xf32, #tpu.memory_space<vmem>> -> memref<1x1x1x128xf32, #tpu.memory_space<vmem>>
      %dma_wait3A_921 = tpu.memref_squeeze %dma_wait3A_920 : memref<1x1x1x128xf32, #tpu.memory_space<vmem>> -> memref<128xf32, #tpu.memory_space<vmem>>
      %dma_wait3A_922 = arith.constant 0 : i32
      %dma_wait3A_923 = tpu.memref_slice %arg14[%add3A_576, %dma_wait3A_922] : memref<80x128xi32, #tpu.memory_space<vmem>> -> memref<1x128xi32, #tpu.memory_space<vmem>>
      %dma_wait3A_924 = tpu.memref_squeeze %dma_wait3A_923 : memref<1x128xi32, #tpu.memory_space<vmem>> -> memref<128xi32, #tpu.memory_space<vmem>>
      %dma_wait3A_925 = arith.constant 0 : i32
      %dma_wait3A_926 = tpu.memref_slice %arg8[%dma_wait3A_925] : memref<160000xf32, #tpu.memory_space<vmem_shared>> -> memref<160000xf32, #tpu.memory_space<vmem_shared>>
      tpu.wait_indirect_dma semaphore(%arg16 : memref<!tpu.dma_semaphore, #tpu.memory_space<semaphore_mem>>) src(%dma_wait3A_921 : memref<128xf32, #tpu.memory_space<vmem>>) dst(%dma_wait3A_926 : memref<160000xf32, #tpu.memory_space<vmem_shared>>)
      %dma_wait3A_927 = arith.constant 3 : i32
      %dma_wait3A_928 = arith.constant 3 : i32
      %dma_wait3A_929 = arith.constant 0 : i32
      %dma_wait3A_930 = tpu.memref_slice %arg15[%rem3A_186, %dma_wait3A_927, %dma_wait3A_928, %dma_wait3A_929] : memref<2x4x8x128xf32, #tpu.memory_space<vmem>> -> memref<1x1x1x128xf32, #tpu.memory_space<vmem>>
      %dma_wait3A_931 = tpu.memref_squeeze %dma_wait3A_930 : memref<1x1x1x128xf32, #tpu.memory_space<vmem>> -> memref<128xf32, #tpu.memory_space<vmem>>
      %dma_wait3A_932 = arith.constant 0 : i32
      %dma_wait3A_933 = tpu.memref_slice %arg14[%add3A_590, %dma_wait3A_932] : memref<80x128xi32, #tpu.memory_space<vmem>> -> memref<1x128xi32, #tpu.memory_space<vmem>>
      %dma_wait3A_934 = tpu.memref_squeeze %dma_wait3A_933 : memref<1x128xi32, #tpu.memory_space<vmem>> -> memref<128xi32, #tpu.memory_space<vmem>>
      %dma_wait3A_935 = arith.constant 0 : i32
      %dma_wait3A_936 = tpu.memref_slice %arg9[%dma_wait3A_935] : memref<160000xf32, #tpu.memory_space<vmem_shared>> -> memref<160000xf32, #tpu.memory_space<vmem_shared>>
      tpu.wait_indirect_dma semaphore(%arg16 : memref<!tpu.dma_semaphore, #tpu.memory_space<semaphore_mem>>) src(%dma_wait3A_931 : memref<128xf32, #tpu.memory_space<vmem>>) dst(%dma_wait3A_936 : memref<160000xf32, #tpu.memory_space<vmem_shared>>)
      %dma_wait3A_937 = arith.constant 3 : i32
      %dma_wait3A_938 = arith.constant 4 : i32
      %dma_wait3A_939 = arith.constant 0 : i32
      %dma_wait3A_940 = tpu.memref_slice %arg15[%rem3A_186, %dma_wait3A_937, %dma_wait3A_938, %dma_wait3A_939] : memref<2x4x8x128xf32, #tpu.memory_space<vmem>> -> memref<1x1x1x128xf32, #tpu.memory_space<vmem>>
      %dma_wait3A_941 = tpu.memref_squeeze %dma_wait3A_940 : memref<1x1x1x128xf32, #tpu.memory_space<vmem>> -> memref<128xf32, #tpu.memory_space<vmem>>
      %dma_wait3A_942 = arith.constant 0 : i32
      %dma_wait3A_943 = tpu.memref_slice %arg14[%add3A_604, %dma_wait3A_942] : memref<80x128xi32, #tpu.memory_space<vmem>> -> memref<1x128xi32, #tpu.memory_space<vmem>>
      %dma_wait3A_944 = tpu.memref_squeeze %dma_wait3A_943 : memref<1x128xi32, #tpu.memory_space<vmem>> -> memref<128xi32, #tpu.memory_space<vmem>>
      %dma_wait3A_945 = arith.constant 0 : i32
      %dma_wait3A_946 = tpu.memref_slice %arg10[%dma_wait3A_945] : memref<160000xf32, #tpu.memory_space<vmem_shared>> -> memref<160000xf32, #tpu.memory_space<vmem_shared>>
      tpu.wait_indirect_dma semaphore(%arg16 : memref<!tpu.dma_semaphore, #tpu.memory_space<semaphore_mem>>) src(%dma_wait3A_941 : memref<128xf32, #tpu.memory_space<vmem>>) dst(%dma_wait3A_946 : memref<160000xf32, #tpu.memory_space<vmem_shared>>)
      %dma_wait3A_947 = arith.constant 3 : i32
      %dma_wait3A_948 = arith.constant 5 : i32
      %dma_wait3A_949 = arith.constant 0 : i32
      %dma_wait3A_950 = tpu.memref_slice %arg15[%rem3A_186, %dma_wait3A_947, %dma_wait3A_948, %dma_wait3A_949] : memref<2x4x8x128xf32, #tpu.memory_space<vmem>> -> memref<1x1x1x128xf32, #tpu.memory_space<vmem>>
      %dma_wait3A_951 = tpu.memref_squeeze %dma_wait3A_950 : memref<1x1x1x128xf32, #tpu.memory_space<vmem>> -> memref<128xf32, #tpu.memory_space<vmem>>
      %dma_wait3A_952 = arith.constant 0 : i32
      %dma_wait3A_953 = tpu.memref_slice %arg14[%add3A_618, %dma_wait3A_952] : memref<80x128xi32, #tpu.memory_space<vmem>> -> memref<1x128xi32, #tpu.memory_space<vmem>>
      %dma_wait3A_954 = tpu.memref_squeeze %dma_wait3A_953 : memref<1x128xi32, #tpu.memory_space<vmem>> -> memref<128xi32, #tpu.memory_space<vmem>>
      %dma_wait3A_955 = arith.constant 0 : i32
      %dma_wait3A_956 = tpu.memref_slice %arg11[%dma_wait3A_955] : memref<160000xf32, #tpu.memory_space<vmem_shared>> -> memref<160000xf32, #tpu.memory_space<vmem_shared>>
      tpu.wait_indirect_dma semaphore(%arg16 : memref<!tpu.dma_semaphore, #tpu.memory_space<semaphore_mem>>) src(%dma_wait3A_951 : memref<128xf32, #tpu.memory_space<vmem>>) dst(%dma_wait3A_956 : memref<160000xf32, #tpu.memory_space<vmem_shared>>)
      %dma_wait3A_957 = arith.constant 3 : i32
      %dma_wait3A_958 = arith.constant 6 : i32
      %dma_wait3A_959 = arith.constant 0 : i32
      %dma_wait3A_960 = tpu.memref_slice %arg15[%rem3A_186, %dma_wait3A_957, %dma_wait3A_958, %dma_wait3A_959] : memref<2x4x8x128xf32, #tpu.memory_space<vmem>> -> memref<1x1x1x128xf32, #tpu.memory_space<vmem>>
      %dma_wait3A_961 = tpu.memref_squeeze %dma_wait3A_960 : memref<1x1x1x128xf32, #tpu.memory_space<vmem>> -> memref<128xf32, #tpu.memory_space<vmem>>
      %dma_wait3A_962 = arith.constant 0 : i32
      %dma_wait3A_963 = tpu.memref_slice %arg14[%add3A_632, %dma_wait3A_962] : memref<80x128xi32, #tpu.memory_space<vmem>> -> memref<1x128xi32, #tpu.memory_space<vmem>>
      %dma_wait3A_964 = tpu.memref_squeeze %dma_wait3A_963 : memref<1x128xi32, #tpu.memory_space<vmem>> -> memref<128xi32, #tpu.memory_space<vmem>>
      %dma_wait3A_965 = arith.constant 0 : i32
      %dma_wait3A_966 = tpu.memref_slice %arg12[%dma_wait3A_965] : memref<160000xf32, #tpu.memory_space<vmem_shared>> -> memref<160000xf32, #tpu.memory_space<vmem_shared>>
      tpu.wait_indirect_dma semaphore(%arg16 : memref<!tpu.dma_semaphore, #tpu.memory_space<semaphore_mem>>) src(%dma_wait3A_961 : memref<128xf32, #tpu.memory_space<vmem>>) dst(%dma_wait3A_966 : memref<160000xf32, #tpu.memory_space<vmem_shared>>)
      %dma_wait3A_967 = arith.constant 3 : i32
      %dma_wait3A_968 = arith.constant 7 : i32
      %dma_wait3A_969 = arith.constant 0 : i32
      %dma_wait3A_970 = tpu.memref_slice %arg15[%rem3A_186, %dma_wait3A_967, %dma_wait3A_968, %dma_wait3A_969] : memref<2x4x8x128xf32, #tpu.memory_space<vmem>> -> memref<1x1x1x128xf32, #tpu.memory_space<vmem>>
      %dma_wait3A_971 = tpu.memref_squeeze %dma_wait3A_970 : memref<1x1x1x128xf32, #tpu.memory_space<vmem>> -> memref<128xf32, #tpu.memory_space<vmem>>
      %dma_wait3A_972 = arith.constant 0 : i32
      %dma_wait3A_973 = tpu.memref_slice %arg14[%add3A_646, %dma_wait3A_972] : memref<80x128xi32, #tpu.memory_space<vmem>> -> memref<1x128xi32, #tpu.memory_space<vmem>>
      %dma_wait3A_974 = tpu.memref_squeeze %dma_wait3A_973 : memref<1x128xi32, #tpu.memory_space<vmem>> -> memref<128xi32, #tpu.memory_space<vmem>>
      %dma_wait3A_975 = arith.constant 0 : i32
      %dma_wait3A_976 = tpu.memref_slice %arg13[%dma_wait3A_975] : memref<160000xf32, #tpu.memory_space<vmem_shared>> -> memref<160000xf32, #tpu.memory_space<vmem_shared>>
      tpu.wait_indirect_dma semaphore(%arg16 : memref<!tpu.dma_semaphore, #tpu.memory_space<semaphore_mem>>) src(%dma_wait3A_971 : memref<128xf32, #tpu.memory_space<vmem>>) dst(%dma_wait3A_976 : memref<160000xf32, #tpu.memory_space<vmem_shared>>)
    }
    %while3A_143 = arith.constant 1 : i32
    scf.for %while3A_184 = %while3A_141 to %while3A_137 step %while3A_143  : i32 {
      %rem3A_185 = arith.constant 2 : i32
      %rem3A_186 = arith.remsi %while3A_184, %rem3A_185 : i32
      %mul3A_187 = arith.constant 4 : i32
      %mul3A_188 = arith.muli %while3A_184, %mul3A_187 : i32
      %add3A_189 = arith.addi %mul3A_117, %mul3A_188 : i32
      %dma_wait3A_190 = arith.constant 0 : i32
      %dma_wait3A_191 = arith.constant 0 : i32
      %dma_wait3A_192 = arith.constant 0 : i32
      %dma_wait3A_193 = tpu.memref_slice %arg15[%rem3A_186, %dma_wait3A_190, %dma_wait3A_191, %dma_wait3A_192] : memref<2x4x8x128xf32, #tpu.memory_space<vmem>> -> memref<1x4x8x128xf32, #tpu.memory_space<vmem>>
      %dma_wait3A_194 = tpu.memref_squeeze %dma_wait3A_193 : memref<1x4x8x128xf32, #tpu.memory_space<vmem>> -> memref<4x8x128xf32, #tpu.memory_space<vmem>>
      %dma_wait3A_195 = arith.constant 0 : i32
      %dma_wait3A_196 = arith.constant 0 : i32
      %dma_wait3A_197 = tpu.memref_slice %arg3[%add3A_189, %dma_wait3A_195, %dma_wait3A_196] : memref<2500x8x128xf32, #tpu.memory_space<hbm>> -> memref<4x8x128xf32, #tpu.memory_space<hbm>>
      %dma_wait3A_198 = arith.constant 0 : i32
      %dma_wait3A_199 = arith.constant 0 : i32
      %dma_wait3A_200 = arith.constant 0 : i32
      %dma_wait3A_201 = tpu.memref_slice %arg15[%rem3A_186, %dma_wait3A_198, %dma_wait3A_199, %dma_wait3A_200] : memref<2x4x8x128xf32, #tpu.memory_space<vmem>> -> memref<1x4x8x128xf32, #tpu.memory_space<vmem>>
      %dma_wait3A_202 = tpu.memref_squeeze %dma_wait3A_201 : memref<1x4x8x128xf32, #tpu.memory_space<vmem>> -> memref<4x8x128xf32, #tpu.memory_space<vmem>>
      %dma_wait3A_203 = arith.constant 0 : i32
      %dma_wait3A_204 = arith.constant 0 : i32
      %dma_wait3A_205 = tpu.memref_slice %arg3[%add3A_189, %dma_wait3A_203, %dma_wait3A_204] : memref<2500x8x128xf32, #tpu.memory_space<hbm>> -> memref<4x8x128xf32, #tpu.memory_space<hbm>>
      tpu.wait_dma2 semaphore(%arg17 : memref<!tpu.dma_semaphore, #tpu.memory_space<semaphore_mem>>) src(%dma_wait3A_205 : memref<4x8x128xf32, #tpu.memory_space<hbm>>) dst(%dma_wait3A_202 : memref<4x8x128xf32, #tpu.memory_space<vmem>>)
      %add3A_206 = arith.constant 1 : i32
      %add3A_207 = arith.addi %while3A_184, %add3A_206 : i32
      %lt3A = arith.cmpi slt, %add3A_207, %min3A_21 : i32
      %convert_element_type3A = arith.extui %lt3A : i1 to i32
      %cond3A = arith.constant 0 : i32
      %cond3A_208 = arith.cmpi ne, %convert_element_type3A, %cond3A : i32
      scf.if %cond3A_208 {
        %add3A_977 = arith.constant 1 : i32
        %add3A_978 = arith.addi %while3A_184, %add3A_977 : i32
        %mul3A_979 = arith.constant 4 : i32
        %mul3A_980 = arith.muli %add3A_978, %mul3A_979 : i32
        %add3A_981 = arith.addi %mul3A_117, %mul3A_980 : i32
        %add3A_982 = arith.constant 1 : i32
        %add3A_983 = arith.addi %while3A_184, %add3A_982 : i32
        %rem3A_984 = arith.constant 2 : i32
        %rem3A_985 = arith.remsi %add3A_983, %rem3A_984 : i32
        %dma_start3A_986 = arith.constant 0 : i32
        %dma_start3A_987 = arith.constant 0 : i32
        %dma_start3A_988 = arith.constant 0 : i32
        %dma_start3A_989 = tpu.memref_slice %arg15[%rem3A_985, %dma_start3A_986, %dma_start3A_987, %dma_start3A_988] : memref<2x4x8x128xf32, #tpu.memory_space<vmem>> -> memref<1x4x8x128xf32, #tpu.memory_space<vmem>>
        %dma_start3A_990 = tpu.memref_squeeze %dma_start3A_989 : memref<1x4x8x128xf32, #tpu.memory_space<vmem>> -> memref<4x8x128xf32, #tpu.memory_space<vmem>>
        %dma_start3A_991 = arith.constant 0 : i32
        %dma_start3A_992 = arith.constant 0 : i32
        %dma_start3A_993 = tpu.memref_slice %arg3[%add3A_981, %dma_start3A_991, %dma_start3A_992] : memref<2500x8x128xf32, #tpu.memory_space<hbm>> -> memref<4x8x128xf32, #tpu.memory_space<hbm>>
        %dma_start3A_994 = arith.constant 0 : i32
        %dma_start3A_995 = arith.constant 0 : i32
        %dma_start3A_996 = arith.constant 0 : i32
        %dma_start3A_997 = tpu.memref_slice %arg15[%rem3A_985, %dma_start3A_994, %dma_start3A_995, %dma_start3A_996] : memref<2x4x8x128xf32, #tpu.memory_space<vmem>> -> memref<1x4x8x128xf32, #tpu.memory_space<vmem>>
        %dma_start3A_998 = tpu.memref_squeeze %dma_start3A_997 : memref<1x4x8x128xf32, #tpu.memory_space<vmem>> -> memref<4x8x128xf32, #tpu.memory_space<vmem>>
        %dma_start3A_999 = arith.constant 0 : i32
        %dma_start3A_1000 = arith.constant 0 : i32
        %dma_start3A_1001 = tpu.memref_slice %arg3[%add3A_981, %dma_start3A_999, %dma_start3A_1000] : memref<2500x8x128xf32, #tpu.memory_space<hbm>> -> memref<4x8x128xf32, #tpu.memory_space<hbm>>
        tpu.enqueue_dma source(%dma_start3A_1001 : memref<4x8x128xf32, #tpu.memory_space<hbm>>) target(%dma_start3A_998 : memref<4x8x128xf32, #tpu.memory_space<vmem>>) target_semaphore(%arg17 : memref<!tpu.dma_semaphore, #tpu.memory_space<semaphore_mem>>)
      } else {
      }
      %mul3A_209 = arith.constant 4 : i32
      %mul3A_210 = arith.muli %while3A_184, %mul3A_209 : i32
      %add3A_211 = arith.constant 0 : i32
      %add3A_212 = arith.addi %mul3A_210, %add3A_211 : i32
      %dma_start3A_213 = arith.constant 0 : i32
      %dma_start3A_214 = arith.constant 0 : i32
      %dma_start3A_215 = arith.constant 0 : i32
      %dma_start3A_216 = tpu.memref_slice %arg15[%rem3A_186, %dma_start3A_213, %dma_start3A_214, %dma_start3A_215] : memref<2x4x8x128xf32, #tpu.memory_space<vmem>> -> memref<1x1x1x128xf32, #tpu.memory_space<vmem>>
      %dma_start3A_217 = tpu.memref_squeeze %dma_start3A_216 : memref<1x1x1x128xf32, #tpu.memory_space<vmem>> -> memref<128xf32, #tpu.memory_space<vmem>>
      %dma_start3A_218 = arith.constant 0 : i32
      %dma_start3A_219 = tpu.memref_slice %arg14[%add3A_212, %dma_start3A_218] : memref<80x128xi32, #tpu.memory_space<vmem>> -> memref<1x128xi32, #tpu.memory_space<vmem>>
      %dma_start3A_220 = tpu.memref_squeeze %dma_start3A_219 : memref<1x128xi32, #tpu.memory_space<vmem>> -> memref<128xi32, #tpu.memory_space<vmem>>
      %dma_start3A_221 = arith.constant 0 : i32
      %dma_start3A_222 = tpu.memref_slice %arg6[%dma_start3A_221] : memref<160000xf32, #tpu.memory_space<vmem_shared>> -> memref<160000xf32, #tpu.memory_space<vmem_shared>>
      tpu.enqueue_indirect_dma source(%dma_start3A_217 : memref<128xf32, #tpu.memory_space<vmem>>) target(%dma_start3A_222 : memref<160000xf32, #tpu.memory_space<vmem_shared>>) offsets(%dma_start3A_220 : memref<128xi32, #tpu.memory_space<vmem>>) semaphore(%arg16 : memref<!tpu.dma_semaphore, #tpu.memory_space<semaphore_mem>>) {add = true}
      %mul3A_223 = arith.constant 4 : i32
      %mul3A_224 = arith.muli %while3A_184, %mul3A_223 : i32
      %add3A_225 = arith.constant 0 : i32
      %add3A_226 = arith.addi %mul3A_224, %add3A_225 : i32
      %dma_start3A_227 = arith.constant 0 : i32
      %dma_start3A_228 = arith.constant 1 : i32
      %dma_start3A_229 = arith.constant 0 : i32
      %dma_start3A_230 = tpu.memref_slice %arg15[%rem3A_186, %dma_start3A_227, %dma_start3A_228, %dma_start3A_229] : memref<2x4x8x128xf32, #tpu.memory_space<vmem>> -> memref<1x1x1x128xf32, #tpu.memory_space<vmem>>
      %dma_start3A_231 = tpu.memref_squeeze %dma_start3A_230 : memref<1x1x1x128xf32, #tpu.memory_space<vmem>> -> memref<128xf32, #tpu.memory_space<vmem>>
      %dma_start3A_232 = arith.constant 0 : i32
      %dma_start3A_233 = tpu.memref_slice %arg14[%add3A_226, %dma_start3A_232] : memref<80x128xi32, #tpu.memory_space<vmem>> -> memref<1x128xi32, #tpu.memory_space<vmem>>
      %dma_start3A_234 = tpu.memref_squeeze %dma_start3A_233 : memref<1x128xi32, #tpu.memory_space<vmem>> -> memref<128xi32, #tpu.memory_space<vmem>>
      %dma_start3A_235 = arith.constant 0 : i32
      %dma_start3A_236 = tpu.memref_slice %arg7[%dma_start3A_235] : memref<160000xf32, #tpu.memory_space<vmem_shared>> -> memref<160000xf32, #tpu.memory_space<vmem_shared>>
      tpu.enqueue_indirect_dma source(%dma_start3A_231 : memref<128xf32, #tpu.memory_space<vmem>>) target(%dma_start3A_236 : memref<160000xf32, #tpu.memory_space<vmem_shared>>) offsets(%dma_start3A_234 : memref<128xi32, #tpu.memory_space<vmem>>) semaphore(%arg16 : memref<!tpu.dma_semaphore, #tpu.memory_space<semaphore_mem>>) {add = true}
      %mul3A_237 = arith.constant 4 : i32
      %mul3A_238 = arith.muli %while3A_184, %mul3A_237 : i32
      %add3A_239 = arith.constant 0 : i32
      %add3A_240 = arith.addi %mul3A_238, %add3A_239 : i32
      %dma_start3A_241 = arith.constant 0 : i32
      %dma_start3A_242 = arith.constant 2 : i32
      %dma_start3A_243 = arith.constant 0 : i32
      %dma_start3A_244 = tpu.memref_slice %arg15[%rem3A_186, %dma_start3A_241, %dma_start3A_242, %dma_start3A_243] : memref<2x4x8x128xf32, #tpu.memory_space<vmem>> -> memref<1x1x1x128xf32, #tpu.memory_space<vmem>>
      %dma_start3A_245 = tpu.memref_squeeze %dma_start3A_244 : memref<1x1x1x128xf32, #tpu.memory_space<vmem>> -> memref<128xf32, #tpu.memory_space<vmem>>
      %dma_start3A_246 = arith.constant 0 : i32
      %dma_start3A_247 = tpu.memref_slice %arg14[%add3A_240, %dma_start3A_246] : memref<80x128xi32, #tpu.memory_space<vmem>> -> memref<1x128xi32, #tpu.memory_space<vmem>>
      %dma_start3A_248 = tpu.memref_squeeze %dma_start3A_247 : memref<1x128xi32, #tpu.memory_space<vmem>> -> memref<128xi32, #tpu.memory_space<vmem>>
      %dma_start3A_249 = arith.constant 0 : i32
      %dma_start3A_250 = tpu.memref_slice %arg8[%dma_start3A_249] : memref<160000xf32, #tpu.memory_space<vmem_shared>> -> memref<160000xf32, #tpu.memory_space<vmem_shared>>
      tpu.enqueue_indirect_dma source(%dma_start3A_245 : memref<128xf32, #tpu.memory_space<vmem>>) target(%dma_start3A_250 : memref<160000xf32, #tpu.memory_space<vmem_shared>>) offsets(%dma_start3A_248 : memref<128xi32, #tpu.memory_space<vmem>>) semaphore(%arg16 : memref<!tpu.dma_semaphore, #tpu.memory_space<semaphore_mem>>) {add = true}
      %mul3A_251 = arith.constant 4 : i32
      %mul3A_252 = arith.muli %while3A_184, %mul3A_251 : i32
      %add3A_253 = arith.constant 0 : i32
      %add3A_254 = arith.addi %mul3A_252, %add3A_253 : i32
      %dma_start3A_255 = arith.constant 0 : i32
      %dma_start3A_256 = arith.constant 3 : i32
      %dma_start3A_257 = arith.constant 0 : i32
      %dma_start3A_258 = tpu.memref_slice %arg15[%rem3A_186, %dma_start3A_255, %dma_start3A_256, %dma_start3A_257] : memref<2x4x8x128xf32, #tpu.memory_space<vmem>> -> memref<1x1x1x128xf32, #tpu.memory_space<vmem>>
      %dma_start3A_259 = tpu.memref_squeeze %dma_start3A_258 : memref<1x1x1x128xf32, #tpu.memory_space<vmem>> -> memref<128xf32, #tpu.memory_space<vmem>>
      %dma_start3A_260 = arith.constant 0 : i32
      %dma_start3A_261 = tpu.memref_slice %arg14[%add3A_254, %dma_start3A_260] : memref<80x128xi32, #tpu.memory_space<vmem>> -> memref<1x128xi32, #tpu.memory_space<vmem>>
      %dma_start3A_262 = tpu.memref_squeeze %dma_start3A_261 : memref<1x128xi32, #tpu.memory_space<vmem>> -> memref<128xi32, #tpu.memory_space<vmem>>
      %dma_start3A_263 = arith.constant 0 : i32
      %dma_start3A_264 = tpu.memref_slice %arg9[%dma_start3A_263] : memref<160000xf32, #tpu.memory_space<vmem_shared>> -> memref<160000xf32, #tpu.memory_space<vmem_shared>>
      tpu.enqueue_indirect_dma source(%dma_start3A_259 : memref<128xf32, #tpu.memory_space<vmem>>) target(%dma_start3A_264 : memref<160000xf32, #tpu.memory_space<vmem_shared>>) offsets(%dma_start3A_262 : memref<128xi32, #tpu.memory_space<vmem>>) semaphore(%arg16 : memref<!tpu.dma_semaphore, #tpu.memory_space<semaphore_mem>>) {add = true}
      %mul3A_265 = arith.constant 4 : i32
      %mul3A_266 = arith.muli %while3A_184, %mul3A_265 : i32
      %add3A_267 = arith.constant 0 : i32
      %add3A_268 = arith.addi %mul3A_266, %add3A_267 : i32
      %dma_start3A_269 = arith.constant 0 : i32
      %dma_start3A_270 = arith.constant 4 : i32
      %dma_start3A_271 = arith.constant 0 : i32
      %dma_start3A_272 = tpu.memref_slice %arg15[%rem3A_186, %dma_start3A_269, %dma_start3A_270, %dma_start3A_271] : memref<2x4x8x128xf32, #tpu.memory_space<vmem>> -> memref<1x1x1x128xf32, #tpu.memory_space<vmem>>
      %dma_start3A_273 = tpu.memref_squeeze %dma_start3A_272 : memref<1x1x1x128xf32, #tpu.memory_space<vmem>> -> memref<128xf32, #tpu.memory_space<vmem>>
      %dma_start3A_274 = arith.constant 0 : i32
      %dma_start3A_275 = tpu.memref_slice %arg14[%add3A_268, %dma_start3A_274] : memref<80x128xi32, #tpu.memory_space<vmem>> -> memref<1x128xi32, #tpu.memory_space<vmem>>
      %dma_start3A_276 = tpu.memref_squeeze %dma_start3A_275 : memref<1x128xi32, #tpu.memory_space<vmem>> -> memref<128xi32, #tpu.memory_space<vmem>>
      %dma_start3A_277 = arith.constant 0 : i32
      %dma_start3A_278 = tpu.memref_slice %arg10[%dma_start3A_277] : memref<160000xf32, #tpu.memory_space<vmem_shared>> -> memref<160000xf32, #tpu.memory_space<vmem_shared>>
      tpu.enqueue_indirect_dma source(%dma_start3A_273 : memref<128xf32, #tpu.memory_space<vmem>>) target(%dma_start3A_278 : memref<160000xf32, #tpu.memory_space<vmem_shared>>) offsets(%dma_start3A_276 : memref<128xi32, #tpu.memory_space<vmem>>) semaphore(%arg16 : memref<!tpu.dma_semaphore, #tpu.memory_space<semaphore_mem>>) {add = true}
      %mul3A_279 = arith.constant 4 : i32
      %mul3A_280 = arith.muli %while3A_184, %mul3A_279 : i32
      %add3A_281 = arith.constant 0 : i32
      %add3A_282 = arith.addi %mul3A_280, %add3A_281 : i32
      %dma_start3A_283 = arith.constant 0 : i32
      %dma_start3A_284 = arith.constant 5 : i32
      %dma_start3A_285 = arith.constant 0 : i32
      %dma_start3A_286 = tpu.memref_slice %arg15[%rem3A_186, %dma_start3A_283, %dma_start3A_284, %dma_start3A_285] : memref<2x4x8x128xf32, #tpu.memory_space<vmem>> -> memref<1x1x1x128xf32, #tpu.memory_space<vmem>>
      %dma_start3A_287 = tpu.memref_squeeze %dma_start3A_286 : memref<1x1x1x128xf32, #tpu.memory_space<vmem>> -> memref<128xf32, #tpu.memory_space<vmem>>
      %dma_start3A_288 = arith.constant 0 : i32
      %dma_start3A_289 = tpu.memref_slice %arg14[%add3A_282, %dma_start3A_288] : memref<80x128xi32, #tpu.memory_space<vmem>> -> memref<1x128xi32, #tpu.memory_space<vmem>>
      %dma_start3A_290 = tpu.memref_squeeze %dma_start3A_289 : memref<1x128xi32, #tpu.memory_space<vmem>> -> memref<128xi32, #tpu.memory_space<vmem>>
      %dma_start3A_291 = arith.constant 0 : i32
      %dma_start3A_292 = tpu.memref_slice %arg11[%dma_start3A_291] : memref<160000xf32, #tpu.memory_space<vmem_shared>> -> memref<160000xf32, #tpu.memory_space<vmem_shared>>
      tpu.enqueue_indirect_dma source(%dma_start3A_287 : memref<128xf32, #tpu.memory_space<vmem>>) target(%dma_start3A_292 : memref<160000xf32, #tpu.memory_space<vmem_shared>>) offsets(%dma_start3A_290 : memref<128xi32, #tpu.memory_space<vmem>>) semaphore(%arg16 : memref<!tpu.dma_semaphore, #tpu.memory_space<semaphore_mem>>) {add = true}
      %mul3A_293 = arith.constant 4 : i32
      %mul3A_294 = arith.muli %while3A_184, %mul3A_293 : i32
      %add3A_295 = arith.constant 0 : i32
      %add3A_296 = arith.addi %mul3A_294, %add3A_295 : i32
      %dma_start3A_297 = arith.constant 0 : i32
      %dma_start3A_298 = arith.constant 6 : i32
      %dma_start3A_299 = arith.constant 0 : i32
      %dma_start3A_300 = tpu.memref_slice %arg15[%rem3A_186, %dma_start3A_297, %dma_start3A_298, %dma_start3A_299] : memref<2x4x8x128xf32, #tpu.memory_space<vmem>> -> memref<1x1x1x128xf32, #tpu.memory_space<vmem>>
      %dma_start3A_301 = tpu.memref_squeeze %dma_start3A_300 : memref<1x1x1x128xf32, #tpu.memory_space<vmem>> -> memref<128xf32, #tpu.memory_space<vmem>>
      %dma_start3A_302 = arith.constant 0 : i32
      %dma_start3A_303 = tpu.memref_slice %arg14[%add3A_296, %dma_start3A_302] : memref<80x128xi32, #tpu.memory_space<vmem>> -> memref<1x128xi32, #tpu.memory_space<vmem>>
      %dma_start3A_304 = tpu.memref_squeeze %dma_start3A_303 : memref<1x128xi32, #tpu.memory_space<vmem>> -> memref<128xi32, #tpu.memory_space<vmem>>
      %dma_start3A_305 = arith.constant 0 : i32
      %dma_start3A_306 = tpu.memref_slice %arg12[%dma_start3A_305] : memref<160000xf32, #tpu.memory_space<vmem_shared>> -> memref<160000xf32, #tpu.memory_space<vmem_shared>>
      tpu.enqueue_indirect_dma source(%dma_start3A_301 : memref<128xf32, #tpu.memory_space<vmem>>) target(%dma_start3A_306 : memref<160000xf32, #tpu.memory_space<vmem_shared>>) offsets(%dma_start3A_304 : memref<128xi32, #tpu.memory_space<vmem>>) semaphore(%arg16 : memref<!tpu.dma_semaphore, #tpu.memory_space<semaphore_mem>>) {add = true}
      %mul3A_307 = arith.constant 4 : i32
      %mul3A_308 = arith.muli %while3A_184, %mul3A_307 : i32
      %add3A_309 = arith.constant 0 : i32
      %add3A_310 = arith.addi %mul3A_308, %add3A_309 : i32
      %dma_start3A_311 = arith.constant 0 : i32
      %dma_start3A_312 = arith.constant 7 : i32
      %dma_start3A_313 = arith.constant 0 : i32
      %dma_start3A_314 = tpu.memref_slice %arg15[%rem3A_186, %dma_start3A_311, %dma_start3A_312, %dma_start3A_313] : memref<2x4x8x128xf32, #tpu.memory_space<vmem>> -> memref<1x1x1x128xf32, #tpu.memory_space<vmem>>
      %dma_start3A_315 = tpu.memref_squeeze %dma_start3A_314 : memref<1x1x1x128xf32, #tpu.memory_space<vmem>> -> memref<128xf32, #tpu.memory_space<vmem>>
      %dma_start3A_316 = arith.constant 0 : i32
      %dma_start3A_317 = tpu.memref_slice %arg14[%add3A_310, %dma_start3A_316] : memref<80x128xi32, #tpu.memory_space<vmem>> -> memref<1x128xi32, #tpu.memory_space<vmem>>
      %dma_start3A_318 = tpu.memref_squeeze %dma_start3A_317 : memref<1x128xi32, #tpu.memory_space<vmem>> -> memref<128xi32, #tpu.memory_space<vmem>>
      %dma_start3A_319 = arith.constant 0 : i32
      %dma_start3A_320 = tpu.memref_slice %arg13[%dma_start3A_319] : memref<160000xf32, #tpu.memory_space<vmem_shared>> -> memref<160000xf32, #tpu.memory_space<vmem_shared>>
      tpu.enqueue_indirect_dma source(%dma_start3A_315 : memref<128xf32, #tpu.memory_space<vmem>>) target(%dma_start3A_320 : memref<160000xf32, #tpu.memory_space<vmem_shared>>) offsets(%dma_start3A_318 : memref<128xi32, #tpu.memory_space<vmem>>) semaphore(%arg16 : memref<!tpu.dma_semaphore, #tpu.memory_space<semaphore_mem>>) {add = true}
      %mul3A_321 = arith.constant 4 : i32
      %mul3A_322 = arith.muli %while3A_184, %mul3A_321 : i32
      %add3A_323 = arith.constant 1 : i32
      %add3A_324 = arith.addi %mul3A_322, %add3A_323 : i32
      %dma_start3A_325 = arith.constant 1 : i32
      %dma_start3A_326 = arith.constant 0 : i32
      %dma_start3A_327 = arith.constant 0 : i32
      %dma_start3A_328 = tpu.memref_slice %arg15[%rem3A_186, %dma_start3A_325, %dma_start3A_326, %dma_start3A_327] : memref<2x4x8x128xf32, #tpu.memory_space<vmem>> -> memref<1x1x1x128xf32, #tpu.memory_space<vmem>>
      %dma_start3A_329 = tpu.memref_squeeze %dma_start3A_328 : memref<1x1x1x128xf32, #tpu.memory_space<vmem>> -> memref<128xf32, #tpu.memory_space<vmem>>
      %dma_start3A_330 = arith.constant 0 : i32
      %dma_start3A_331 = tpu.memref_slice %arg14[%add3A_324, %dma_start3A_330] : memref<80x128xi32, #tpu.memory_space<vmem>> -> memref<1x128xi32, #tpu.memory_space<vmem>>
      %dma_start3A_332 = tpu.memref_squeeze %dma_start3A_331 : memref<1x128xi32, #tpu.memory_space<vmem>> -> memref<128xi32, #tpu.memory_space<vmem>>
      %dma_start3A_333 = arith.constant 0 : i32
      %dma_start3A_334 = tpu.memref_slice %arg6[%dma_start3A_333] : memref<160000xf32, #tpu.memory_space<vmem_shared>> -> memref<160000xf32, #tpu.memory_space<vmem_shared>>
      tpu.enqueue_indirect_dma source(%dma_start3A_329 : memref<128xf32, #tpu.memory_space<vmem>>) target(%dma_start3A_334 : memref<160000xf32, #tpu.memory_space<vmem_shared>>) offsets(%dma_start3A_332 : memref<128xi32, #tpu.memory_space<vmem>>) semaphore(%arg16 : memref<!tpu.dma_semaphore, #tpu.memory_space<semaphore_mem>>) {add = true}
      %mul3A_335 = arith.constant 4 : i32
      %mul3A_336 = arith.muli %while3A_184, %mul3A_335 : i32
      %add3A_337 = arith.constant 1 : i32
      %add3A_338 = arith.addi %mul3A_336, %add3A_337 : i32
      %dma_start3A_339 = arith.constant 1 : i32
      %dma_start3A_340 = arith.constant 1 : i32
      %dma_start3A_341 = arith.constant 0 : i32
      %dma_start3A_342 = tpu.memref_slice %arg15[%rem3A_186, %dma_start3A_339, %dma_start3A_340, %dma_start3A_341] : memref<2x4x8x128xf32, #tpu.memory_space<vmem>> -> memref<1x1x1x128xf32, #tpu.memory_space<vmem>>
      %dma_start3A_343 = tpu.memref_squeeze %dma_start3A_342 : memref<1x1x1x128xf32, #tpu.memory_space<vmem>> -> memref<128xf32, #tpu.memory_space<vmem>>
      %dma_start3A_344 = arith.constant 0 : i32
      %dma_start3A_345 = tpu.memref_slice %arg14[%add3A_338, %dma_start3A_344] : memref<80x128xi32, #tpu.memory_space<vmem>> -> memref<1x128xi32, #tpu.memory_space<vmem>>
      %dma_start3A_346 = tpu.memref_squeeze %dma_start3A_345 : memref<1x128xi32, #tpu.memory_space<vmem>> -> memref<128xi32, #tpu.memory_space<vmem>>
      %dma_start3A_347 = arith.constant 0 : i32
      %dma_start3A_348 = tpu.memref_slice %arg7[%dma_start3A_347] : memref<160000xf32, #tpu.memory_space<vmem_shared>> -> memref<160000xf32, #tpu.memory_space<vmem_shared>>
      tpu.enqueue_indirect_dma source(%dma_start3A_343 : memref<128xf32, #tpu.memory_space<vmem>>) target(%dma_start3A_348 : memref<160000xf32, #tpu.memory_space<vmem_shared>>) offsets(%dma_start3A_346 : memref<128xi32, #tpu.memory_space<vmem>>) semaphore(%arg16 : memref<!tpu.dma_semaphore, #tpu.memory_space<semaphore_mem>>) {add = true}
      %mul3A_349 = arith.constant 4 : i32
      %mul3A_350 = arith.muli %while3A_184, %mul3A_349 : i32
      %add3A_351 = arith.constant 1 : i32
      %add3A_352 = arith.addi %mul3A_350, %add3A_351 : i32
      %dma_start3A_353 = arith.constant 1 : i32
      %dma_start3A_354 = arith.constant 2 : i32
      %dma_start3A_355 = arith.constant 0 : i32
      %dma_start3A_356 = tpu.memref_slice %arg15[%rem3A_186, %dma_start3A_353, %dma_start3A_354, %dma_start3A_355] : memref<2x4x8x128xf32, #tpu.memory_space<vmem>> -> memref<1x1x1x128xf32, #tpu.memory_space<vmem>>
      %dma_start3A_357 = tpu.memref_squeeze %dma_start3A_356 : memref<1x1x1x128xf32, #tpu.memory_space<vmem>> -> memref<128xf32, #tpu.memory_space<vmem>>
      %dma_start3A_358 = arith.constant 0 : i32
      %dma_start3A_359 = tpu.memref_slice %arg14[%add3A_352, %dma_start3A_358] : memref<80x128xi32, #tpu.memory_space<vmem>> -> memref<1x128xi32, #tpu.memory_space<vmem>>
      %dma_start3A_360 = tpu.memref_squeeze %dma_start3A_359 : memref<1x128xi32, #tpu.memory_space<vmem>> -> memref<128xi32, #tpu.memory_space<vmem>>
      %dma_start3A_361 = arith.constant 0 : i32
      %dma_start3A_362 = tpu.memref_slice %arg8[%dma_start3A_361] : memref<160000xf32, #tpu.memory_space<vmem_shared>> -> memref<160000xf32, #tpu.memory_space<vmem_shared>>
      tpu.enqueue_indirect_dma source(%dma_start3A_357 : memref<128xf32, #tpu.memory_space<vmem>>) target(%dma_start3A_362 : memref<160000xf32, #tpu.memory_space<vmem_shared>>) offsets(%dma_start3A_360 : memref<128xi32, #tpu.memory_space<vmem>>) semaphore(%arg16 : memref<!tpu.dma_semaphore, #tpu.memory_space<semaphore_mem>>) {add = true}
      %mul3A_363 = arith.constant 4 : i32
      %mul3A_364 = arith.muli %while3A_184, %mul3A_363 : i32
      %add3A_365 = arith.constant 1 : i32
      %add3A_366 = arith.addi %mul3A_364, %add3A_365 : i32
      %dma_start3A_367 = arith.constant 1 : i32
      %dma_start3A_368 = arith.constant 3 : i32
      %dma_start3A_369 = arith.constant 0 : i32
      %dma_start3A_370 = tpu.memref_slice %arg15[%rem3A_186, %dma_start3A_367, %dma_start3A_368, %dma_start3A_369] : memref<2x4x8x128xf32, #tpu.memory_space<vmem>> -> memref<1x1x1x128xf32, #tpu.memory_space<vmem>>
      %dma_start3A_371 = tpu.memref_squeeze %dma_start3A_370 : memref<1x1x1x128xf32, #tpu.memory_space<vmem>> -> memref<128xf32, #tpu.memory_space<vmem>>
      %dma_start3A_372 = arith.constant 0 : i32
      %dma_start3A_373 = tpu.memref_slice %arg14[%add3A_366, %dma_start3A_372] : memref<80x128xi32, #tpu.memory_space<vmem>> -> memref<1x128xi32, #tpu.memory_space<vmem>>
      %dma_start3A_374 = tpu.memref_squeeze %dma_start3A_373 : memref<1x128xi32, #tpu.memory_space<vmem>> -> memref<128xi32, #tpu.memory_space<vmem>>
      %dma_start3A_375 = arith.constant 0 : i32
      %dma_start3A_376 = tpu.memref_slice %arg9[%dma_start3A_375] : memref<160000xf32, #tpu.memory_space<vmem_shared>> -> memref<160000xf32, #tpu.memory_space<vmem_shared>>
      tpu.enqueue_indirect_dma source(%dma_start3A_371 : memref<128xf32, #tpu.memory_space<vmem>>) target(%dma_start3A_376 : memref<160000xf32, #tpu.memory_space<vmem_shared>>) offsets(%dma_start3A_374 : memref<128xi32, #tpu.memory_space<vmem>>) semaphore(%arg16 : memref<!tpu.dma_semaphore, #tpu.memory_space<semaphore_mem>>) {add = true}
      %mul3A_377 = arith.constant 4 : i32
      %mul3A_378 = arith.muli %while3A_184, %mul3A_377 : i32
      %add3A_379 = arith.constant 1 : i32
      %add3A_380 = arith.addi %mul3A_378, %add3A_379 : i32
      %dma_start3A_381 = arith.constant 1 : i32
      %dma_start3A_382 = arith.constant 4 : i32
      %dma_start3A_383 = arith.constant 0 : i32
      %dma_start3A_384 = tpu.memref_slice %arg15[%rem3A_186, %dma_start3A_381, %dma_start3A_382, %dma_start3A_383] : memref<2x4x8x128xf32, #tpu.memory_space<vmem>> -> memref<1x1x1x128xf32, #tpu.memory_space<vmem>>
      %dma_start3A_385 = tpu.memref_squeeze %dma_start3A_384 : memref<1x1x1x128xf32, #tpu.memory_space<vmem>> -> memref<128xf32, #tpu.memory_space<vmem>>
      %dma_start3A_386 = arith.constant 0 : i32
      %dma_start3A_387 = tpu.memref_slice %arg14[%add3A_380, %dma_start3A_386] : memref<80x128xi32, #tpu.memory_space<vmem>> -> memref<1x128xi32, #tpu.memory_space<vmem>>
      %dma_start3A_388 = tpu.memref_squeeze %dma_start3A_387 : memref<1x128xi32, #tpu.memory_space<vmem>> -> memref<128xi32, #tpu.memory_space<vmem>>
      %dma_start3A_389 = arith.constant 0 : i32
      %dma_start3A_390 = tpu.memref_slice %arg10[%dma_start3A_389] : memref<160000xf32, #tpu.memory_space<vmem_shared>> -> memref<160000xf32, #tpu.memory_space<vmem_shared>>
      tpu.enqueue_indirect_dma source(%dma_start3A_385 : memref<128xf32, #tpu.memory_space<vmem>>) target(%dma_start3A_390 : memref<160000xf32, #tpu.memory_space<vmem_shared>>) offsets(%dma_start3A_388 : memref<128xi32, #tpu.memory_space<vmem>>) semaphore(%arg16 : memref<!tpu.dma_semaphore, #tpu.memory_space<semaphore_mem>>) {add = true}
      %mul3A_391 = arith.constant 4 : i32
      %mul3A_392 = arith.muli %while3A_184, %mul3A_391 : i32
      %add3A_393 = arith.constant 1 : i32
      %add3A_394 = arith.addi %mul3A_392, %add3A_393 : i32
      %dma_start3A_395 = arith.constant 1 : i32
      %dma_start3A_396 = arith.constant 5 : i32
      %dma_start3A_397 = arith.constant 0 : i32
      %dma_start3A_398 = tpu.memref_slice %arg15[%rem3A_186, %dma_start3A_395, %dma_start3A_396, %dma_start3A_397] : memref<2x4x8x128xf32, #tpu.memory_space<vmem>> -> memref<1x1x1x128xf32, #tpu.memory_space<vmem>>
      %dma_start3A_399 = tpu.memref_squeeze %dma_start3A_398 : memref<1x1x1x128xf32, #tpu.memory_space<vmem>> -> memref<128xf32, #tpu.memory_space<vmem>>
      %dma_start3A_400 = arith.constant 0 : i32
      %dma_start3A_401 = tpu.memref_slice %arg14[%add3A_394, %dma_start3A_400] : memref<80x128xi32, #tpu.memory_space<vmem>> -> memref<1x128xi32, #tpu.memory_space<vmem>>
      %dma_start3A_402 = tpu.memref_squeeze %dma_start3A_401 : memref<1x128xi32, #tpu.memory_space<vmem>> -> memref<128xi32, #tpu.memory_space<vmem>>
      %dma_start3A_403 = arith.constant 0 : i32
      %dma_start3A_404 = tpu.memref_slice %arg11[%dma_start3A_403] : memref<160000xf32, #tpu.memory_space<vmem_shared>> -> memref<160000xf32, #tpu.memory_space<vmem_shared>>
      tpu.enqueue_indirect_dma source(%dma_start3A_399 : memref<128xf32, #tpu.memory_space<vmem>>) target(%dma_start3A_404 : memref<160000xf32, #tpu.memory_space<vmem_shared>>) offsets(%dma_start3A_402 : memref<128xi32, #tpu.memory_space<vmem>>) semaphore(%arg16 : memref<!tpu.dma_semaphore, #tpu.memory_space<semaphore_mem>>) {add = true}
      %mul3A_405 = arith.constant 4 : i32
      %mul3A_406 = arith.muli %while3A_184, %mul3A_405 : i32
      %add3A_407 = arith.constant 1 : i32
      %add3A_408 = arith.addi %mul3A_406, %add3A_407 : i32
      %dma_start3A_409 = arith.constant 1 : i32
      %dma_start3A_410 = arith.constant 6 : i32
      %dma_start3A_411 = arith.constant 0 : i32
      %dma_start3A_412 = tpu.memref_slice %arg15[%rem3A_186, %dma_start3A_409, %dma_start3A_410, %dma_start3A_411] : memref<2x4x8x128xf32, #tpu.memory_space<vmem>> -> memref<1x1x1x128xf32, #tpu.memory_space<vmem>>
      %dma_start3A_413 = tpu.memref_squeeze %dma_start3A_412 : memref<1x1x1x128xf32, #tpu.memory_space<vmem>> -> memref<128xf32, #tpu.memory_space<vmem>>
      %dma_start3A_414 = arith.constant 0 : i32
      %dma_start3A_415 = tpu.memref_slice %arg14[%add3A_408, %dma_start3A_414] : memref<80x128xi32, #tpu.memory_space<vmem>> -> memref<1x128xi32, #tpu.memory_space<vmem>>
      %dma_start3A_416 = tpu.memref_squeeze %dma_start3A_415 : memref<1x128xi32, #tpu.memory_space<vmem>> -> memref<128xi32, #tpu.memory_space<vmem>>
      %dma_start3A_417 = arith.constant 0 : i32
      %dma_start3A_418 = tpu.memref_slice %arg12[%dma_start3A_417] : memref<160000xf32, #tpu.memory_space<vmem_shared>> -> memref<160000xf32, #tpu.memory_space<vmem_shared>>
      tpu.enqueue_indirect_dma source(%dma_start3A_413 : memref<128xf32, #tpu.memory_space<vmem>>) target(%dma_start3A_418 : memref<160000xf32, #tpu.memory_space<vmem_shared>>) offsets(%dma_start3A_416 : memref<128xi32, #tpu.memory_space<vmem>>) semaphore(%arg16 : memref<!tpu.dma_semaphore, #tpu.memory_space<semaphore_mem>>) {add = true}
      %mul3A_419 = arith.constant 4 : i32
      %mul3A_420 = arith.muli %while3A_184, %mul3A_419 : i32
      %add3A_421 = arith.constant 1 : i32
      %add3A_422 = arith.addi %mul3A_420, %add3A_421 : i32
      %dma_start3A_423 = arith.constant 1 : i32
      %dma_start3A_424 = arith.constant 7 : i32
      %dma_start3A_425 = arith.constant 0 : i32
      %dma_start3A_426 = tpu.memref_slice %arg15[%rem3A_186, %dma_start3A_423, %dma_start3A_424, %dma_start3A_425] : memref<2x4x8x128xf32, #tpu.memory_space<vmem>> -> memref<1x1x1x128xf32, #tpu.memory_space<vmem>>
      %dma_start3A_427 = tpu.memref_squeeze %dma_start3A_426 : memref<1x1x1x128xf32, #tpu.memory_space<vmem>> -> memref<128xf32, #tpu.memory_space<vmem>>
      %dma_start3A_428 = arith.constant 0 : i32
      %dma_start3A_429 = tpu.memref_slice %arg14[%add3A_422, %dma_start3A_428] : memref<80x128xi32, #tpu.memory_space<vmem>> -> memref<1x128xi32, #tpu.memory_space<vmem>>
      %dma_start3A_430 = tpu.memref_squeeze %dma_start3A_429 : memref<1x128xi32, #tpu.memory_space<vmem>> -> memref<128xi32, #tpu.memory_space<vmem>>
      %dma_start3A_431 = arith.constant 0 : i32
      %dma_start3A_432 = tpu.memref_slice %arg13[%dma_start3A_431] : memref<160000xf32, #tpu.memory_space<vmem_shared>> -> memref<160000xf32, #tpu.memory_space<vmem_shared>>
      tpu.enqueue_indirect_dma source(%dma_start3A_427 : memref<128xf32, #tpu.memory_space<vmem>>) target(%dma_start3A_432 : memref<160000xf32, #tpu.memory_space<vmem_shared>>) offsets(%dma_start3A_430 : memref<128xi32, #tpu.memory_space<vmem>>) semaphore(%arg16 : memref<!tpu.dma_semaphore, #tpu.memory_space<semaphore_mem>>) {add = true}
      %mul3A_433 = arith.constant 4 : i32
      %mul3A_434 = arith.muli %while3A_184, %mul3A_433 : i32
      %add3A_435 = arith.constant 2 : i32
      %add3A_436 = arith.addi %mul3A_434, %add3A_435 : i32
      %dma_start3A_437 = arith.constant 2 : i32
      %dma_start3A_438 = arith.constant 0 : i32
      %dma_start3A_439 = arith.constant 0 : i32
      %dma_start3A_440 = tpu.memref_slice %arg15[%rem3A_186, %dma_start3A_437, %dma_start3A_438, %dma_start3A_439] : memref<2x4x8x128xf32, #tpu.memory_space<vmem>> -> memref<1x1x1x128xf32, #tpu.memory_space<vmem>>
      %dma_start3A_441 = tpu.memref_squeeze %dma_start3A_440 : memref<1x1x1x128xf32, #tpu.memory_space<vmem>> -> memref<128xf32, #tpu.memory_space<vmem>>
      %dma_start3A_442 = arith.constant 0 : i32
      %dma_start3A_443 = tpu.memref_slice %arg14[%add3A_436, %dma_start3A_442] : memref<80x128xi32, #tpu.memory_space<vmem>> -> memref<1x128xi32, #tpu.memory_space<vmem>>
      %dma_start3A_444 = tpu.memref_squeeze %dma_start3A_443 : memref<1x128xi32, #tpu.memory_space<vmem>> -> memref<128xi32, #tpu.memory_space<vmem>>
      %dma_start3A_445 = arith.constant 0 : i32
      %dma_start3A_446 = tpu.memref_slice %arg6[%dma_start3A_445] : memref<160000xf32, #tpu.memory_space<vmem_shared>> -> memref<160000xf32, #tpu.memory_space<vmem_shared>>
      tpu.enqueue_indirect_dma source(%dma_start3A_441 : memref<128xf32, #tpu.memory_space<vmem>>) target(%dma_start3A_446 : memref<160000xf32, #tpu.memory_space<vmem_shared>>) offsets(%dma_start3A_444 : memref<128xi32, #tpu.memory_space<vmem>>) semaphore(%arg16 : memref<!tpu.dma_semaphore, #tpu.memory_space<semaphore_mem>>) {add = true}
      %mul3A_447 = arith.constant 4 : i32
      %mul3A_448 = arith.muli %while3A_184, %mul3A_447 : i32
      %add3A_449 = arith.constant 2 : i32
      %add3A_450 = arith.addi %mul3A_448, %add3A_449 : i32
      %dma_start3A_451 = arith.constant 2 : i32
      %dma_start3A_452 = arith.constant 1 : i32
      %dma_start3A_453 = arith.constant 0 : i32
      %dma_start3A_454 = tpu.memref_slice %arg15[%rem3A_186, %dma_start3A_451, %dma_start3A_452, %dma_start3A_453] : memref<2x4x8x128xf32, #tpu.memory_space<vmem>> -> memref<1x1x1x128xf32, #tpu.memory_space<vmem>>
      %dma_start3A_455 = tpu.memref_squeeze %dma_start3A_454 : memref<1x1x1x128xf32, #tpu.memory_space<vmem>> -> memref<128xf32, #tpu.memory_space<vmem>>
      %dma_start3A_456 = arith.constant 0 : i32
      %dma_start3A_457 = tpu.memref_slice %arg14[%add3A_450, %dma_start3A_456] : memref<80x128xi32, #tpu.memory_space<vmem>> -> memref<1x128xi32, #tpu.memory_space<vmem>>
      %dma_start3A_458 = tpu.memref_squeeze %dma_start3A_457 : memref<1x128xi32, #tpu.memory_space<vmem>> -> memref<128xi32, #tpu.memory_space<vmem>>
      %dma_start3A_459 = arith.constant 0 : i32
      %dma_start3A_460 = tpu.memref_slice %arg7[%dma_start3A_459] : memref<160000xf32, #tpu.memory_space<vmem_shared>> -> memref<160000xf32, #tpu.memory_space<vmem_shared>>
      tpu.enqueue_indirect_dma source(%dma_start3A_455 : memref<128xf32, #tpu.memory_space<vmem>>) target(%dma_start3A_460 : memref<160000xf32, #tpu.memory_space<vmem_shared>>) offsets(%dma_start3A_458 : memref<128xi32, #tpu.memory_space<vmem>>) semaphore(%arg16 : memref<!tpu.dma_semaphore, #tpu.memory_space<semaphore_mem>>) {add = true}
      %mul3A_461 = arith.constant 4 : i32
      %mul3A_462 = arith.muli %while3A_184, %mul3A_461 : i32
      %add3A_463 = arith.constant 2 : i32
      %add3A_464 = arith.addi %mul3A_462, %add3A_463 : i32
      %dma_start3A_465 = arith.constant 2 : i32
      %dma_start3A_466 = arith.constant 2 : i32
      %dma_start3A_467 = arith.constant 0 : i32
      %dma_start3A_468 = tpu.memref_slice %arg15[%rem3A_186, %dma_start3A_465, %dma_start3A_466, %dma_start3A_467] : memref<2x4x8x128xf32, #tpu.memory_space<vmem>> -> memref<1x1x1x128xf32, #tpu.memory_space<vmem>>
      %dma_start3A_469 = tpu.memref_squeeze %dma_start3A_468 : memref<1x1x1x128xf32, #tpu.memory_space<vmem>> -> memref<128xf32, #tpu.memory_space<vmem>>
      %dma_start3A_470 = arith.constant 0 : i32
      %dma_start3A_471 = tpu.memref_slice %arg14[%add3A_464, %dma_start3A_470] : memref<80x128xi32, #tpu.memory_space<vmem>> -> memref<1x128xi32, #tpu.memory_space<vmem>>
      %dma_start3A_472 = tpu.memref_squeeze %dma_start3A_471 : memref<1x128xi32, #tpu.memory_space<vmem>> -> memref<128xi32, #tpu.memory_space<vmem>>
      %dma_start3A_473 = arith.constant 0 : i32
      %dma_start3A_474 = tpu.memref_slice %arg8[%dma_start3A_473] : memref<160000xf32, #tpu.memory_space<vmem_shared>> -> memref<160000xf32, #tpu.memory_space<vmem_shared>>
      tpu.enqueue_indirect_dma source(%dma_start3A_469 : memref<128xf32, #tpu.memory_space<vmem>>) target(%dma_start3A_474 : memref<160000xf32, #tpu.memory_space<vmem_shared>>) offsets(%dma_start3A_472 : memref<128xi32, #tpu.memory_space<vmem>>) semaphore(%arg16 : memref<!tpu.dma_semaphore, #tpu.memory_space<semaphore_mem>>) {add = true}
      %mul3A_475 = arith.constant 4 : i32
      %mul3A_476 = arith.muli %while3A_184, %mul3A_475 : i32
      %add3A_477 = arith.constant 2 : i32
      %add3A_478 = arith.addi %mul3A_476, %add3A_477 : i32
      %dma_start3A_479 = arith.constant 2 : i32
      %dma_start3A_480 = arith.constant 3 : i32
      %dma_start3A_481 = arith.constant 0 : i32
      %dma_start3A_482 = tpu.memref_slice %arg15[%rem3A_186, %dma_start3A_479, %dma_start3A_480, %dma_start3A_481] : memref<2x4x8x128xf32, #tpu.memory_space<vmem>> -> memref<1x1x1x128xf32, #tpu.memory_space<vmem>>
      %dma_start3A_483 = tpu.memref_squeeze %dma_start3A_482 : memref<1x1x1x128xf32, #tpu.memory_space<vmem>> -> memref<128xf32, #tpu.memory_space<vmem>>
      %dma_start3A_484 = arith.constant 0 : i32
      %dma_start3A_485 = tpu.memref_slice %arg14[%add3A_478, %dma_start3A_484] : memref<80x128xi32, #tpu.memory_space<vmem>> -> memref<1x128xi32, #tpu.memory_space<vmem>>
      %dma_start3A_486 = tpu.memref_squeeze %dma_start3A_485 : memref<1x128xi32, #tpu.memory_space<vmem>> -> memref<128xi32, #tpu.memory_space<vmem>>
      %dma_start3A_487 = arith.constant 0 : i32
      %dma_start3A_488 = tpu.memref_slice %arg9[%dma_start3A_487] : memref<160000xf32, #tpu.memory_space<vmem_shared>> -> memref<160000xf32, #tpu.memory_space<vmem_shared>>
      tpu.enqueue_indirect_dma source(%dma_start3A_483 : memref<128xf32, #tpu.memory_space<vmem>>) target(%dma_start3A_488 : memref<160000xf32, #tpu.memory_space<vmem_shared>>) offsets(%dma_start3A_486 : memref<128xi32, #tpu.memory_space<vmem>>) semaphore(%arg16 : memref<!tpu.dma_semaphore, #tpu.memory_space<semaphore_mem>>) {add = true}
      %mul3A_489 = arith.constant 4 : i32
      %mul3A_490 = arith.muli %while3A_184, %mul3A_489 : i32
      %add3A_491 = arith.constant 2 : i32
      %add3A_492 = arith.addi %mul3A_490, %add3A_491 : i32
      %dma_start3A_493 = arith.constant 2 : i32
      %dma_start3A_494 = arith.constant 4 : i32
      %dma_start3A_495 = arith.constant 0 : i32
      %dma_start3A_496 = tpu.memref_slice %arg15[%rem3A_186, %dma_start3A_493, %dma_start3A_494, %dma_start3A_495] : memref<2x4x8x128xf32, #tpu.memory_space<vmem>> -> memref<1x1x1x128xf32, #tpu.memory_space<vmem>>
      %dma_start3A_497 = tpu.memref_squeeze %dma_start3A_496 : memref<1x1x1x128xf32, #tpu.memory_space<vmem>> -> memref<128xf32, #tpu.memory_space<vmem>>
      %dma_start3A_498 = arith.constant 0 : i32
      %dma_start3A_499 = tpu.memref_slice %arg14[%add3A_492, %dma_start3A_498] : memref<80x128xi32, #tpu.memory_space<vmem>> -> memref<1x128xi32, #tpu.memory_space<vmem>>
      %dma_start3A_500 = tpu.memref_squeeze %dma_start3A_499 : memref<1x128xi32, #tpu.memory_space<vmem>> -> memref<128xi32, #tpu.memory_space<vmem>>
      %dma_start3A_501 = arith.constant 0 : i32
      %dma_start3A_502 = tpu.memref_slice %arg10[%dma_start3A_501] : memref<160000xf32, #tpu.memory_space<vmem_shared>> -> memref<160000xf32, #tpu.memory_space<vmem_shared>>
      tpu.enqueue_indirect_dma source(%dma_start3A_497 : memref<128xf32, #tpu.memory_space<vmem>>) target(%dma_start3A_502 : memref<160000xf32, #tpu.memory_space<vmem_shared>>) offsets(%dma_start3A_500 : memref<128xi32, #tpu.memory_space<vmem>>) semaphore(%arg16 : memref<!tpu.dma_semaphore, #tpu.memory_space<semaphore_mem>>) {add = true}
      %mul3A_503 = arith.constant 4 : i32
      %mul3A_504 = arith.muli %while3A_184, %mul3A_503 : i32
      %add3A_505 = arith.constant 2 : i32
      %add3A_506 = arith.addi %mul3A_504, %add3A_505 : i32
      %dma_start3A_507 = arith.constant 2 : i32
      %dma_start3A_508 = arith.constant 5 : i32
      %dma_start3A_509 = arith.constant 0 : i32
      %dma_start3A_510 = tpu.memref_slice %arg15[%rem3A_186, %dma_start3A_507, %dma_start3A_508, %dma_start3A_509] : memref<2x4x8x128xf32, #tpu.memory_space<vmem>> -> memref<1x1x1x128xf32, #tpu.memory_space<vmem>>
      %dma_start3A_511 = tpu.memref_squeeze %dma_start3A_510 : memref<1x1x1x128xf32, #tpu.memory_space<vmem>> -> memref<128xf32, #tpu.memory_space<vmem>>
      %dma_start3A_512 = arith.constant 0 : i32
      %dma_start3A_513 = tpu.memref_slice %arg14[%add3A_506, %dma_start3A_512] : memref<80x128xi32, #tpu.memory_space<vmem>> -> memref<1x128xi32, #tpu.memory_space<vmem>>
      %dma_start3A_514 = tpu.memref_squeeze %dma_start3A_513 : memref<1x128xi32, #tpu.memory_space<vmem>> -> memref<128xi32, #tpu.memory_space<vmem>>
      %dma_start3A_515 = arith.constant 0 : i32
      %dma_start3A_516 = tpu.memref_slice %arg11[%dma_start3A_515] : memref<160000xf32, #tpu.memory_space<vmem_shared>> -> memref<160000xf32, #tpu.memory_space<vmem_shared>>
      tpu.enqueue_indirect_dma source(%dma_start3A_511 : memref<128xf32, #tpu.memory_space<vmem>>) target(%dma_start3A_516 : memref<160000xf32, #tpu.memory_space<vmem_shared>>) offsets(%dma_start3A_514 : memref<128xi32, #tpu.memory_space<vmem>>) semaphore(%arg16 : memref<!tpu.dma_semaphore, #tpu.memory_space<semaphore_mem>>) {add = true}
      %mul3A_517 = arith.constant 4 : i32
      %mul3A_518 = arith.muli %while3A_184, %mul3A_517 : i32
      %add3A_519 = arith.constant 2 : i32
      %add3A_520 = arith.addi %mul3A_518, %add3A_519 : i32
      %dma_start3A_521 = arith.constant 2 : i32
      %dma_start3A_522 = arith.constant 6 : i32
      %dma_start3A_523 = arith.constant 0 : i32
      %dma_start3A_524 = tpu.memref_slice %arg15[%rem3A_186, %dma_start3A_521, %dma_start3A_522, %dma_start3A_523] : memref<2x4x8x128xf32, #tpu.memory_space<vmem>> -> memref<1x1x1x128xf32, #tpu.memory_space<vmem>>
      %dma_start3A_525 = tpu.memref_squeeze %dma_start3A_524 : memref<1x1x1x128xf32, #tpu.memory_space<vmem>> -> memref<128xf32, #tpu.memory_space<vmem>>
      %dma_start3A_526 = arith.constant 0 : i32
      %dma_start3A_527 = tpu.memref_slice %arg14[%add3A_520, %dma_start3A_526] : memref<80x128xi32, #tpu.memory_space<vmem>> -> memref<1x128xi32, #tpu.memory_space<vmem>>
      %dma_start3A_528 = tpu.memref_squeeze %dma_start3A_527 : memref<1x128xi32, #tpu.memory_space<vmem>> -> memref<128xi32, #tpu.memory_space<vmem>>
      %dma_start3A_529 = arith.constant 0 : i32
      %dma_start3A_530 = tpu.memref_slice %arg12[%dma_start3A_529] : memref<160000xf32, #tpu.memory_space<vmem_shared>> -> memref<160000xf32, #tpu.memory_space<vmem_shared>>
      tpu.enqueue_indirect_dma source(%dma_start3A_525 : memref<128xf32, #tpu.memory_space<vmem>>) target(%dma_start3A_530 : memref<160000xf32, #tpu.memory_space<vmem_shared>>) offsets(%dma_start3A_528 : memref<128xi32, #tpu.memory_space<vmem>>) semaphore(%arg16 : memref<!tpu.dma_semaphore, #tpu.memory_space<semaphore_mem>>) {add = true}
      %mul3A_531 = arith.constant 4 : i32
      %mul3A_532 = arith.muli %while3A_184, %mul3A_531 : i32
      %add3A_533 = arith.constant 2 : i32
      %add3A_534 = arith.addi %mul3A_532, %add3A_533 : i32
      %dma_start3A_535 = arith.constant 2 : i32
      %dma_start3A_536 = arith.constant 7 : i32
      %dma_start3A_537 = arith.constant 0 : i32
      %dma_start3A_538 = tpu.memref_slice %arg15[%rem3A_186, %dma_start3A_535, %dma_start3A_536, %dma_start3A_537] : memref<2x4x8x128xf32, #tpu.memory_space<vmem>> -> memref<1x1x1x128xf32, #tpu.memory_space<vmem>>
      %dma_start3A_539 = tpu.memref_squeeze %dma_start3A_538 : memref<1x1x1x128xf32, #tpu.memory_space<vmem>> -> memref<128xf32, #tpu.memory_space<vmem>>
      %dma_start3A_540 = arith.constant 0 : i32
      %dma_start3A_541 = tpu.memref_slice %arg14[%add3A_534, %dma_start3A_540] : memref<80x128xi32, #tpu.memory_space<vmem>> -> memref<1x128xi32, #tpu.memory_space<vmem>>
      %dma_start3A_542 = tpu.memref_squeeze %dma_start3A_541 : memref<1x128xi32, #tpu.memory_space<vmem>> -> memref<128xi32, #tpu.memory_space<vmem>>
      %dma_start3A_543 = arith.constant 0 : i32
      %dma_start3A_544 = tpu.memref_slice %arg13[%dma_start3A_543] : memref<160000xf32, #tpu.memory_space<vmem_shared>> -> memref<160000xf32, #tpu.memory_space<vmem_shared>>
      tpu.enqueue_indirect_dma source(%dma_start3A_539 : memref<128xf32, #tpu.memory_space<vmem>>) target(%dma_start3A_544 : memref<160000xf32, #tpu.memory_space<vmem_shared>>) offsets(%dma_start3A_542 : memref<128xi32, #tpu.memory_space<vmem>>) semaphore(%arg16 : memref<!tpu.dma_semaphore, #tpu.memory_space<semaphore_mem>>) {add = true}
      %mul3A_545 = arith.constant 4 : i32
      %mul3A_546 = arith.muli %while3A_184, %mul3A_545 : i32
      %add3A_547 = arith.constant 3 : i32
      %add3A_548 = arith.addi %mul3A_546, %add3A_547 : i32
      %dma_start3A_549 = arith.constant 3 : i32
      %dma_start3A_550 = arith.constant 0 : i32
      %dma_start3A_551 = arith.constant 0 : i32
      %dma_start3A_552 = tpu.memref_slice %arg15[%rem3A_186, %dma_start3A_549, %dma_start3A_550, %dma_start3A_551] : memref<2x4x8x128xf32, #tpu.memory_space<vmem>> -> memref<1x1x1x128xf32, #tpu.memory_space<vmem>>
      %dma_start3A_553 = tpu.memref_squeeze %dma_start3A_552 : memref<1x1x1x128xf32, #tpu.memory_space<vmem>> -> memref<128xf32, #tpu.memory_space<vmem>>
      %dma_start3A_554 = arith.constant 0 : i32
      %dma_start3A_555 = tpu.memref_slice %arg14[%add3A_548, %dma_start3A_554] : memref<80x128xi32, #tpu.memory_space<vmem>> -> memref<1x128xi32, #tpu.memory_space<vmem>>
      %dma_start3A_556 = tpu.memref_squeeze %dma_start3A_555 : memref<1x128xi32, #tpu.memory_space<vmem>> -> memref<128xi32, #tpu.memory_space<vmem>>
      %dma_start3A_557 = arith.constant 0 : i32
      %dma_start3A_558 = tpu.memref_slice %arg6[%dma_start3A_557] : memref<160000xf32, #tpu.memory_space<vmem_shared>> -> memref<160000xf32, #tpu.memory_space<vmem_shared>>
      tpu.enqueue_indirect_dma source(%dma_start3A_553 : memref<128xf32, #tpu.memory_space<vmem>>) target(%dma_start3A_558 : memref<160000xf32, #tpu.memory_space<vmem_shared>>) offsets(%dma_start3A_556 : memref<128xi32, #tpu.memory_space<vmem>>) semaphore(%arg16 : memref<!tpu.dma_semaphore, #tpu.memory_space<semaphore_mem>>) {add = true}
      %mul3A_559 = arith.constant 4 : i32
      %mul3A_560 = arith.muli %while3A_184, %mul3A_559 : i32
      %add3A_561 = arith.constant 3 : i32
      %add3A_562 = arith.addi %mul3A_560, %add3A_561 : i32
      %dma_start3A_563 = arith.constant 3 : i32
      %dma_start3A_564 = arith.constant 1 : i32
      %dma_start3A_565 = arith.constant 0 : i32
      %dma_start3A_566 = tpu.memref_slice %arg15[%rem3A_186, %dma_start3A_563, %dma_start3A_564, %dma_start3A_565] : memref<2x4x8x128xf32, #tpu.memory_space<vmem>> -> memref<1x1x1x128xf32, #tpu.memory_space<vmem>>
      %dma_start3A_567 = tpu.memref_squeeze %dma_start3A_566 : memref<1x1x1x128xf32, #tpu.memory_space<vmem>> -> memref<128xf32, #tpu.memory_space<vmem>>
      %dma_start3A_568 = arith.constant 0 : i32
      %dma_start3A_569 = tpu.memref_slice %arg14[%add3A_562, %dma_start3A_568] : memref<80x128xi32, #tpu.memory_space<vmem>> -> memref<1x128xi32, #tpu.memory_space<vmem>>
      %dma_start3A_570 = tpu.memref_squeeze %dma_start3A_569 : memref<1x128xi32, #tpu.memory_space<vmem>> -> memref<128xi32, #tpu.memory_space<vmem>>
      %dma_start3A_571 = arith.constant 0 : i32
      %dma_start3A_572 = tpu.memref_slice %arg7[%dma_start3A_571] : memref<160000xf32, #tpu.memory_space<vmem_shared>> -> memref<160000xf32, #tpu.memory_space<vmem_shared>>
      tpu.enqueue_indirect_dma source(%dma_start3A_567 : memref<128xf32, #tpu.memory_space<vmem>>) target(%dma_start3A_572 : memref<160000xf32, #tpu.memory_space<vmem_shared>>) offsets(%dma_start3A_570 : memref<128xi32, #tpu.memory_space<vmem>>) semaphore(%arg16 : memref<!tpu.dma_semaphore, #tpu.memory_space<semaphore_mem>>) {add = true}
      %mul3A_573 = arith.constant 4 : i32
      %mul3A_574 = arith.muli %while3A_184, %mul3A_573 : i32
      %add3A_575 = arith.constant 3 : i32
      %add3A_576 = arith.addi %mul3A_574, %add3A_575 : i32
      %dma_start3A_577 = arith.constant 3 : i32
      %dma_start3A_578 = arith.constant 2 : i32
      %dma_start3A_579 = arith.constant 0 : i32
      %dma_start3A_580 = tpu.memref_slice %arg15[%rem3A_186, %dma_start3A_577, %dma_start3A_578, %dma_start3A_579] : memref<2x4x8x128xf32, #tpu.memory_space<vmem>> -> memref<1x1x1x128xf32, #tpu.memory_space<vmem>>
      %dma_start3A_581 = tpu.memref_squeeze %dma_start3A_580 : memref<1x1x1x128xf32, #tpu.memory_space<vmem>> -> memref<128xf32, #tpu.memory_space<vmem>>
      %dma_start3A_582 = arith.constant 0 : i32
      %dma_start3A_583 = tpu.memref_slice %arg14[%add3A_576, %dma_start3A_582] : memref<80x128xi32, #tpu.memory_space<vmem>> -> memref<1x128xi32, #tpu.memory_space<vmem>>
      %dma_start3A_584 = tpu.memref_squeeze %dma_start3A_583 : memref<1x128xi32, #tpu.memory_space<vmem>> -> memref<128xi32, #tpu.memory_space<vmem>>
      %dma_start3A_585 = arith.constant 0 : i32
      %dma_start3A_586 = tpu.memref_slice %arg8[%dma_start3A_585] : memref<160000xf32, #tpu.memory_space<vmem_shared>> -> memref<160000xf32, #tpu.memory_space<vmem_shared>>
      tpu.enqueue_indirect_dma source(%dma_start3A_581 : memref<128xf32, #tpu.memory_space<vmem>>) target(%dma_start3A_586 : memref<160000xf32, #tpu.memory_space<vmem_shared>>) offsets(%dma_start3A_584 : memref<128xi32, #tpu.memory_space<vmem>>) semaphore(%arg16 : memref<!tpu.dma_semaphore, #tpu.memory_space<semaphore_mem>>) {add = true}
      %mul3A_587 = arith.constant 4 : i32
      %mul3A_588 = arith.muli %while3A_184, %mul3A_587 : i32
      %add3A_589 = arith.constant 3 : i32
      %add3A_590 = arith.addi %mul3A_588, %add3A_589 : i32
      %dma_start3A_591 = arith.constant 3 : i32
      %dma_start3A_592 = arith.constant 3 : i32
      %dma_start3A_593 = arith.constant 0 : i32
      %dma_start3A_594 = tpu.memref_slice %arg15[%rem3A_186, %dma_start3A_591, %dma_start3A_592, %dma_start3A_593] : memref<2x4x8x128xf32, #tpu.memory_space<vmem>> -> memref<1x1x1x128xf32, #tpu.memory_space<vmem>>
      %dma_start3A_595 = tpu.memref_squeeze %dma_start3A_594 : memref<1x1x1x128xf32, #tpu.memory_space<vmem>> -> memref<128xf32, #tpu.memory_space<vmem>>
      %dma_start3A_596 = arith.constant 0 : i32
      %dma_start3A_597 = tpu.memref_slice %arg14[%add3A_590, %dma_start3A_596] : memref<80x128xi32, #tpu.memory_space<vmem>> -> memref<1x128xi32, #tpu.memory_space<vmem>>
      %dma_start3A_598 = tpu.memref_squeeze %dma_start3A_597 : memref<1x128xi32, #tpu.memory_space<vmem>> -> memref<128xi32, #tpu.memory_space<vmem>>
      %dma_start3A_599 = arith.constant 0 : i32
      %dma_start3A_600 = tpu.memref_slice %arg9[%dma_start3A_599] : memref<160000xf32, #tpu.memory_space<vmem_shared>> -> memref<160000xf32, #tpu.memory_space<vmem_shared>>
      tpu.enqueue_indirect_dma source(%dma_start3A_595 : memref<128xf32, #tpu.memory_space<vmem>>) target(%dma_start3A_600 : memref<160000xf32, #tpu.memory_space<vmem_shared>>) offsets(%dma_start3A_598 : memref<128xi32, #tpu.memory_space<vmem>>) semaphore(%arg16 : memref<!tpu.dma_semaphore, #tpu.memory_space<semaphore_mem>>) {add = true}
      %mul3A_601 = arith.constant 4 : i32
      %mul3A_602 = arith.muli %while3A_184, %mul3A_601 : i32
      %add3A_603 = arith.constant 3 : i32
      %add3A_604 = arith.addi %mul3A_602, %add3A_603 : i32
      %dma_start3A_605 = arith.constant 3 : i32
      %dma_start3A_606 = arith.constant 4 : i32
      %dma_start3A_607 = arith.constant 0 : i32
      %dma_start3A_608 = tpu.memref_slice %arg15[%rem3A_186, %dma_start3A_605, %dma_start3A_606, %dma_start3A_607] : memref<2x4x8x128xf32, #tpu.memory_space<vmem>> -> memref<1x1x1x128xf32, #tpu.memory_space<vmem>>
      %dma_start3A_609 = tpu.memref_squeeze %dma_start3A_608 : memref<1x1x1x128xf32, #tpu.memory_space<vmem>> -> memref<128xf32, #tpu.memory_space<vmem>>
      %dma_start3A_610 = arith.constant 0 : i32
      %dma_start3A_611 = tpu.memref_slice %arg14[%add3A_604, %dma_start3A_610] : memref<80x128xi32, #tpu.memory_space<vmem>> -> memref<1x128xi32, #tpu.memory_space<vmem>>
      %dma_start3A_612 = tpu.memref_squeeze %dma_start3A_611 : memref<1x128xi32, #tpu.memory_space<vmem>> -> memref<128xi32, #tpu.memory_space<vmem>>
      %dma_start3A_613 = arith.constant 0 : i32
      %dma_start3A_614 = tpu.memref_slice %arg10[%dma_start3A_613] : memref<160000xf32, #tpu.memory_space<vmem_shared>> -> memref<160000xf32, #tpu.memory_space<vmem_shared>>
      tpu.enqueue_indirect_dma source(%dma_start3A_609 : memref<128xf32, #tpu.memory_space<vmem>>) target(%dma_start3A_614 : memref<160000xf32, #tpu.memory_space<vmem_shared>>) offsets(%dma_start3A_612 : memref<128xi32, #tpu.memory_space<vmem>>) semaphore(%arg16 : memref<!tpu.dma_semaphore, #tpu.memory_space<semaphore_mem>>) {add = true}
      %mul3A_615 = arith.constant 4 : i32
      %mul3A_616 = arith.muli %while3A_184, %mul3A_615 : i32
      %add3A_617 = arith.constant 3 : i32
      %add3A_618 = arith.addi %mul3A_616, %add3A_617 : i32
      %dma_start3A_619 = arith.constant 3 : i32
      %dma_start3A_620 = arith.constant 5 : i32
      %dma_start3A_621 = arith.constant 0 : i32
      %dma_start3A_622 = tpu.memref_slice %arg15[%rem3A_186, %dma_start3A_619, %dma_start3A_620, %dma_start3A_621] : memref<2x4x8x128xf32, #tpu.memory_space<vmem>> -> memref<1x1x1x128xf32, #tpu.memory_space<vmem>>
      %dma_start3A_623 = tpu.memref_squeeze %dma_start3A_622 : memref<1x1x1x128xf32, #tpu.memory_space<vmem>> -> memref<128xf32, #tpu.memory_space<vmem>>
      %dma_start3A_624 = arith.constant 0 : i32
      %dma_start3A_625 = tpu.memref_slice %arg14[%add3A_618, %dma_start3A_624] : memref<80x128xi32, #tpu.memory_space<vmem>> -> memref<1x128xi32, #tpu.memory_space<vmem>>
      %dma_start3A_626 = tpu.memref_squeeze %dma_start3A_625 : memref<1x128xi32, #tpu.memory_space<vmem>> -> memref<128xi32, #tpu.memory_space<vmem>>
      %dma_start3A_627 = arith.constant 0 : i32
      %dma_start3A_628 = tpu.memref_slice %arg11[%dma_start3A_627] : memref<160000xf32, #tpu.memory_space<vmem_shared>> -> memref<160000xf32, #tpu.memory_space<vmem_shared>>
      tpu.enqueue_indirect_dma source(%dma_start3A_623 : memref<128xf32, #tpu.memory_space<vmem>>) target(%dma_start3A_628 : memref<160000xf32, #tpu.memory_space<vmem_shared>>) offsets(%dma_start3A_626 : memref<128xi32, #tpu.memory_space<vmem>>) semaphore(%arg16 : memref<!tpu.dma_semaphore, #tpu.memory_space<semaphore_mem>>) {add = true}
      %mul3A_629 = arith.constant 4 : i32
      %mul3A_630 = arith.muli %while3A_184, %mul3A_629 : i32
      %add3A_631 = arith.constant 3 : i32
      %add3A_632 = arith.addi %mul3A_630, %add3A_631 : i32
      %dma_start3A_633 = arith.constant 3 : i32
      %dma_start3A_634 = arith.constant 6 : i32
      %dma_start3A_635 = arith.constant 0 : i32
      %dma_start3A_636 = tpu.memref_slice %arg15[%rem3A_186, %dma_start3A_633, %dma_start3A_634, %dma_start3A_635] : memref<2x4x8x128xf32, #tpu.memory_space<vmem>> -> memref<1x1x1x128xf32, #tpu.memory_space<vmem>>
      %dma_start3A_637 = tpu.memref_squeeze %dma_start3A_636 : memref<1x1x1x128xf32, #tpu.memory_space<vmem>> -> memref<128xf32, #tpu.memory_space<vmem>>
      %dma_start3A_638 = arith.constant 0 : i32
      %dma_start3A_639 = tpu.memref_slice %arg14[%add3A_632, %dma_start3A_638] : memref<80x128xi32, #tpu.memory_space<vmem>> -> memref<1x128xi32, #tpu.memory_space<vmem>>
      %dma_start3A_640 = tpu.memref_squeeze %dma_start3A_639 : memref<1x128xi32, #tpu.memory_space<vmem>> -> memref<128xi32, #tpu.memory_space<vmem>>
      %dma_start3A_641 = arith.constant 0 : i32
      %dma_start3A_642 = tpu.memref_slice %arg12[%dma_start3A_641] : memref<160000xf32, #tpu.memory_space<vmem_shared>> -> memref<160000xf32, #tpu.memory_space<vmem_shared>>
      tpu.enqueue_indirect_dma source(%dma_start3A_637 : memref<128xf32, #tpu.memory_space<vmem>>) target(%dma_start3A_642 : memref<160000xf32, #tpu.memory_space<vmem_shared>>) offsets(%dma_start3A_640 : memref<128xi32, #tpu.memory_space<vmem>>) semaphore(%arg16 : memref<!tpu.dma_semaphore, #tpu.memory_space<semaphore_mem>>) {add = true}
      %mul3A_643 = arith.constant 4 : i32
      %mul3A_644 = arith.muli %while3A_184, %mul3A_643 : i32
      %add3A_645 = arith.constant 3 : i32
      %add3A_646 = arith.addi %mul3A_644, %add3A_645 : i32
      %dma_start3A_647 = arith.constant 3 : i32
      %dma_start3A_648 = arith.constant 7 : i32
      %dma_start3A_649 = arith.constant 0 : i32
      %dma_start3A_650 = tpu.memref_slice %arg15[%rem3A_186, %dma_start3A_647, %dma_start3A_648, %dma_start3A_649] : memref<2x4x8x128xf32, #tpu.memory_space<vmem>> -> memref<1x1x1x128xf32, #tpu.memory_space<vmem>>
      %dma_start3A_651 = tpu.memref_squeeze %dma_start3A_650 : memref<1x1x1x128xf32, #tpu.memory_space<vmem>> -> memref<128xf32, #tpu.memory_space<vmem>>
      %dma_start3A_652 = arith.constant 0 : i32
      %dma_start3A_653 = tpu.memref_slice %arg14[%add3A_646, %dma_start3A_652] : memref<80x128xi32, #tpu.memory_space<vmem>> -> memref<1x128xi32, #tpu.memory_space<vmem>>
      %dma_start3A_654 = tpu.memref_squeeze %dma_start3A_653 : memref<1x128xi32, #tpu.memory_space<vmem>> -> memref<128xi32, #tpu.memory_space<vmem>>
      %dma_start3A_655 = arith.constant 0 : i32
      %dma_start3A_656 = tpu.memref_slice %arg13[%dma_start3A_655] : memref<160000xf32, #tpu.memory_space<vmem_shared>> -> memref<160000xf32, #tpu.memory_space<vmem_shared>>
      tpu.enqueue_indirect_dma source(%dma_start3A_651 : memref<128xf32, #tpu.memory_space<vmem>>) target(%dma_start3A_656 : memref<160000xf32, #tpu.memory_space<vmem_shared>>) offsets(%dma_start3A_654 : memref<128xi32, #tpu.memory_space<vmem>>) semaphore(%arg16 : memref<!tpu.dma_semaphore, #tpu.memory_space<semaphore_mem>>) {add = true}
      %dma_wait3A_657 = arith.constant 0 : i32
      %dma_wait3A_658 = arith.constant 0 : i32
      %dma_wait3A_659 = arith.constant 0 : i32
      %dma_wait3A_660 = tpu.memref_slice %arg15[%rem3A_186, %dma_wait3A_657, %dma_wait3A_658, %dma_wait3A_659] : memref<2x4x8x128xf32, #tpu.memory_space<vmem>> -> memref<1x1x1x128xf32, #tpu.memory_space<vmem>>
      %dma_wait3A_661 = tpu.memref_squeeze %dma_wait3A_660 : memref<1x1x1x128xf32, #tpu.memory_space<vmem>> -> memref<128xf32, #tpu.memory_space<vmem>>
      %dma_wait3A_662 = arith.constant 0 : i32
      %dma_wait3A_663 = tpu.memref_slice %arg14[%add3A_212, %dma_wait3A_662] : memref<80x128xi32, #tpu.memory_space<vmem>> -> memref<1x128xi32, #tpu.memory_space<vmem>>
      %dma_wait3A_664 = tpu.memref_squeeze %dma_wait3A_663 : memref<1x128xi32, #tpu.memory_space<vmem>> -> memref<128xi32, #tpu.memory_space<vmem>>
      %dma_wait3A_665 = arith.constant 0 : i32
      %dma_wait3A_666 = tpu.memref_slice %arg6[%dma_wait3A_665] : memref<160000xf32, #tpu.memory_space<vmem_shared>> -> memref<160000xf32, #tpu.memory_space<vmem_shared>>
      tpu.wait_indirect_dma semaphore(%arg16 : memref<!tpu.dma_semaphore, #tpu.memory_space<semaphore_mem>>) src(%dma_wait3A_661 : memref<128xf32, #tpu.memory_space<vmem>>) dst(%dma_wait3A_666 : memref<160000xf32, #tpu.memory_space<vmem_shared>>)
      %dma_wait3A_667 = arith.constant 0 : i32
      %dma_wait3A_668 = arith.constant 1 : i32
      %dma_wait3A_669 = arith.constant 0 : i32
      %dma_wait3A_670 = tpu.memref_slice %arg15[%rem3A_186, %dma_wait3A_667, %dma_wait3A_668, %dma_wait3A_669] : memref<2x4x8x128xf32, #tpu.memory_space<vmem>> -> memref<1x1x1x128xf32, #tpu.memory_space<vmem>>
      %dma_wait3A_671 = tpu.memref_squeeze %dma_wait3A_670 : memref<1x1x1x128xf32, #tpu.memory_space<vmem>> -> memref<128xf32, #tpu.memory_space<vmem>>
      %dma_wait3A_672 = arith.constant 0 : i32
      %dma_wait3A_673 = tpu.memref_slice %arg14[%add3A_226, %dma_wait3A_672] : memref<80x128xi32, #tpu.memory_space<vmem>> -> memref<1x128xi32, #tpu.memory_space<vmem>>
      %dma_wait3A_674 = tpu.memref_squeeze %dma_wait3A_673 : memref<1x128xi32, #tpu.memory_space<vmem>> -> memref<128xi32, #tpu.memory_space<vmem>>
      %dma_wait3A_675 = arith.constant 0 : i32
      %dma_wait3A_676 = tpu.memref_slice %arg7[%dma_wait3A_675] : memref<160000xf32, #tpu.memory_space<vmem_shared>> -> memref<160000xf32, #tpu.memory_space<vmem_shared>>
      tpu.wait_indirect_dma semaphore(%arg16 : memref<!tpu.dma_semaphore, #tpu.memory_space<semaphore_mem>>) src(%dma_wait3A_671 : memref<128xf32, #tpu.memory_space<vmem>>) dst(%dma_wait3A_676 : memref<160000xf32, #tpu.memory_space<vmem_shared>>)
      %dma_wait3A_677 = arith.constant 0 : i32
      %dma_wait3A_678 = arith.constant 2 : i32
      %dma_wait3A_679 = arith.constant 0 : i32
      %dma_wait3A_680 = tpu.memref_slice %arg15[%rem3A_186, %dma_wait3A_677, %dma_wait3A_678, %dma_wait3A_679] : memref<2x4x8x128xf32, #tpu.memory_space<vmem>> -> memref<1x1x1x128xf32, #tpu.memory_space<vmem>>
      %dma_wait3A_681 = tpu.memref_squeeze %dma_wait3A_680 : memref<1x1x1x128xf32, #tpu.memory_space<vmem>> -> memref<128xf32, #tpu.memory_space<vmem>>
      %dma_wait3A_682 = arith.constant 0 : i32
      %dma_wait3A_683 = tpu.memref_slice %arg14[%add3A_240, %dma_wait3A_682] : memref<80x128xi32, #tpu.memory_space<vmem>> -> memref<1x128xi32, #tpu.memory_space<vmem>>
      %dma_wait3A_684 = tpu.memref_squeeze %dma_wait3A_683 : memref<1x128xi32, #tpu.memory_space<vmem>> -> memref<128xi32, #tpu.memory_space<vmem>>
      %dma_wait3A_685 = arith.constant 0 : i32
      %dma_wait3A_686 = tpu.memref_slice %arg8[%dma_wait3A_685] : memref<160000xf32, #tpu.memory_space<vmem_shared>> -> memref<160000xf32, #tpu.memory_space<vmem_shared>>
      tpu.wait_indirect_dma semaphore(%arg16 : memref<!tpu.dma_semaphore, #tpu.memory_space<semaphore_mem>>) src(%dma_wait3A_681 : memref<128xf32, #tpu.memory_space<vmem>>) dst(%dma_wait3A_686 : memref<160000xf32, #tpu.memory_space<vmem_shared>>)
      %dma_wait3A_687 = arith.constant 0 : i32
      %dma_wait3A_688 = arith.constant 3 : i32
      %dma_wait3A_689 = arith.constant 0 : i32
      %dma_wait3A_690 = tpu.memref_slice %arg15[%rem3A_186, %dma_wait3A_687, %dma_wait3A_688, %dma_wait3A_689] : memref<2x4x8x128xf32, #tpu.memory_space<vmem>> -> memref<1x1x1x128xf32, #tpu.memory_space<vmem>>
      %dma_wait3A_691 = tpu.memref_squeeze %dma_wait3A_690 : memref<1x1x1x128xf32, #tpu.memory_space<vmem>> -> memref<128xf32, #tpu.memory_space<vmem>>
      %dma_wait3A_692 = arith.constant 0 : i32
      %dma_wait3A_693 = tpu.memref_slice %arg14[%add3A_254, %dma_wait3A_692] : memref<80x128xi32, #tpu.memory_space<vmem>> -> memref<1x128xi32, #tpu.memory_space<vmem>>
      %dma_wait3A_694 = tpu.memref_squeeze %dma_wait3A_693 : memref<1x128xi32, #tpu.memory_space<vmem>> -> memref<128xi32, #tpu.memory_space<vmem>>
      %dma_wait3A_695 = arith.constant 0 : i32
      %dma_wait3A_696 = tpu.memref_slice %arg9[%dma_wait3A_695] : memref<160000xf32, #tpu.memory_space<vmem_shared>> -> memref<160000xf32, #tpu.memory_space<vmem_shared>>
      tpu.wait_indirect_dma semaphore(%arg16 : memref<!tpu.dma_semaphore, #tpu.memory_space<semaphore_mem>>) src(%dma_wait3A_691 : memref<128xf32, #tpu.memory_space<vmem>>) dst(%dma_wait3A_696 : memref<160000xf32, #tpu.memory_space<vmem_shared>>)
      %dma_wait3A_697 = arith.constant 0 : i32
      %dma_wait3A_698 = arith.constant 4 : i32
      %dma_wait3A_699 = arith.constant 0 : i32
      %dma_wait3A_700 = tpu.memref_slice %arg15[%rem3A_186, %dma_wait3A_697, %dma_wait3A_698, %dma_wait3A_699] : memref<2x4x8x128xf32, #tpu.memory_space<vmem>> -> memref<1x1x1x128xf32, #tpu.memory_space<vmem>>
      %dma_wait3A_701 = tpu.memref_squeeze %dma_wait3A_700 : memref<1x1x1x128xf32, #tpu.memory_space<vmem>> -> memref<128xf32, #tpu.memory_space<vmem>>
      %dma_wait3A_702 = arith.constant 0 : i32
      %dma_wait3A_703 = tpu.memref_slice %arg14[%add3A_268, %dma_wait3A_702] : memref<80x128xi32, #tpu.memory_space<vmem>> -> memref<1x128xi32, #tpu.memory_space<vmem>>
      %dma_wait3A_704 = tpu.memref_squeeze %dma_wait3A_703 : memref<1x128xi32, #tpu.memory_space<vmem>> -> memref<128xi32, #tpu.memory_space<vmem>>
      %dma_wait3A_705 = arith.constant 0 : i32
      %dma_wait3A_706 = tpu.memref_slice %arg10[%dma_wait3A_705] : memref<160000xf32, #tpu.memory_space<vmem_shared>> -> memref<160000xf32, #tpu.memory_space<vmem_shared>>
      tpu.wait_indirect_dma semaphore(%arg16 : memref<!tpu.dma_semaphore, #tpu.memory_space<semaphore_mem>>) src(%dma_wait3A_701 : memref<128xf32, #tpu.memory_space<vmem>>) dst(%dma_wait3A_706 : memref<160000xf32, #tpu.memory_space<vmem_shared>>)
      %dma_wait3A_707 = arith.constant 0 : i32
      %dma_wait3A_708 = arith.constant 5 : i32
      %dma_wait3A_709 = arith.constant 0 : i32
      %dma_wait3A_710 = tpu.memref_slice %arg15[%rem3A_186, %dma_wait3A_707, %dma_wait3A_708, %dma_wait3A_709] : memref<2x4x8x128xf32, #tpu.memory_space<vmem>> -> memref<1x1x1x128xf32, #tpu.memory_space<vmem>>
      %dma_wait3A_711 = tpu.memref_squeeze %dma_wait3A_710 : memref<1x1x1x128xf32, #tpu.memory_space<vmem>> -> memref<128xf32, #tpu.memory_space<vmem>>
      %dma_wait3A_712 = arith.constant 0 : i32
      %dma_wait3A_713 = tpu.memref_slice %arg14[%add3A_282, %dma_wait3A_712] : memref<80x128xi32, #tpu.memory_space<vmem>> -> memref<1x128xi32, #tpu.memory_space<vmem>>
      %dma_wait3A_714 = tpu.memref_squeeze %dma_wait3A_713 : memref<1x128xi32, #tpu.memory_space<vmem>> -> memref<128xi32, #tpu.memory_space<vmem>>
      %dma_wait3A_715 = arith.constant 0 : i32
      %dma_wait3A_716 = tpu.memref_slice %arg11[%dma_wait3A_715] : memref<160000xf32, #tpu.memory_space<vmem_shared>> -> memref<160000xf32, #tpu.memory_space<vmem_shared>>
      tpu.wait_indirect_dma semaphore(%arg16 : memref<!tpu.dma_semaphore, #tpu.memory_space<semaphore_mem>>) src(%dma_wait3A_711 : memref<128xf32, #tpu.memory_space<vmem>>) dst(%dma_wait3A_716 : memref<160000xf32, #tpu.memory_space<vmem_shared>>)
      %dma_wait3A_717 = arith.constant 0 : i32
      %dma_wait3A_718 = arith.constant 6 : i32
      %dma_wait3A_719 = arith.constant 0 : i32
      %dma_wait3A_720 = tpu.memref_slice %arg15[%rem3A_186, %dma_wait3A_717, %dma_wait3A_718, %dma_wait3A_719] : memref<2x4x8x128xf32, #tpu.memory_space<vmem>> -> memref<1x1x1x128xf32, #tpu.memory_space<vmem>>
      %dma_wait3A_721 = tpu.memref_squeeze %dma_wait3A_720 : memref<1x1x1x128xf32, #tpu.memory_space<vmem>> -> memref<128xf32, #tpu.memory_space<vmem>>
      %dma_wait3A_722 = arith.constant 0 : i32
      %dma_wait3A_723 = tpu.memref_slice %arg14[%add3A_296, %dma_wait3A_722] : memref<80x128xi32, #tpu.memory_space<vmem>> -> memref<1x128xi32, #tpu.memory_space<vmem>>
      %dma_wait3A_724 = tpu.memref_squeeze %dma_wait3A_723 : memref<1x128xi32, #tpu.memory_space<vmem>> -> memref<128xi32, #tpu.memory_space<vmem>>
      %dma_wait3A_725 = arith.constant 0 : i32
      %dma_wait3A_726 = tpu.memref_slice %arg12[%dma_wait3A_725] : memref<160000xf32, #tpu.memory_space<vmem_shared>> -> memref<160000xf32, #tpu.memory_space<vmem_shared>>
      tpu.wait_indirect_dma semaphore(%arg16 : memref<!tpu.dma_semaphore, #tpu.memory_space<semaphore_mem>>) src(%dma_wait3A_721 : memref<128xf32, #tpu.memory_space<vmem>>) dst(%dma_wait3A_726 : memref<160000xf32, #tpu.memory_space<vmem_shared>>)
      %dma_wait3A_727 = arith.constant 0 : i32
      %dma_wait3A_728 = arith.constant 7 : i32
      %dma_wait3A_729 = arith.constant 0 : i32
      %dma_wait3A_730 = tpu.memref_slice %arg15[%rem3A_186, %dma_wait3A_727, %dma_wait3A_728, %dma_wait3A_729] : memref<2x4x8x128xf32, #tpu.memory_space<vmem>> -> memref<1x1x1x128xf32, #tpu.memory_space<vmem>>
      %dma_wait3A_731 = tpu.memref_squeeze %dma_wait3A_730 : memref<1x1x1x128xf32, #tpu.memory_space<vmem>> -> memref<128xf32, #tpu.memory_space<vmem>>
      %dma_wait3A_732 = arith.constant 0 : i32
      %dma_wait3A_733 = tpu.memref_slice %arg14[%add3A_310, %dma_wait3A_732] : memref<80x128xi32, #tpu.memory_space<vmem>> -> memref<1x128xi32, #tpu.memory_space<vmem>>
      %dma_wait3A_734 = tpu.memref_squeeze %dma_wait3A_733 : memref<1x128xi32, #tpu.memory_space<vmem>> -> memref<128xi32, #tpu.memory_space<vmem>>
      %dma_wait3A_735 = arith.constant 0 : i32
      %dma_wait3A_736 = tpu.memref_slice %arg13[%dma_wait3A_735] : memref<160000xf32, #tpu.memory_space<vmem_shared>> -> memref<160000xf32, #tpu.memory_space<vmem_shared>>
      tpu.wait_indirect_dma semaphore(%arg16 : memref<!tpu.dma_semaphore, #tpu.memory_space<semaphore_mem>>) src(%dma_wait3A_731 : memref<128xf32, #tpu.memory_space<vmem>>) dst(%dma_wait3A_736 : memref<160000xf32, #tpu.memory_space<vmem_shared>>)
      %dma_wait3A_737 = arith.constant 1 : i32
      %dma_wait3A_738 = arith.constant 0 : i32
      %dma_wait3A_739 = arith.constant 0 : i32
      %dma_wait3A_740 = tpu.memref_slice %arg15[%rem3A_186, %dma_wait3A_737, %dma_wait3A_738, %dma_wait3A_739] : memref<2x4x8x128xf32, #tpu.memory_space<vmem>> -> memref<1x1x1x128xf32, #tpu.memory_space<vmem>>
      %dma_wait3A_741 = tpu.memref_squeeze %dma_wait3A_740 : memref<1x1x1x128xf32, #tpu.memory_space<vmem>> -> memref<128xf32, #tpu.memory_space<vmem>>
      %dma_wait3A_742 = arith.constant 0 : i32
      %dma_wait3A_743 = tpu.memref_slice %arg14[%add3A_324, %dma_wait3A_742] : memref<80x128xi32, #tpu.memory_space<vmem>> -> memref<1x128xi32, #tpu.memory_space<vmem>>
      %dma_wait3A_744 = tpu.memref_squeeze %dma_wait3A_743 : memref<1x128xi32, #tpu.memory_space<vmem>> -> memref<128xi32, #tpu.memory_space<vmem>>
      %dma_wait3A_745 = arith.constant 0 : i32
      %dma_wait3A_746 = tpu.memref_slice %arg6[%dma_wait3A_745] : memref<160000xf32, #tpu.memory_space<vmem_shared>> -> memref<160000xf32, #tpu.memory_space<vmem_shared>>
      tpu.wait_indirect_dma semaphore(%arg16 : memref<!tpu.dma_semaphore, #tpu.memory_space<semaphore_mem>>) src(%dma_wait3A_741 : memref<128xf32, #tpu.memory_space<vmem>>) dst(%dma_wait3A_746 : memref<160000xf32, #tpu.memory_space<vmem_shared>>)
      %dma_wait3A_747 = arith.constant 1 : i32
      %dma_wait3A_748 = arith.constant 1 : i32
      %dma_wait3A_749 = arith.constant 0 : i32
      %dma_wait3A_750 = tpu.memref_slice %arg15[%rem3A_186, %dma_wait3A_747, %dma_wait3A_748, %dma_wait3A_749] : memref<2x4x8x128xf32, #tpu.memory_space<vmem>> -> memref<1x1x1x128xf32, #tpu.memory_space<vmem>>
      %dma_wait3A_751 = tpu.memref_squeeze %dma_wait3A_750 : memref<1x1x1x128xf32, #tpu.memory_space<vmem>> -> memref<128xf32, #tpu.memory_space<vmem>>
      %dma_wait3A_752 = arith.constant 0 : i32
      %dma_wait3A_753 = tpu.memref_slice %arg14[%add3A_338, %dma_wait3A_752] : memref<80x128xi32, #tpu.memory_space<vmem>> -> memref<1x128xi32, #tpu.memory_space<vmem>>
      %dma_wait3A_754 = tpu.memref_squeeze %dma_wait3A_753 : memref<1x128xi32, #tpu.memory_space<vmem>> -> memref<128xi32, #tpu.memory_space<vmem>>
      %dma_wait3A_755 = arith.constant 0 : i32
      %dma_wait3A_756 = tpu.memref_slice %arg7[%dma_wait3A_755] : memref<160000xf32, #tpu.memory_space<vmem_shared>> -> memref<160000xf32, #tpu.memory_space<vmem_shared>>
      tpu.wait_indirect_dma semaphore(%arg16 : memref<!tpu.dma_semaphore, #tpu.memory_space<semaphore_mem>>) src(%dma_wait3A_751 : memref<128xf32, #tpu.memory_space<vmem>>) dst(%dma_wait3A_756 : memref<160000xf32, #tpu.memory_space<vmem_shared>>)
      %dma_wait3A_757 = arith.constant 1 : i32
      %dma_wait3A_758 = arith.constant 2 : i32
      %dma_wait3A_759 = arith.constant 0 : i32
      %dma_wait3A_760 = tpu.memref_slice %arg15[%rem3A_186, %dma_wait3A_757, %dma_wait3A_758, %dma_wait3A_759] : memref<2x4x8x128xf32, #tpu.memory_space<vmem>> -> memref<1x1x1x128xf32, #tpu.memory_space<vmem>>
      %dma_wait3A_761 = tpu.memref_squeeze %dma_wait3A_760 : memref<1x1x1x128xf32, #tpu.memory_space<vmem>> -> memref<128xf32, #tpu.memory_space<vmem>>
      %dma_wait3A_762 = arith.constant 0 : i32
      %dma_wait3A_763 = tpu.memref_slice %arg14[%add3A_352, %dma_wait3A_762] : memref<80x128xi32, #tpu.memory_space<vmem>> -> memref<1x128xi32, #tpu.memory_space<vmem>>
      %dma_wait3A_764 = tpu.memref_squeeze %dma_wait3A_763 : memref<1x128xi32, #tpu.memory_space<vmem>> -> memref<128xi32, #tpu.memory_space<vmem>>
      %dma_wait3A_765 = arith.constant 0 : i32
      %dma_wait3A_766 = tpu.memref_slice %arg8[%dma_wait3A_765] : memref<160000xf32, #tpu.memory_space<vmem_shared>> -> memref<160000xf32, #tpu.memory_space<vmem_shared>>
      tpu.wait_indirect_dma semaphore(%arg16 : memref<!tpu.dma_semaphore, #tpu.memory_space<semaphore_mem>>) src(%dma_wait3A_761 : memref<128xf32, #tpu.memory_space<vmem>>) dst(%dma_wait3A_766 : memref<160000xf32, #tpu.memory_space<vmem_shared>>)
      %dma_wait3A_767 = arith.constant 1 : i32
      %dma_wait3A_768 = arith.constant 3 : i32
      %dma_wait3A_769 = arith.constant 0 : i32
      %dma_wait3A_770 = tpu.memref_slice %arg15[%rem3A_186, %dma_wait3A_767, %dma_wait3A_768, %dma_wait3A_769] : memref<2x4x8x128xf32, #tpu.memory_space<vmem>> -> memref<1x1x1x128xf32, #tpu.memory_space<vmem>>
      %dma_wait3A_771 = tpu.memref_squeeze %dma_wait3A_770 : memref<1x1x1x128xf32, #tpu.memory_space<vmem>> -> memref<128xf32, #tpu.memory_space<vmem>>
      %dma_wait3A_772 = arith.constant 0 : i32
      %dma_wait3A_773 = tpu.memref_slice %arg14[%add3A_366, %dma_wait3A_772] : memref<80x128xi32, #tpu.memory_space<vmem>> -> memref<1x128xi32, #tpu.memory_space<vmem>>
      %dma_wait3A_774 = tpu.memref_squeeze %dma_wait3A_773 : memref<1x128xi32, #tpu.memory_space<vmem>> -> memref<128xi32, #tpu.memory_space<vmem>>
      %dma_wait3A_775 = arith.constant 0 : i32
      %dma_wait3A_776 = tpu.memref_slice %arg9[%dma_wait3A_775] : memref<160000xf32, #tpu.memory_space<vmem_shared>> -> memref<160000xf32, #tpu.memory_space<vmem_shared>>
      tpu.wait_indirect_dma semaphore(%arg16 : memref<!tpu.dma_semaphore, #tpu.memory_space<semaphore_mem>>) src(%dma_wait3A_771 : memref<128xf32, #tpu.memory_space<vmem>>) dst(%dma_wait3A_776 : memref<160000xf32, #tpu.memory_space<vmem_shared>>)
      %dma_wait3A_777 = arith.constant 1 : i32
      %dma_wait3A_778 = arith.constant 4 : i32
      %dma_wait3A_779 = arith.constant 0 : i32
      %dma_wait3A_780 = tpu.memref_slice %arg15[%rem3A_186, %dma_wait3A_777, %dma_wait3A_778, %dma_wait3A_779] : memref<2x4x8x128xf32, #tpu.memory_space<vmem>> -> memref<1x1x1x128xf32, #tpu.memory_space<vmem>>
      %dma_wait3A_781 = tpu.memref_squeeze %dma_wait3A_780 : memref<1x1x1x128xf32, #tpu.memory_space<vmem>> -> memref<128xf32, #tpu.memory_space<vmem>>
      %dma_wait3A_782 = arith.constant 0 : i32
      %dma_wait3A_783 = tpu.memref_slice %arg14[%add3A_380, %dma_wait3A_782] : memref<80x128xi32, #tpu.memory_space<vmem>> -> memref<1x128xi32, #tpu.memory_space<vmem>>
      %dma_wait3A_784 = tpu.memref_squeeze %dma_wait3A_783 : memref<1x128xi32, #tpu.memory_space<vmem>> -> memref<128xi32, #tpu.memory_space<vmem>>
      %dma_wait3A_785 = arith.constant 0 : i32
      %dma_wait3A_786 = tpu.memref_slice %arg10[%dma_wait3A_785] : memref<160000xf32, #tpu.memory_space<vmem_shared>> -> memref<160000xf32, #tpu.memory_space<vmem_shared>>
      tpu.wait_indirect_dma semaphore(%arg16 : memref<!tpu.dma_semaphore, #tpu.memory_space<semaphore_mem>>) src(%dma_wait3A_781 : memref<128xf32, #tpu.memory_space<vmem>>) dst(%dma_wait3A_786 : memref<160000xf32, #tpu.memory_space<vmem_shared>>)
      %dma_wait3A_787 = arith.constant 1 : i32
      %dma_wait3A_788 = arith.constant 5 : i32
      %dma_wait3A_789 = arith.constant 0 : i32
      %dma_wait3A_790 = tpu.memref_slice %arg15[%rem3A_186, %dma_wait3A_787, %dma_wait3A_788, %dma_wait3A_789] : memref<2x4x8x128xf32, #tpu.memory_space<vmem>> -> memref<1x1x1x128xf32, #tpu.memory_space<vmem>>
      %dma_wait3A_791 = tpu.memref_squeeze %dma_wait3A_790 : memref<1x1x1x128xf32, #tpu.memory_space<vmem>> -> memref<128xf32, #tpu.memory_space<vmem>>
      %dma_wait3A_792 = arith.constant 0 : i32
      %dma_wait3A_793 = tpu.memref_slice %arg14[%add3A_394, %dma_wait3A_792] : memref<80x128xi32, #tpu.memory_space<vmem>> -> memref<1x128xi32, #tpu.memory_space<vmem>>
      %dma_wait3A_794 = tpu.memref_squeeze %dma_wait3A_793 : memref<1x128xi32, #tpu.memory_space<vmem>> -> memref<128xi32, #tpu.memory_space<vmem>>
      %dma_wait3A_795 = arith.constant 0 : i32
      %dma_wait3A_796 = tpu.memref_slice %arg11[%dma_wait3A_795] : memref<160000xf32, #tpu.memory_space<vmem_shared>> -> memref<160000xf32, #tpu.memory_space<vmem_shared>>
      tpu.wait_indirect_dma semaphore(%arg16 : memref<!tpu.dma_semaphore, #tpu.memory_space<semaphore_mem>>) src(%dma_wait3A_791 : memref<128xf32, #tpu.memory_space<vmem>>) dst(%dma_wait3A_796 : memref<160000xf32, #tpu.memory_space<vmem_shared>>)
      %dma_wait3A_797 = arith.constant 1 : i32
      %dma_wait3A_798 = arith.constant 6 : i32
      %dma_wait3A_799 = arith.constant 0 : i32
      %dma_wait3A_800 = tpu.memref_slice %arg15[%rem3A_186, %dma_wait3A_797, %dma_wait3A_798, %dma_wait3A_799] : memref<2x4x8x128xf32, #tpu.memory_space<vmem>> -> memref<1x1x1x128xf32, #tpu.memory_space<vmem>>
      %dma_wait3A_801 = tpu.memref_squeeze %dma_wait3A_800 : memref<1x1x1x128xf32, #tpu.memory_space<vmem>> -> memref<128xf32, #tpu.memory_space<vmem>>
      %dma_wait3A_802 = arith.constant 0 : i32
      %dma_wait3A_803 = tpu.memref_slice %arg14[%add3A_408, %dma_wait3A_802] : memref<80x128xi32, #tpu.memory_space<vmem>> -> memref<1x128xi32, #tpu.memory_space<vmem>>
      %dma_wait3A_804 = tpu.memref_squeeze %dma_wait3A_803 : memref<1x128xi32, #tpu.memory_space<vmem>> -> memref<128xi32, #tpu.memory_space<vmem>>
      %dma_wait3A_805 = arith.constant 0 : i32
      %dma_wait3A_806 = tpu.memref_slice %arg12[%dma_wait3A_805] : memref<160000xf32, #tpu.memory_space<vmem_shared>> -> memref<160000xf32, #tpu.memory_space<vmem_shared>>
      tpu.wait_indirect_dma semaphore(%arg16 : memref<!tpu.dma_semaphore, #tpu.memory_space<semaphore_mem>>) src(%dma_wait3A_801 : memref<128xf32, #tpu.memory_space<vmem>>) dst(%dma_wait3A_806 : memref<160000xf32, #tpu.memory_space<vmem_shared>>)
      %dma_wait3A_807 = arith.constant 1 : i32
      %dma_wait3A_808 = arith.constant 7 : i32
      %dma_wait3A_809 = arith.constant 0 : i32
      %dma_wait3A_810 = tpu.memref_slice %arg15[%rem3A_186, %dma_wait3A_807, %dma_wait3A_808, %dma_wait3A_809] : memref<2x4x8x128xf32, #tpu.memory_space<vmem>> -> memref<1x1x1x128xf32, #tpu.memory_space<vmem>>
      %dma_wait3A_811 = tpu.memref_squeeze %dma_wait3A_810 : memref<1x1x1x128xf32, #tpu.memory_space<vmem>> -> memref<128xf32, #tpu.memory_space<vmem>>
      %dma_wait3A_812 = arith.constant 0 : i32
      %dma_wait3A_813 = tpu.memref_slice %arg14[%add3A_422, %dma_wait3A_812] : memref<80x128xi32, #tpu.memory_space<vmem>> -> memref<1x128xi32, #tpu.memory_space<vmem>>
      %dma_wait3A_814 = tpu.memref_squeeze %dma_wait3A_813 : memref<1x128xi32, #tpu.memory_space<vmem>> -> memref<128xi32, #tpu.memory_space<vmem>>
      %dma_wait3A_815 = arith.constant 0 : i32
      %dma_wait3A_816 = tpu.memref_slice %arg13[%dma_wait3A_815] : memref<160000xf32, #tpu.memory_space<vmem_shared>> -> memref<160000xf32, #tpu.memory_space<vmem_shared>>
      tpu.wait_indirect_dma semaphore(%arg16 : memref<!tpu.dma_semaphore, #tpu.memory_space<semaphore_mem>>) src(%dma_wait3A_811 : memref<128xf32, #tpu.memory_space<vmem>>) dst(%dma_wait3A_816 : memref<160000xf32, #tpu.memory_space<vmem_shared>>)
      %dma_wait3A_817 = arith.constant 2 : i32
      %dma_wait3A_818 = arith.constant 0 : i32
      %dma_wait3A_819 = arith.constant 0 : i32
      %dma_wait3A_820 = tpu.memref_slice %arg15[%rem3A_186, %dma_wait3A_817, %dma_wait3A_818, %dma_wait3A_819] : memref<2x4x8x128xf32, #tpu.memory_space<vmem>> -> memref<1x1x1x128xf32, #tpu.memory_space<vmem>>
      %dma_wait3A_821 = tpu.memref_squeeze %dma_wait3A_820 : memref<1x1x1x128xf32, #tpu.memory_space<vmem>> -> memref<128xf32, #tpu.memory_space<vmem>>
      %dma_wait3A_822 = arith.constant 0 : i32
      %dma_wait3A_823 = tpu.memref_slice %arg14[%add3A_436, %dma_wait3A_822] : memref<80x128xi32, #tpu.memory_space<vmem>> -> memref<1x128xi32, #tpu.memory_space<vmem>>
      %dma_wait3A_824 = tpu.memref_squeeze %dma_wait3A_823 : memref<1x128xi32, #tpu.memory_space<vmem>> -> memref<128xi32, #tpu.memory_space<vmem>>
      %dma_wait3A_825 = arith.constant 0 : i32
      %dma_wait3A_826 = tpu.memref_slice %arg6[%dma_wait3A_825] : memref<160000xf32, #tpu.memory_space<vmem_shared>> -> memref<160000xf32, #tpu.memory_space<vmem_shared>>
      tpu.wait_indirect_dma semaphore(%arg16 : memref<!tpu.dma_semaphore, #tpu.memory_space<semaphore_mem>>) src(%dma_wait3A_821 : memref<128xf32, #tpu.memory_space<vmem>>) dst(%dma_wait3A_826 : memref<160000xf32, #tpu.memory_space<vmem_shared>>)
      %dma_wait3A_827 = arith.constant 2 : i32
      %dma_wait3A_828 = arith.constant 1 : i32
      %dma_wait3A_829 = arith.constant 0 : i32
      %dma_wait3A_830 = tpu.memref_slice %arg15[%rem3A_186, %dma_wait3A_827, %dma_wait3A_828, %dma_wait3A_829] : memref<2x4x8x128xf32, #tpu.memory_space<vmem>> -> memref<1x1x1x128xf32, #tpu.memory_space<vmem>>
      %dma_wait3A_831 = tpu.memref_squeeze %dma_wait3A_830 : memref<1x1x1x128xf32, #tpu.memory_space<vmem>> -> memref<128xf32, #tpu.memory_space<vmem>>
      %dma_wait3A_832 = arith.constant 0 : i32
      %dma_wait3A_833 = tpu.memref_slice %arg14[%add3A_450, %dma_wait3A_832] : memref<80x128xi32, #tpu.memory_space<vmem>> -> memref<1x128xi32, #tpu.memory_space<vmem>>
      %dma_wait3A_834 = tpu.memref_squeeze %dma_wait3A_833 : memref<1x128xi32, #tpu.memory_space<vmem>> -> memref<128xi32, #tpu.memory_space<vmem>>
      %dma_wait3A_835 = arith.constant 0 : i32
      %dma_wait3A_836 = tpu.memref_slice %arg7[%dma_wait3A_835] : memref<160000xf32, #tpu.memory_space<vmem_shared>> -> memref<160000xf32, #tpu.memory_space<vmem_shared>>
      tpu.wait_indirect_dma semaphore(%arg16 : memref<!tpu.dma_semaphore, #tpu.memory_space<semaphore_mem>>) src(%dma_wait3A_831 : memref<128xf32, #tpu.memory_space<vmem>>) dst(%dma_wait3A_836 : memref<160000xf32, #tpu.memory_space<vmem_shared>>)
      %dma_wait3A_837 = arith.constant 2 : i32
      %dma_wait3A_838 = arith.constant 2 : i32
      %dma_wait3A_839 = arith.constant 0 : i32
      %dma_wait3A_840 = tpu.memref_slice %arg15[%rem3A_186, %dma_wait3A_837, %dma_wait3A_838, %dma_wait3A_839] : memref<2x4x8x128xf32, #tpu.memory_space<vmem>> -> memref<1x1x1x128xf32, #tpu.memory_space<vmem>>
      %dma_wait3A_841 = tpu.memref_squeeze %dma_wait3A_840 : memref<1x1x1x128xf32, #tpu.memory_space<vmem>> -> memref<128xf32, #tpu.memory_space<vmem>>
      %dma_wait3A_842 = arith.constant 0 : i32
      %dma_wait3A_843 = tpu.memref_slice %arg14[%add3A_464, %dma_wait3A_842] : memref<80x128xi32, #tpu.memory_space<vmem>> -> memref<1x128xi32, #tpu.memory_space<vmem>>
      %dma_wait3A_844 = tpu.memref_squeeze %dma_wait3A_843 : memref<1x128xi32, #tpu.memory_space<vmem>> -> memref<128xi32, #tpu.memory_space<vmem>>
      %dma_wait3A_845 = arith.constant 0 : i32
      %dma_wait3A_846 = tpu.memref_slice %arg8[%dma_wait3A_845] : memref<160000xf32, #tpu.memory_space<vmem_shared>> -> memref<160000xf32, #tpu.memory_space<vmem_shared>>
      tpu.wait_indirect_dma semaphore(%arg16 : memref<!tpu.dma_semaphore, #tpu.memory_space<semaphore_mem>>) src(%dma_wait3A_841 : memref<128xf32, #tpu.memory_space<vmem>>) dst(%dma_wait3A_846 : memref<160000xf32, #tpu.memory_space<vmem_shared>>)
      %dma_wait3A_847 = arith.constant 2 : i32
      %dma_wait3A_848 = arith.constant 3 : i32
      %dma_wait3A_849 = arith.constant 0 : i32
      %dma_wait3A_850 = tpu.memref_slice %arg15[%rem3A_186, %dma_wait3A_847, %dma_wait3A_848, %dma_wait3A_849] : memref<2x4x8x128xf32, #tpu.memory_space<vmem>> -> memref<1x1x1x128xf32, #tpu.memory_space<vmem>>
      %dma_wait3A_851 = tpu.memref_squeeze %dma_wait3A_850 : memref<1x1x1x128xf32, #tpu.memory_space<vmem>> -> memref<128xf32, #tpu.memory_space<vmem>>
      %dma_wait3A_852 = arith.constant 0 : i32
      %dma_wait3A_853 = tpu.memref_slice %arg14[%add3A_478, %dma_wait3A_852] : memref<80x128xi32, #tpu.memory_space<vmem>> -> memref<1x128xi32, #tpu.memory_space<vmem>>
      %dma_wait3A_854 = tpu.memref_squeeze %dma_wait3A_853 : memref<1x128xi32, #tpu.memory_space<vmem>> -> memref<128xi32, #tpu.memory_space<vmem>>
      %dma_wait3A_855 = arith.constant 0 : i32
      %dma_wait3A_856 = tpu.memref_slice %arg9[%dma_wait3A_855] : memref<160000xf32, #tpu.memory_space<vmem_shared>> -> memref<160000xf32, #tpu.memory_space<vmem_shared>>
      tpu.wait_indirect_dma semaphore(%arg16 : memref<!tpu.dma_semaphore, #tpu.memory_space<semaphore_mem>>) src(%dma_wait3A_851 : memref<128xf32, #tpu.memory_space<vmem>>) dst(%dma_wait3A_856 : memref<160000xf32, #tpu.memory_space<vmem_shared>>)
      %dma_wait3A_857 = arith.constant 2 : i32
      %dma_wait3A_858 = arith.constant 4 : i32
      %dma_wait3A_859 = arith.constant 0 : i32
      %dma_wait3A_860 = tpu.memref_slice %arg15[%rem3A_186, %dma_wait3A_857, %dma_wait3A_858, %dma_wait3A_859] : memref<2x4x8x128xf32, #tpu.memory_space<vmem>> -> memref<1x1x1x128xf32, #tpu.memory_space<vmem>>
      %dma_wait3A_861 = tpu.memref_squeeze %dma_wait3A_860 : memref<1x1x1x128xf32, #tpu.memory_space<vmem>> -> memref<128xf32, #tpu.memory_space<vmem>>
      %dma_wait3A_862 = arith.constant 0 : i32
      %dma_wait3A_863 = tpu.memref_slice %arg14[%add3A_492, %dma_wait3A_862] : memref<80x128xi32, #tpu.memory_space<vmem>> -> memref<1x128xi32, #tpu.memory_space<vmem>>
      %dma_wait3A_864 = tpu.memref_squeeze %dma_wait3A_863 : memref<1x128xi32, #tpu.memory_space<vmem>> -> memref<128xi32, #tpu.memory_space<vmem>>
      %dma_wait3A_865 = arith.constant 0 : i32
      %dma_wait3A_866 = tpu.memref_slice %arg10[%dma_wait3A_865] : memref<160000xf32, #tpu.memory_space<vmem_shared>> -> memref<160000xf32, #tpu.memory_space<vmem_shared>>
      tpu.wait_indirect_dma semaphore(%arg16 : memref<!tpu.dma_semaphore, #tpu.memory_space<semaphore_mem>>) src(%dma_wait3A_861 : memref<128xf32, #tpu.memory_space<vmem>>) dst(%dma_wait3A_866 : memref<160000xf32, #tpu.memory_space<vmem_shared>>)
      %dma_wait3A_867 = arith.constant 2 : i32
      %dma_wait3A_868 = arith.constant 5 : i32
      %dma_wait3A_869 = arith.constant 0 : i32
      %dma_wait3A_870 = tpu.memref_slice %arg15[%rem3A_186, %dma_wait3A_867, %dma_wait3A_868, %dma_wait3A_869] : memref<2x4x8x128xf32, #tpu.memory_space<vmem>> -> memref<1x1x1x128xf32, #tpu.memory_space<vmem>>
      %dma_wait3A_871 = tpu.memref_squeeze %dma_wait3A_870 : memref<1x1x1x128xf32, #tpu.memory_space<vmem>> -> memref<128xf32, #tpu.memory_space<vmem>>
      %dma_wait3A_872 = arith.constant 0 : i32
      %dma_wait3A_873 = tpu.memref_slice %arg14[%add3A_506, %dma_wait3A_872] : memref<80x128xi32, #tpu.memory_space<vmem>> -> memref<1x128xi32, #tpu.memory_space<vmem>>
      %dma_wait3A_874 = tpu.memref_squeeze %dma_wait3A_873 : memref<1x128xi32, #tpu.memory_space<vmem>> -> memref<128xi32, #tpu.memory_space<vmem>>
      %dma_wait3A_875 = arith.constant 0 : i32
      %dma_wait3A_876 = tpu.memref_slice %arg11[%dma_wait3A_875] : memref<160000xf32, #tpu.memory_space<vmem_shared>> -> memref<160000xf32, #tpu.memory_space<vmem_shared>>
      tpu.wait_indirect_dma semaphore(%arg16 : memref<!tpu.dma_semaphore, #tpu.memory_space<semaphore_mem>>) src(%dma_wait3A_871 : memref<128xf32, #tpu.memory_space<vmem>>) dst(%dma_wait3A_876 : memref<160000xf32, #tpu.memory_space<vmem_shared>>)
      %dma_wait3A_877 = arith.constant 2 : i32
      %dma_wait3A_878 = arith.constant 6 : i32
      %dma_wait3A_879 = arith.constant 0 : i32
      %dma_wait3A_880 = tpu.memref_slice %arg15[%rem3A_186, %dma_wait3A_877, %dma_wait3A_878, %dma_wait3A_879] : memref<2x4x8x128xf32, #tpu.memory_space<vmem>> -> memref<1x1x1x128xf32, #tpu.memory_space<vmem>>
      %dma_wait3A_881 = tpu.memref_squeeze %dma_wait3A_880 : memref<1x1x1x128xf32, #tpu.memory_space<vmem>> -> memref<128xf32, #tpu.memory_space<vmem>>
      %dma_wait3A_882 = arith.constant 0 : i32
      %dma_wait3A_883 = tpu.memref_slice %arg14[%add3A_520, %dma_wait3A_882] : memref<80x128xi32, #tpu.memory_space<vmem>> -> memref<1x128xi32, #tpu.memory_space<vmem>>
      %dma_wait3A_884 = tpu.memref_squeeze %dma_wait3A_883 : memref<1x128xi32, #tpu.memory_space<vmem>> -> memref<128xi32, #tpu.memory_space<vmem>>
      %dma_wait3A_885 = arith.constant 0 : i32
      %dma_wait3A_886 = tpu.memref_slice %arg12[%dma_wait3A_885] : memref<160000xf32, #tpu.memory_space<vmem_shared>> -> memref<160000xf32, #tpu.memory_space<vmem_shared>>
      tpu.wait_indirect_dma semaphore(%arg16 : memref<!tpu.dma_semaphore, #tpu.memory_space<semaphore_mem>>) src(%dma_wait3A_881 : memref<128xf32, #tpu.memory_space<vmem>>) dst(%dma_wait3A_886 : memref<160000xf32, #tpu.memory_space<vmem_shared>>)
      %dma_wait3A_887 = arith.constant 2 : i32
      %dma_wait3A_888 = arith.constant 7 : i32
      %dma_wait3A_889 = arith.constant 0 : i32
      %dma_wait3A_890 = tpu.memref_slice %arg15[%rem3A_186, %dma_wait3A_887, %dma_wait3A_888, %dma_wait3A_889] : memref<2x4x8x128xf32, #tpu.memory_space<vmem>> -> memref<1x1x1x128xf32, #tpu.memory_space<vmem>>
      %dma_wait3A_891 = tpu.memref_squeeze %dma_wait3A_890 : memref<1x1x1x128xf32, #tpu.memory_space<vmem>> -> memref<128xf32, #tpu.memory_space<vmem>>
      %dma_wait3A_892 = arith.constant 0 : i32
      %dma_wait3A_893 = tpu.memref_slice %arg14[%add3A_534, %dma_wait3A_892] : memref<80x128xi32, #tpu.memory_space<vmem>> -> memref<1x128xi32, #tpu.memory_space<vmem>>
      %dma_wait3A_894 = tpu.memref_squeeze %dma_wait3A_893 : memref<1x128xi32, #tpu.memory_space<vmem>> -> memref<128xi32, #tpu.memory_space<vmem>>
      %dma_wait3A_895 = arith.constant 0 : i32
      %dma_wait3A_896 = tpu.memref_slice %arg13[%dma_wait3A_895] : memref<160000xf32, #tpu.memory_space<vmem_shared>> -> memref<160000xf32, #tpu.memory_space<vmem_shared>>
      tpu.wait_indirect_dma semaphore(%arg16 : memref<!tpu.dma_semaphore, #tpu.memory_space<semaphore_mem>>) src(%dma_wait3A_891 : memref<128xf32, #tpu.memory_space<vmem>>) dst(%dma_wait3A_896 : memref<160000xf32, #tpu.memory_space<vmem_shared>>)
      %dma_wait3A_897 = arith.constant 3 : i32
      %dma_wait3A_898 = arith.constant 0 : i32
      %dma_wait3A_899 = arith.constant 0 : i32
      %dma_wait3A_900 = tpu.memref_slice %arg15[%rem3A_186, %dma_wait3A_897, %dma_wait3A_898, %dma_wait3A_899] : memref<2x4x8x128xf32, #tpu.memory_space<vmem>> -> memref<1x1x1x128xf32, #tpu.memory_space<vmem>>
      %dma_wait3A_901 = tpu.memref_squeeze %dma_wait3A_900 : memref<1x1x1x128xf32, #tpu.memory_space<vmem>> -> memref<128xf32, #tpu.memory_space<vmem>>
      %dma_wait3A_902 = arith.constant 0 : i32
      %dma_wait3A_903 = tpu.memref_slice %arg14[%add3A_548, %dma_wait3A_902] : memref<80x128xi32, #tpu.memory_space<vmem>> -> memref<1x128xi32, #tpu.memory_space<vmem>>
      %dma_wait3A_904 = tpu.memref_squeeze %dma_wait3A_903 : memref<1x128xi32, #tpu.memory_space<vmem>> -> memref<128xi32, #tpu.memory_space<vmem>>
      %dma_wait3A_905 = arith.constant 0 : i32
      %dma_wait3A_906 = tpu.memref_slice %arg6[%dma_wait3A_905] : memref<160000xf32, #tpu.memory_space<vmem_shared>> -> memref<160000xf32, #tpu.memory_space<vmem_shared>>
      tpu.wait_indirect_dma semaphore(%arg16 : memref<!tpu.dma_semaphore, #tpu.memory_space<semaphore_mem>>) src(%dma_wait3A_901 : memref<128xf32, #tpu.memory_space<vmem>>) dst(%dma_wait3A_906 : memref<160000xf32, #tpu.memory_space<vmem_shared>>)
      %dma_wait3A_907 = arith.constant 3 : i32
      %dma_wait3A_908 = arith.constant 1 : i32
      %dma_wait3A_909 = arith.constant 0 : i32
      %dma_wait3A_910 = tpu.memref_slice %arg15[%rem3A_186, %dma_wait3A_907, %dma_wait3A_908, %dma_wait3A_909] : memref<2x4x8x128xf32, #tpu.memory_space<vmem>> -> memref<1x1x1x128xf32, #tpu.memory_space<vmem>>
      %dma_wait3A_911 = tpu.memref_squeeze %dma_wait3A_910 : memref<1x1x1x128xf32, #tpu.memory_space<vmem>> -> memref<128xf32, #tpu.memory_space<vmem>>
      %dma_wait3A_912 = arith.constant 0 : i32
      %dma_wait3A_913 = tpu.memref_slice %arg14[%add3A_562, %dma_wait3A_912] : memref<80x128xi32, #tpu.memory_space<vmem>> -> memref<1x128xi32, #tpu.memory_space<vmem>>
      %dma_wait3A_914 = tpu.memref_squeeze %dma_wait3A_913 : memref<1x128xi32, #tpu.memory_space<vmem>> -> memref<128xi32, #tpu.memory_space<vmem>>
      %dma_wait3A_915 = arith.constant 0 : i32
      %dma_wait3A_916 = tpu.memref_slice %arg7[%dma_wait3A_915] : memref<160000xf32, #tpu.memory_space<vmem_shared>> -> memref<160000xf32, #tpu.memory_space<vmem_shared>>
      tpu.wait_indirect_dma semaphore(%arg16 : memref<!tpu.dma_semaphore, #tpu.memory_space<semaphore_mem>>) src(%dma_wait3A_911 : memref<128xf32, #tpu.memory_space<vmem>>) dst(%dma_wait3A_916 : memref<160000xf32, #tpu.memory_space<vmem_shared>>)
      %dma_wait3A_917 = arith.constant 3 : i32
      %dma_wait3A_918 = arith.constant 2 : i32
      %dma_wait3A_919 = arith.constant 0 : i32
      %dma_wait3A_920 = tpu.memref_slice %arg15[%rem3A_186, %dma_wait3A_917, %dma_wait3A_918, %dma_wait3A_919] : memref<2x4x8x128xf32, #tpu.memory_space<vmem>> -> memref<1x1x1x128xf32, #tpu.memory_space<vmem>>
      %dma_wait3A_921 = tpu.memref_squeeze %dma_wait3A_920 : memref<1x1x1x128xf32, #tpu.memory_space<vmem>> -> memref<128xf32, #tpu.memory_space<vmem>>
      %dma_wait3A_922 = arith.constant 0 : i32
      %dma_wait3A_923 = tpu.memref_slice %arg14[%add3A_576, %dma_wait3A_922] : memref<80x128xi32, #tpu.memory_space<vmem>> -> memref<1x128xi32, #tpu.memory_space<vmem>>
      %dma_wait3A_924 = tpu.memref_squeeze %dma_wait3A_923 : memref<1x128xi32, #tpu.memory_space<vmem>> -> memref<128xi32, #tpu.memory_space<vmem>>
      %dma_wait3A_925 = arith.constant 0 : i32
      %dma_wait3A_926 = tpu.memref_slice %arg8[%dma_wait3A_925] : memref<160000xf32, #tpu.memory_space<vmem_shared>> -> memref<160000xf32, #tpu.memory_space<vmem_shared>>
      tpu.wait_indirect_dma semaphore(%arg16 : memref<!tpu.dma_semaphore, #tpu.memory_space<semaphore_mem>>) src(%dma_wait3A_921 : memref<128xf32, #tpu.memory_space<vmem>>) dst(%dma_wait3A_926 : memref<160000xf32, #tpu.memory_space<vmem_shared>>)
      %dma_wait3A_927 = arith.constant 3 : i32
      %dma_wait3A_928 = arith.constant 3 : i32
      %dma_wait3A_929 = arith.constant 0 : i32
      %dma_wait3A_930 = tpu.memref_slice %arg15[%rem3A_186, %dma_wait3A_927, %dma_wait3A_928, %dma_wait3A_929] : memref<2x4x8x128xf32, #tpu.memory_space<vmem>> -> memref<1x1x1x128xf32, #tpu.memory_space<vmem>>
      %dma_wait3A_931 = tpu.memref_squeeze %dma_wait3A_930 : memref<1x1x1x128xf32, #tpu.memory_space<vmem>> -> memref<128xf32, #tpu.memory_space<vmem>>
      %dma_wait3A_932 = arith.constant 0 : i32
      %dma_wait3A_933 = tpu.memref_slice %arg14[%add3A_590, %dma_wait3A_932] : memref<80x128xi32, #tpu.memory_space<vmem>> -> memref<1x128xi32, #tpu.memory_space<vmem>>
      %dma_wait3A_934 = tpu.memref_squeeze %dma_wait3A_933 : memref<1x128xi32, #tpu.memory_space<vmem>> -> memref<128xi32, #tpu.memory_space<vmem>>
      %dma_wait3A_935 = arith.constant 0 : i32
      %dma_wait3A_936 = tpu.memref_slice %arg9[%dma_wait3A_935] : memref<160000xf32, #tpu.memory_space<vmem_shared>> -> memref<160000xf32, #tpu.memory_space<vmem_shared>>
      tpu.wait_indirect_dma semaphore(%arg16 : memref<!tpu.dma_semaphore, #tpu.memory_space<semaphore_mem>>) src(%dma_wait3A_931 : memref<128xf32, #tpu.memory_space<vmem>>) dst(%dma_wait3A_936 : memref<160000xf32, #tpu.memory_space<vmem_shared>>)
      %dma_wait3A_937 = arith.constant 3 : i32
      %dma_wait3A_938 = arith.constant 4 : i32
      %dma_wait3A_939 = arith.constant 0 : i32
      %dma_wait3A_940 = tpu.memref_slice %arg15[%rem3A_186, %dma_wait3A_937, %dma_wait3A_938, %dma_wait3A_939] : memref<2x4x8x128xf32, #tpu.memory_space<vmem>> -> memref<1x1x1x128xf32, #tpu.memory_space<vmem>>
      %dma_wait3A_941 = tpu.memref_squeeze %dma_wait3A_940 : memref<1x1x1x128xf32, #tpu.memory_space<vmem>> -> memref<128xf32, #tpu.memory_space<vmem>>
      %dma_wait3A_942 = arith.constant 0 : i32
      %dma_wait3A_943 = tpu.memref_slice %arg14[%add3A_604, %dma_wait3A_942] : memref<80x128xi32, #tpu.memory_space<vmem>> -> memref<1x128xi32, #tpu.memory_space<vmem>>
      %dma_wait3A_944 = tpu.memref_squeeze %dma_wait3A_943 : memref<1x128xi32, #tpu.memory_space<vmem>> -> memref<128xi32, #tpu.memory_space<vmem>>
      %dma_wait3A_945 = arith.constant 0 : i32
      %dma_wait3A_946 = tpu.memref_slice %arg10[%dma_wait3A_945] : memref<160000xf32, #tpu.memory_space<vmem_shared>> -> memref<160000xf32, #tpu.memory_space<vmem_shared>>
      tpu.wait_indirect_dma semaphore(%arg16 : memref<!tpu.dma_semaphore, #tpu.memory_space<semaphore_mem>>) src(%dma_wait3A_941 : memref<128xf32, #tpu.memory_space<vmem>>) dst(%dma_wait3A_946 : memref<160000xf32, #tpu.memory_space<vmem_shared>>)
      %dma_wait3A_947 = arith.constant 3 : i32
      %dma_wait3A_948 = arith.constant 5 : i32
      %dma_wait3A_949 = arith.constant 0 : i32
      %dma_wait3A_950 = tpu.memref_slice %arg15[%rem3A_186, %dma_wait3A_947, %dma_wait3A_948, %dma_wait3A_949] : memref<2x4x8x128xf32, #tpu.memory_space<vmem>> -> memref<1x1x1x128xf32, #tpu.memory_space<vmem>>
      %dma_wait3A_951 = tpu.memref_squeeze %dma_wait3A_950 : memref<1x1x1x128xf32, #tpu.memory_space<vmem>> -> memref<128xf32, #tpu.memory_space<vmem>>
      %dma_wait3A_952 = arith.constant 0 : i32
      %dma_wait3A_953 = tpu.memref_slice %arg14[%add3A_618, %dma_wait3A_952] : memref<80x128xi32, #tpu.memory_space<vmem>> -> memref<1x128xi32, #tpu.memory_space<vmem>>
      %dma_wait3A_954 = tpu.memref_squeeze %dma_wait3A_953 : memref<1x128xi32, #tpu.memory_space<vmem>> -> memref<128xi32, #tpu.memory_space<vmem>>
      %dma_wait3A_955 = arith.constant 0 : i32
      %dma_wait3A_956 = tpu.memref_slice %arg11[%dma_wait3A_955] : memref<160000xf32, #tpu.memory_space<vmem_shared>> -> memref<160000xf32, #tpu.memory_space<vmem_shared>>
      tpu.wait_indirect_dma semaphore(%arg16 : memref<!tpu.dma_semaphore, #tpu.memory_space<semaphore_mem>>) src(%dma_wait3A_951 : memref<128xf32, #tpu.memory_space<vmem>>) dst(%dma_wait3A_956 : memref<160000xf32, #tpu.memory_space<vmem_shared>>)
      %dma_wait3A_957 = arith.constant 3 : i32
      %dma_wait3A_958 = arith.constant 6 : i32
      %dma_wait3A_959 = arith.constant 0 : i32
      %dma_wait3A_960 = tpu.memref_slice %arg15[%rem3A_186, %dma_wait3A_957, %dma_wait3A_958, %dma_wait3A_959] : memref<2x4x8x128xf32, #tpu.memory_space<vmem>> -> memref<1x1x1x128xf32, #tpu.memory_space<vmem>>
      %dma_wait3A_961 = tpu.memref_squeeze %dma_wait3A_960 : memref<1x1x1x128xf32, #tpu.memory_space<vmem>> -> memref<128xf32, #tpu.memory_space<vmem>>
      %dma_wait3A_962 = arith.constant 0 : i32
      %dma_wait3A_963 = tpu.memref_slice %arg14[%add3A_632, %dma_wait3A_962] : memref<80x128xi32, #tpu.memory_space<vmem>> -> memref<1x128xi32, #tpu.memory_space<vmem>>
      %dma_wait3A_964 = tpu.memref_squeeze %dma_wait3A_963 : memref<1x128xi32, #tpu.memory_space<vmem>> -> memref<128xi32, #tpu.memory_space<vmem>>
      %dma_wait3A_965 = arith.constant 0 : i32
      %dma_wait3A_966 = tpu.memref_slice %arg12[%dma_wait3A_965] : memref<160000xf32, #tpu.memory_space<vmem_shared>> -> memref<160000xf32, #tpu.memory_space<vmem_shared>>
      tpu.wait_indirect_dma semaphore(%arg16 : memref<!tpu.dma_semaphore, #tpu.memory_space<semaphore_mem>>) src(%dma_wait3A_961 : memref<128xf32, #tpu.memory_space<vmem>>) dst(%dma_wait3A_966 : memref<160000xf32, #tpu.memory_space<vmem_shared>>)
      %dma_wait3A_967 = arith.constant 3 : i32
      %dma_wait3A_968 = arith.constant 7 : i32
      %dma_wait3A_969 = arith.constant 0 : i32
      %dma_wait3A_970 = tpu.memref_slice %arg15[%rem3A_186, %dma_wait3A_967, %dma_wait3A_968, %dma_wait3A_969] : memref<2x4x8x128xf32, #tpu.memory_space<vmem>> -> memref<1x1x1x128xf32, #tpu.memory_space<vmem>>
      %dma_wait3A_971 = tpu.memref_squeeze %dma_wait3A_970 : memref<1x1x1x128xf32, #tpu.memory_space<vmem>> -> memref<128xf32, #tpu.memory_space<vmem>>
      %dma_wait3A_972 = arith.constant 0 : i32
      %dma_wait3A_973 = tpu.memref_slice %arg14[%add3A_646, %dma_wait3A_972] : memref<80x128xi32, #tpu.memory_space<vmem>> -> memref<1x128xi32, #tpu.memory_space<vmem>>
      %dma_wait3A_974 = tpu.memref_squeeze %dma_wait3A_973 : memref<1x128xi32, #tpu.memory_space<vmem>> -> memref<128xi32, #tpu.memory_space<vmem>>
      %dma_wait3A_975 = arith.constant 0 : i32
      %dma_wait3A_976 = tpu.memref_slice %arg13[%dma_wait3A_975] : memref<160000xf32, #tpu.memory_space<vmem_shared>> -> memref<160000xf32, #tpu.memory_space<vmem_shared>>
      tpu.wait_indirect_dma semaphore(%arg16 : memref<!tpu.dma_semaphore, #tpu.memory_space<semaphore_mem>>) src(%dma_wait3A_971 : memref<128xf32, #tpu.memory_space<vmem>>) dst(%dma_wait3A_976 : memref<160000xf32, #tpu.memory_space<vmem_shared>>)
    }
    %barrier3A_144 = arith.constant 0 : index
    tpu.barrier barrier_id(%barrier3A_144)
    %mul3A_145 = arith.constant 10000 : i32
    %mul3A_146 = arith.muli %arg1, %mul3A_145 : i32
    %mul3A_147 = arith.constant 10000 : i32
    %mul3A_148 = arith.muli %arg1, %mul3A_147 : i32
    %run_scoped3A = arith.constant 0 : i32
    "tpu.region"() ({
      %run_scoped3A_184 = tpu.sem_alloc : memref<!tpu.dma_semaphore, #tpu.memory_space<semaphore_mem>>
      %dma_start3A_185 = tpu.memref_slice %arg5[%arg0, %run_scoped3A, %mul3A_148] : memref<2x8x160000xf32, #tpu.memory_space<hbm>> -> memref<1x1x10000xf32, #tpu.memory_space<hbm>>
      %dma_start3A_186 = tpu.memref_squeeze %dma_start3A_185 : memref<1x1x10000xf32, #tpu.memory_space<hbm>> -> memref<10000xf32, #tpu.memory_space<hbm>>
      %dma_start3A_187 = tpu.memref_slice %arg6[%mul3A_146] : memref<160000xf32, #tpu.memory_space<vmem_shared>> -> memref<10000xf32, #tpu.memory_space<vmem_shared>>
      tpu.enqueue_dma source(%dma_start3A_187 : memref<10000xf32, #tpu.memory_space<vmem_shared>>) target(%dma_start3A_186 : memref<10000xf32, #tpu.memory_space<hbm>>) target_semaphore(%run_scoped3A_184 : memref<!tpu.dma_semaphore, #tpu.memory_space<semaphore_mem>>)
      %dma_wait3A_188 = tpu.memref_slice %arg5[%arg0, %run_scoped3A, %mul3A_148] : memref<2x8x160000xf32, #tpu.memory_space<hbm>> -> memref<1x1x10000xf32, #tpu.memory_space<hbm>>
      %dma_wait3A_189 = tpu.memref_squeeze %dma_wait3A_188 : memref<1x1x10000xf32, #tpu.memory_space<hbm>> -> memref<10000xf32, #tpu.memory_space<hbm>>
      %dma_wait3A_190 = tpu.memref_slice %arg6[%mul3A_146] : memref<160000xf32, #tpu.memory_space<vmem_shared>> -> memref<10000xf32, #tpu.memory_space<vmem_shared>>
      tpu.wait_dma2 semaphore(%run_scoped3A_184 : memref<!tpu.dma_semaphore, #tpu.memory_space<semaphore_mem>>) src(%dma_wait3A_190 : memref<10000xf32, #tpu.memory_space<vmem_shared>>) dst(%dma_wait3A_189 : memref<10000xf32, #tpu.memory_space<hbm>>)
      tpu.yield
    }) : () -> ()
    %mul3A_149 = arith.constant 10000 : i32
    %mul3A_150 = arith.muli %arg1, %mul3A_149 : i32
    %mul3A_151 = arith.constant 10000 : i32
    %mul3A_152 = arith.muli %arg1, %mul3A_151 : i32
    %run_scoped3A_153 = arith.constant 1 : i32
    "tpu.region"() ({
      %run_scoped3A_184 = tpu.sem_alloc : memref<!tpu.dma_semaphore, #tpu.memory_space<semaphore_mem>>
      %dma_start3A_185 = tpu.memref_slice %arg5[%arg0, %run_scoped3A_153, %mul3A_152] : memref<2x8x160000xf32, #tpu.memory_space<hbm>> -> memref<1x1x10000xf32, #tpu.memory_space<hbm>>
      %dma_start3A_186 = tpu.memref_squeeze %dma_start3A_185 : memref<1x1x10000xf32, #tpu.memory_space<hbm>> -> memref<10000xf32, #tpu.memory_space<hbm>>
      %dma_start3A_187 = tpu.memref_slice %arg7[%mul3A_150] : memref<160000xf32, #tpu.memory_space<vmem_shared>> -> memref<10000xf32, #tpu.memory_space<vmem_shared>>
      tpu.enqueue_dma source(%dma_start3A_187 : memref<10000xf32, #tpu.memory_space<vmem_shared>>) target(%dma_start3A_186 : memref<10000xf32, #tpu.memory_space<hbm>>) target_semaphore(%run_scoped3A_184 : memref<!tpu.dma_semaphore, #tpu.memory_space<semaphore_mem>>)
      %dma_wait3A_188 = tpu.memref_slice %arg5[%arg0, %run_scoped3A_153, %mul3A_152] : memref<2x8x160000xf32, #tpu.memory_space<hbm>> -> memref<1x1x10000xf32, #tpu.memory_space<hbm>>
      %dma_wait3A_189 = tpu.memref_squeeze %dma_wait3A_188 : memref<1x1x10000xf32, #tpu.memory_space<hbm>> -> memref<10000xf32, #tpu.memory_space<hbm>>
      %dma_wait3A_190 = tpu.memref_slice %arg7[%mul3A_150] : memref<160000xf32, #tpu.memory_space<vmem_shared>> -> memref<10000xf32, #tpu.memory_space<vmem_shared>>
      tpu.wait_dma2 semaphore(%run_scoped3A_184 : memref<!tpu.dma_semaphore, #tpu.memory_space<semaphore_mem>>) src(%dma_wait3A_190 : memref<10000xf32, #tpu.memory_space<vmem_shared>>) dst(%dma_wait3A_189 : memref<10000xf32, #tpu.memory_space<hbm>>)
      tpu.yield
    }) : () -> ()
    %mul3A_154 = arith.constant 10000 : i32
    %mul3A_155 = arith.muli %arg1, %mul3A_154 : i32
    %mul3A_156 = arith.constant 10000 : i32
    %mul3A_157 = arith.muli %arg1, %mul3A_156 : i32
    %run_scoped3A_158 = arith.constant 2 : i32
    "tpu.region"() ({
      %run_scoped3A_184 = tpu.sem_alloc : memref<!tpu.dma_semaphore, #tpu.memory_space<semaphore_mem>>
      %dma_start3A_185 = tpu.memref_slice %arg5[%arg0, %run_scoped3A_158, %mul3A_157] : memref<2x8x160000xf32, #tpu.memory_space<hbm>> -> memref<1x1x10000xf32, #tpu.memory_space<hbm>>
      %dma_start3A_186 = tpu.memref_squeeze %dma_start3A_185 : memref<1x1x10000xf32, #tpu.memory_space<hbm>> -> memref<10000xf32, #tpu.memory_space<hbm>>
      %dma_start3A_187 = tpu.memref_slice %arg8[%mul3A_155] : memref<160000xf32, #tpu.memory_space<vmem_shared>> -> memref<10000xf32, #tpu.memory_space<vmem_shared>>
      tpu.enqueue_dma source(%dma_start3A_187 : memref<10000xf32, #tpu.memory_space<vmem_shared>>) target(%dma_start3A_186 : memref<10000xf32, #tpu.memory_space<hbm>>) target_semaphore(%run_scoped3A_184 : memref<!tpu.dma_semaphore, #tpu.memory_space<semaphore_mem>>)
      %dma_wait3A_188 = tpu.memref_slice %arg5[%arg0, %run_scoped3A_158, %mul3A_157] : memref<2x8x160000xf32, #tpu.memory_space<hbm>> -> memref<1x1x10000xf32, #tpu.memory_space<hbm>>
      %dma_wait3A_189 = tpu.memref_squeeze %dma_wait3A_188 : memref<1x1x10000xf32, #tpu.memory_space<hbm>> -> memref<10000xf32, #tpu.memory_space<hbm>>
      %dma_wait3A_190 = tpu.memref_slice %arg8[%mul3A_155] : memref<160000xf32, #tpu.memory_space<vmem_shared>> -> memref<10000xf32, #tpu.memory_space<vmem_shared>>
      tpu.wait_dma2 semaphore(%run_scoped3A_184 : memref<!tpu.dma_semaphore, #tpu.memory_space<semaphore_mem>>) src(%dma_wait3A_190 : memref<10000xf32, #tpu.memory_space<vmem_shared>>) dst(%dma_wait3A_189 : memref<10000xf32, #tpu.memory_space<hbm>>)
      tpu.yield
    }) : () -> ()
    %mul3A_159 = arith.constant 10000 : i32
    %mul3A_160 = arith.muli %arg1, %mul3A_159 : i32
    %mul3A_161 = arith.constant 10000 : i32
    %mul3A_162 = arith.muli %arg1, %mul3A_161 : i32
    %run_scoped3A_163 = arith.constant 3 : i32
    "tpu.region"() ({
      %run_scoped3A_184 = tpu.sem_alloc : memref<!tpu.dma_semaphore, #tpu.memory_space<semaphore_mem>>
      %dma_start3A_185 = tpu.memref_slice %arg5[%arg0, %run_scoped3A_163, %mul3A_162] : memref<2x8x160000xf32, #tpu.memory_space<hbm>> -> memref<1x1x10000xf32, #tpu.memory_space<hbm>>
      %dma_start3A_186 = tpu.memref_squeeze %dma_start3A_185 : memref<1x1x10000xf32, #tpu.memory_space<hbm>> -> memref<10000xf32, #tpu.memory_space<hbm>>
      %dma_start3A_187 = tpu.memref_slice %arg9[%mul3A_160] : memref<160000xf32, #tpu.memory_space<vmem_shared>> -> memref<10000xf32, #tpu.memory_space<vmem_shared>>
      tpu.enqueue_dma source(%dma_start3A_187 : memref<10000xf32, #tpu.memory_space<vmem_shared>>) target(%dma_start3A_186 : memref<10000xf32, #tpu.memory_space<hbm>>) target_semaphore(%run_scoped3A_184 : memref<!tpu.dma_semaphore, #tpu.memory_space<semaphore_mem>>)
      %dma_wait3A_188 = tpu.memref_slice %arg5[%arg0, %run_scoped3A_163, %mul3A_162] : memref<2x8x160000xf32, #tpu.memory_space<hbm>> -> memref<1x1x10000xf32, #tpu.memory_space<hbm>>
      %dma_wait3A_189 = tpu.memref_squeeze %dma_wait3A_188 : memref<1x1x10000xf32, #tpu.memory_space<hbm>> -> memref<10000xf32, #tpu.memory_space<hbm>>
      %dma_wait3A_190 = tpu.memref_slice %arg9[%mul3A_160] : memref<160000xf32, #tpu.memory_space<vmem_shared>> -> memref<10000xf32, #tpu.memory_space<vmem_shared>>
      tpu.wait_dma2 semaphore(%run_scoped3A_184 : memref<!tpu.dma_semaphore, #tpu.memory_space<semaphore_mem>>) src(%dma_wait3A_190 : memref<10000xf32, #tpu.memory_space<vmem_shared>>) dst(%dma_wait3A_189 : memref<10000xf32, #tpu.memory_space<hbm>>)
      tpu.yield
    }) : () -> ()
    %mul3A_164 = arith.constant 10000 : i32
    %mul3A_165 = arith.muli %arg1, %mul3A_164 : i32
    %mul3A_166 = arith.constant 10000 : i32
    %mul3A_167 = arith.muli %arg1, %mul3A_166 : i32
    %run_scoped3A_168 = arith.constant 4 : i32
    "tpu.region"() ({
      %run_scoped3A_184 = tpu.sem_alloc : memref<!tpu.dma_semaphore, #tpu.memory_space<semaphore_mem>>
      %dma_start3A_185 = tpu.memref_slice %arg5[%arg0, %run_scoped3A_168, %mul3A_167] : memref<2x8x160000xf32, #tpu.memory_space<hbm>> -> memref<1x1x10000xf32, #tpu.memory_space<hbm>>
      %dma_start3A_186 = tpu.memref_squeeze %dma_start3A_185 : memref<1x1x10000xf32, #tpu.memory_space<hbm>> -> memref<10000xf32, #tpu.memory_space<hbm>>
      %dma_start3A_187 = tpu.memref_slice %arg10[%mul3A_165] : memref<160000xf32, #tpu.memory_space<vmem_shared>> -> memref<10000xf32, #tpu.memory_space<vmem_shared>>
      tpu.enqueue_dma source(%dma_start3A_187 : memref<10000xf32, #tpu.memory_space<vmem_shared>>) target(%dma_start3A_186 : memref<10000xf32, #tpu.memory_space<hbm>>) target_semaphore(%run_scoped3A_184 : memref<!tpu.dma_semaphore, #tpu.memory_space<semaphore_mem>>)
      %dma_wait3A_188 = tpu.memref_slice %arg5[%arg0, %run_scoped3A_168, %mul3A_167] : memref<2x8x160000xf32, #tpu.memory_space<hbm>> -> memref<1x1x10000xf32, #tpu.memory_space<hbm>>
      %dma_wait3A_189 = tpu.memref_squeeze %dma_wait3A_188 : memref<1x1x10000xf32, #tpu.memory_space<hbm>> -> memref<10000xf32, #tpu.memory_space<hbm>>
      %dma_wait3A_190 = tpu.memref_slice %arg10[%mul3A_165] : memref<160000xf32, #tpu.memory_space<vmem_shared>> -> memref<10000xf32, #tpu.memory_space<vmem_shared>>
      tpu.wait_dma2 semaphore(%run_scoped3A_184 : memref<!tpu.dma_semaphore, #tpu.memory_space<semaphore_mem>>) src(%dma_wait3A_190 : memref<10000xf32, #tpu.memory_space<vmem_shared>>) dst(%dma_wait3A_189 : memref<10000xf32, #tpu.memory_space<hbm>>)
      tpu.yield
    }) : () -> ()
    %mul3A_169 = arith.constant 10000 : i32
    %mul3A_170 = arith.muli %arg1, %mul3A_169 : i32
    %mul3A_171 = arith.constant 10000 : i32
    %mul3A_172 = arith.muli %arg1, %mul3A_171 : i32
    %run_scoped3A_173 = arith.constant 5 : i32
    "tpu.region"() ({
      %run_scoped3A_184 = tpu.sem_alloc : memref<!tpu.dma_semaphore, #tpu.memory_space<semaphore_mem>>
      %dma_start3A_185 = tpu.memref_slice %arg5[%arg0, %run_scoped3A_173, %mul3A_172] : memref<2x8x160000xf32, #tpu.memory_space<hbm>> -> memref<1x1x10000xf32, #tpu.memory_space<hbm>>
      %dma_start3A_186 = tpu.memref_squeeze %dma_start3A_185 : memref<1x1x10000xf32, #tpu.memory_space<hbm>> -> memref<10000xf32, #tpu.memory_space<hbm>>
      %dma_start3A_187 = tpu.memref_slice %arg11[%mul3A_170] : memref<160000xf32, #tpu.memory_space<vmem_shared>> -> memref<10000xf32, #tpu.memory_space<vmem_shared>>
      tpu.enqueue_dma source(%dma_start3A_187 : memref<10000xf32, #tpu.memory_space<vmem_shared>>) target(%dma_start3A_186 : memref<10000xf32, #tpu.memory_space<hbm>>) target_semaphore(%run_scoped3A_184 : memref<!tpu.dma_semaphore, #tpu.memory_space<semaphore_mem>>)
      %dma_wait3A_188 = tpu.memref_slice %arg5[%arg0, %run_scoped3A_173, %mul3A_172] : memref<2x8x160000xf32, #tpu.memory_space<hbm>> -> memref<1x1x10000xf32, #tpu.memory_space<hbm>>
      %dma_wait3A_189 = tpu.memref_squeeze %dma_wait3A_188 : memref<1x1x10000xf32, #tpu.memory_space<hbm>> -> memref<10000xf32, #tpu.memory_space<hbm>>
      %dma_wait3A_190 = tpu.memref_slice %arg11[%mul3A_170] : memref<160000xf32, #tpu.memory_space<vmem_shared>> -> memref<10000xf32, #tpu.memory_space<vmem_shared>>
      tpu.wait_dma2 semaphore(%run_scoped3A_184 : memref<!tpu.dma_semaphore, #tpu.memory_space<semaphore_mem>>) src(%dma_wait3A_190 : memref<10000xf32, #tpu.memory_space<vmem_shared>>) dst(%dma_wait3A_189 : memref<10000xf32, #tpu.memory_space<hbm>>)
      tpu.yield
    }) : () -> ()
    %mul3A_174 = arith.constant 10000 : i32
    %mul3A_175 = arith.muli %arg1, %mul3A_174 : i32
    %mul3A_176 = arith.constant 10000 : i32
    %mul3A_177 = arith.muli %arg1, %mul3A_176 : i32
    %run_scoped3A_178 = arith.constant 6 : i32
    "tpu.region"() ({
      %run_scoped3A_184 = tpu.sem_alloc : memref<!tpu.dma_semaphore, #tpu.memory_space<semaphore_mem>>
      %dma_start3A_185 = tpu.memref_slice %arg5[%arg0, %run_scoped3A_178, %mul3A_177] : memref<2x8x160000xf32, #tpu.memory_space<hbm>> -> memref<1x1x10000xf32, #tpu.memory_space<hbm>>
      %dma_start3A_186 = tpu.memref_squeeze %dma_start3A_185 : memref<1x1x10000xf32, #tpu.memory_space<hbm>> -> memref<10000xf32, #tpu.memory_space<hbm>>
      %dma_start3A_187 = tpu.memref_slice %arg12[%mul3A_175] : memref<160000xf32, #tpu.memory_space<vmem_shared>> -> memref<10000xf32, #tpu.memory_space<vmem_shared>>
      tpu.enqueue_dma source(%dma_start3A_187 : memref<10000xf32, #tpu.memory_space<vmem_shared>>) target(%dma_start3A_186 : memref<10000xf32, #tpu.memory_space<hbm>>) target_semaphore(%run_scoped3A_184 : memref<!tpu.dma_semaphore, #tpu.memory_space<semaphore_mem>>)
      %dma_wait3A_188 = tpu.memref_slice %arg5[%arg0, %run_scoped3A_178, %mul3A_177] : memref<2x8x160000xf32, #tpu.memory_space<hbm>> -> memref<1x1x10000xf32, #tpu.memory_space<hbm>>
      %dma_wait3A_189 = tpu.memref_squeeze %dma_wait3A_188 : memref<1x1x10000xf32, #tpu.memory_space<hbm>> -> memref<10000xf32, #tpu.memory_space<hbm>>
      %dma_wait3A_190 = tpu.memref_slice %arg12[%mul3A_175] : memref<160000xf32, #tpu.memory_space<vmem_shared>> -> memref<10000xf32, #tpu.memory_space<vmem_shared>>
      tpu.wait_dma2 semaphore(%run_scoped3A_184 : memref<!tpu.dma_semaphore, #tpu.memory_space<semaphore_mem>>) src(%dma_wait3A_190 : memref<10000xf32, #tpu.memory_space<vmem_shared>>) dst(%dma_wait3A_189 : memref<10000xf32, #tpu.memory_space<hbm>>)
      tpu.yield
    }) : () -> ()
    %mul3A_179 = arith.constant 10000 : i32
    %mul3A_180 = arith.muli %arg1, %mul3A_179 : i32
    %mul3A_181 = arith.constant 10000 : i32
    %mul3A_182 = arith.muli %arg1, %mul3A_181 : i32
    %run_scoped3A_183 = arith.constant 7 : i32
    "tpu.region"() ({
      %run_scoped3A_184 = tpu.sem_alloc : memref<!tpu.dma_semaphore, #tpu.memory_space<semaphore_mem>>
      %dma_start3A_185 = tpu.memref_slice %arg5[%arg0, %run_scoped3A_183, %mul3A_182] : memref<2x8x160000xf32, #tpu.memory_space<hbm>> -> memref<1x1x10000xf32, #tpu.memory_space<hbm>>
      %dma_start3A_186 = tpu.memref_squeeze %dma_start3A_185 : memref<1x1x10000xf32, #tpu.memory_space<hbm>> -> memref<10000xf32, #tpu.memory_space<hbm>>
      %dma_start3A_187 = tpu.memref_slice %arg13[%mul3A_180] : memref<160000xf32, #tpu.memory_space<vmem_shared>> -> memref<10000xf32, #tpu.memory_space<vmem_shared>>
      tpu.enqueue_dma source(%dma_start3A_187 : memref<10000xf32, #tpu.memory_space<vmem_shared>>) target(%dma_start3A_186 : memref<10000xf32, #tpu.memory_space<hbm>>) target_semaphore(%run_scoped3A_184 : memref<!tpu.dma_semaphore, #tpu.memory_space<semaphore_mem>>)
      %dma_wait3A_188 = tpu.memref_slice %arg5[%arg0, %run_scoped3A_183, %mul3A_182] : memref<2x8x160000xf32, #tpu.memory_space<hbm>> -> memref<1x1x10000xf32, #tpu.memory_space<hbm>>
      %dma_wait3A_189 = tpu.memref_squeeze %dma_wait3A_188 : memref<1x1x10000xf32, #tpu.memory_space<hbm>> -> memref<10000xf32, #tpu.memory_space<hbm>>
      %dma_wait3A_190 = tpu.memref_slice %arg13[%mul3A_180] : memref<160000xf32, #tpu.memory_space<vmem_shared>> -> memref<10000xf32, #tpu.memory_space<vmem_shared>>
      tpu.wait_dma2 semaphore(%run_scoped3A_184 : memref<!tpu.dma_semaphore, #tpu.memory_space<semaphore_mem>>) src(%dma_wait3A_190 : memref<10000xf32, #tpu.memory_space<vmem_shared>>) dst(%dma_wait3A_189 : memref<10000xf32, #tpu.memory_space<hbm>>)
      tpu.yield
    }) : () -> ()
    return
  }
}

module attributes {stable_mosaic.version = 14 : i64} {
  func.func @_ta_body(%arg0: i32, %arg1: memref<8x42xf32, #tpu.memory_space<vmem>>, %arg2: memref<42x2560xf32, #tpu.memory_space<vmem>>, %arg3: memref<20x8x128xf32, #tpu.memory_space<vmem>>) attributes {dimension_semantics = [#tpu.dimension_semantics<arbitrary>], iteration_bounds = array<i64: 125>, scalar_prefetch = 0 : i64, scratch_operands = 0 : i64, tpu.core_type = #tpu.core_type<tc>, window_params = [{pipeline_mode = #tpu.pipeline_mode<synchronous>, transform_indices = @transform_0, window_bounds = array<i64: 8, 42>}, {transform_indices = @transform_1, window_bounds = array<i64: 42, 2560>}, {transform_indices = @transform_2, window_bounds = array<i64: 20, 8, 128>}]} {
    %get3A = arith.constant 0 : index
    %get3A_0 = arith.constant 0 : index
    %get3A_1 = vector.load %arg1[%get3A, %get3A_0] : memref<8x42xf32, #tpu.memory_space<vmem>>, vector<8x42xf32>
    %get3A_2 = arith.constant 0 : index
    %get3A_3 = arith.constant 0 : index
    %get3A_4 = vector.load %arg2[%get3A_2, %get3A_3] : memref<42x2560xf32, #tpu.memory_space<vmem>>, vector<42x2560xf32>
    %dot_general3A = arith.constant dense<0.000000e+00> : vector<8x2560xf32>
    %dot_general3A_5 = tpu.matmul %get3A_1, %get3A_4, %dot_general3A {dimension_numbers = #tpu.dot_dimension_numbers<[1], [0], [0], [1], [0, 0, 1, 1], [], []>, transpose_lhs_hint = false} : vector<8x42xf32>, vector<42x2560xf32>, vector<8x2560xf32> -> vector<8x2560xf32>
    %reshape3A = vector.shape_cast %dot_general3A_5 : vector<8x2560xf32> to vector<8x20x128xf32>
    %transpose3A = tpu.transpose %reshape3A, [1, 0, 2] : vector<8x20x128xf32> -> vector<20x8x128xf32>
    %swap3A = arith.constant 0 : index
    %swap3A_6 = arith.constant 0 : index
    %swap3A_7 = arith.constant 0 : index
    %swap3A_8 = vector.load %arg3[%swap3A, %swap3A_6, %swap3A_7] : memref<20x8x128xf32, #tpu.memory_space<vmem>>, vector<20x8x128xf32>
    tpu.vector_store %arg3[%swap3A, %swap3A_6, %swap3A_7], %transpose3A {strides = array<i32>} : memref<20x8x128xf32, #tpu.memory_space<vmem>>, vector<20x8x128xf32>,
    return
  }
  func.func @transform_0(%arg0: i32) -> (i32, i32) {
    %c0_i32 = arith.constant 0 : i32
    %c0_i32_0 = arith.constant 0 : i32
    %c0_i32_1 = arith.constant 0 : i32
    return %c0_i32, %c0_i32_0 : i32, i32
  }
  func.func @transform_1(%arg0: i32) -> (i32, i32) {
    %c0_i32 = arith.constant 0 : i32
    %c0_i32_0 = arith.constant 0 : i32
    return %c0_i32, %arg0 : i32, i32
  }
  func.func @transform_2(%arg0: i32) -> (i32, i32, i32) {
    %c0_i32 = arith.constant 0 : i32
    %c0_i32_0 = arith.constant 0 : i32
    %c0_i32_1 = arith.constant 0 : i32
    return %arg0, %c0_i32, %c0_i32_0 : i32, i32, i32
  }
}

module attributes {stable_mosaic.version = 14 : i64} {
  func.func @_final_body(%arg0: i32, %arg1: memref<3200x128xf32, #tpu.memory_space<vmem>>, %arg2: memref<6x3200xf32, #tpu.memory_space<vmem>>, %arg3: memref<2x8x3200xf32, #tpu.memory_space<vmem>>, %arg4: memref<128x128xf32, #tpu.memory_space<vmem>>, %arg5: memref<1x128xf32, #tpu.memory_space<vmem>>, %arg6: memref<6x128xf32, #tpu.memory_space<vmem>>, %arg7: memref<1024x128xf32, #tpu.memory_space<vmem>>, %arg8: memref<3200x128xf32, #tpu.memory_space<vmem>>) attributes {dimension_semantics = [#tpu.dimension_semantics<arbitrary>], iteration_bounds = array<i64: 50>, scalar_prefetch = 0 : i64, scratch_operands = 0 : i64, tpu.core_type = #tpu.core_type<tc>, window_params = [{transform_indices = @transform_0, window_bounds = array<i64: 3200, 128>}, {transform_indices = @transform_1, window_bounds = array<i64: 6, 3200>}, {transform_indices = @transform_2, window_bounds = array<i64: 2, 8, 3200>}, {pipeline_mode = #tpu.pipeline_mode<synchronous>, transform_indices = @transform_3, window_bounds = array<i64: 128, 128>}, {pipeline_mode = #tpu.pipeline_mode<synchronous>, transform_indices = @transform_4, window_bounds = array<i64: 1, 128>}, {pipeline_mode = #tpu.pipeline_mode<synchronous>, transform_indices = @transform_5, window_bounds = array<i64: 6, 128>}, {pipeline_mode = #tpu.pipeline_mode<synchronous>, transform_indices = @transform_6, window_bounds = array<i64: 1024, 128>}, {transform_indices = @transform_7, window_bounds = array<i64: 3200, 128>}]} {
    %get3A = arith.constant 0 : index
    %get3A_0 = arith.constant 0 : index
    %get3A_1 = vector.load %arg1[%get3A, %get3A_0] : memref<3200x128xf32, #tpu.memory_space<vmem>>, vector<3200x128xf32>
    %get3A_2 = arith.constant 0 : index
    %get3A_3 = arith.constant 0 : index
    %get3A_4 = vector.load %arg4[%get3A_2, %get3A_3] : memref<128x128xf32, #tpu.memory_space<vmem>>, vector<128x128xf32>
    %dot_general3A = arith.constant dense<0.000000e+00> : vector<3200x128xf32>
    %dot_general3A_5 = tpu.matmul %get3A_1, %get3A_4, %dot_general3A {dimension_numbers = #tpu.dot_dimension_numbers<[1], [0], [0], [1], [0, 0, 1, 1], [], []>, transpose_lhs_hint = false} : vector<3200x128xf32>, vector<128x128xf32>, vector<3200x128xf32> -> vector<3200x128xf32>
    %get3A_6 = arith.constant 0 : index
    %get3A_7 = arith.constant 0 : index
    %get3A_8 = vector.load %arg5[%get3A_6, %get3A_7] : memref<1x128xf32, #tpu.memory_space<vmem>>, vector<1x128xf32>
    %add3A = vector.broadcast %get3A_8 : vector<1x128xf32> to vector<3200x128xf32>
    %add3A_9 = arith.addf %dot_general3A_5, %add3A : vector<3200x128xf32>
    %logistic3A = arith.negf %add3A_9 : vector<3200x128xf32>
    %logistic3A_10 = math.exp %logistic3A : vector<3200x128xf32>
    %logistic3A_11 = arith.constant 1.000000e+00 : f32
    %logistic3A_12 = vector.broadcast %logistic3A_11 : f32 to vector<3200x128xf32>
    %logistic3A_13 = arith.addf %logistic3A_12, %logistic3A_10 : vector<3200x128xf32>
    %logistic3A_14 = arith.divf %logistic3A_12, %logistic3A_13 : vector<3200x128xf32>
    %mul3A = arith.mulf %add3A_9, %logistic3A_14 : vector<3200x128xf32>
    %get3A_15 = arith.constant 0 : index
    %get3A_16 = arith.constant 0 : index
    %get3A_17 = vector.load %arg2[%get3A_15, %get3A_16] : memref<6x3200xf32, #tpu.memory_space<vmem>>, vector<6x3200xf32>
    %transpose3A = tpu.transpose %get3A_17, [1, 0] : vector<6x3200xf32> -> vector<3200x6xf32>
    %get3A_18 = arith.constant 0 : index
    %get3A_19 = arith.constant 0 : index
    %get3A_20 = vector.load %arg6[%get3A_18, %get3A_19] : memref<6x128xf32, #tpu.memory_space<vmem>>, vector<6x128xf32>
    %dot_general3A_21 = arith.constant dense<0.000000e+00> : vector<3200x128xf32>
    %dot_general3A_22 = tpu.matmul %transpose3A, %get3A_20, %dot_general3A_21 {dimension_numbers = #tpu.dot_dimension_numbers<[1], [0], [0], [1], [0, 0, 1, 1], [], []>, transpose_lhs_hint = false} : vector<3200x6xf32>, vector<6x128xf32>, vector<3200x128xf32> -> vector<3200x128xf32>
    %mul3A_23 = arith.mulf %mul3A, %dot_general3A_22 : vector<3200x128xf32>
    %get3A_24 = arith.constant 0 : index
    %get3A_25 = arith.constant 0 : index
    %get3A_26 = arith.constant 0 : index
    %get3A_27 = vector.load %arg3[%get3A_24, %get3A_25, %get3A_26] : memref<2x8x3200xf32, #tpu.memory_space<vmem>>, vector<1x8x3200xf32>
    %get3A_28 = vector.shape_cast %get3A_27 : vector<1x8x3200xf32> to vector<8x3200xf32>
    %get3A_29 = arith.constant 1 : index
    %get3A_30 = arith.constant 0 : index
    %get3A_31 = arith.constant 0 : index
    %get3A_32 = vector.load %arg3[%get3A_29, %get3A_30, %get3A_31] : memref<2x8x3200xf32, #tpu.memory_space<vmem>>, vector<1x8x3200xf32>
    %get3A_33 = vector.shape_cast %get3A_32 : vector<1x8x3200xf32> to vector<8x3200xf32>
    %add3A_34 = arith.addf %get3A_28, %get3A_33 : vector<8x3200xf32>
    %transpose3A_35 = tpu.transpose %add3A_34, [1, 0] : vector<8x3200xf32> -> vector<3200x8xf32>
    %slice3A = vector.extract_strided_slice %transpose3A_35 {offsets = [0, 0], sizes = [3200, 1], strides = [1, 1]} : vector<3200x8xf32> to vector<3200x1xf32>
    %mul3A_36 = vector.broadcast %slice3A : vector<3200x1xf32> to vector<3200x128xf32>
    %mul3A_37 = arith.mulf %mul3A_23, %mul3A_36 : vector<3200x128xf32>
    %slice3A_38 = vector.extract_strided_slice %transpose3A_35 {offsets = [0, 1], sizes = [3200, 1], strides = [1, 1]} : vector<3200x8xf32> to vector<3200x1xf32>
    %mul3A_39 = vector.broadcast %slice3A_38 : vector<3200x1xf32> to vector<3200x128xf32>
    %mul3A_40 = arith.mulf %mul3A_23, %mul3A_39 : vector<3200x128xf32>
    %slice3A_41 = vector.extract_strided_slice %transpose3A_35 {offsets = [0, 2], sizes = [3200, 1], strides = [1, 1]} : vector<3200x8xf32> to vector<3200x1xf32>
    %mul3A_42 = vector.broadcast %slice3A_41 : vector<3200x1xf32> to vector<3200x128xf32>
    %mul3A_43 = arith.mulf %mul3A_23, %mul3A_42 : vector<3200x128xf32>
    %slice3A_44 = vector.extract_strided_slice %transpose3A_35 {offsets = [0, 3], sizes = [3200, 1], strides = [1, 1]} : vector<3200x8xf32> to vector<3200x1xf32>
    %mul3A_45 = vector.broadcast %slice3A_44 : vector<3200x1xf32> to vector<3200x128xf32>
    %mul3A_46 = arith.mulf %mul3A_23, %mul3A_45 : vector<3200x128xf32>
    %slice3A_47 = vector.extract_strided_slice %transpose3A_35 {offsets = [0, 4], sizes = [3200, 1], strides = [1, 1]} : vector<3200x8xf32> to vector<3200x1xf32>
    %mul3A_48 = vector.broadcast %slice3A_47 : vector<3200x1xf32> to vector<3200x128xf32>
    %mul3A_49 = arith.mulf %mul3A_23, %mul3A_48 : vector<3200x128xf32>
    %slice3A_50 = vector.extract_strided_slice %transpose3A_35 {offsets = [0, 5], sizes = [3200, 1], strides = [1, 1]} : vector<3200x8xf32> to vector<3200x1xf32>
    %mul3A_51 = vector.broadcast %slice3A_50 : vector<3200x1xf32> to vector<3200x128xf32>
    %mul3A_52 = arith.mulf %mul3A_23, %mul3A_51 : vector<3200x128xf32>
    %slice3A_53 = vector.extract_strided_slice %transpose3A_35 {offsets = [0, 6], sizes = [3200, 1], strides = [1, 1]} : vector<3200x8xf32> to vector<3200x1xf32>
    %mul3A_54 = vector.broadcast %slice3A_53 : vector<3200x1xf32> to vector<3200x128xf32>
    %mul3A_55 = arith.mulf %mul3A_23, %mul3A_54 : vector<3200x128xf32>
    %slice3A_56 = vector.extract_strided_slice %transpose3A_35 {offsets = [0, 7], sizes = [3200, 1], strides = [1, 1]} : vector<3200x8xf32> to vector<3200x1xf32>
    %mul3A_57 = vector.broadcast %slice3A_56 : vector<3200x1xf32> to vector<3200x128xf32>
    %mul3A_58 = arith.mulf %mul3A_23, %mul3A_57 : vector<3200x128xf32>
    %concatenate3A = tpu.concatenate %mul3A_37, %mul3A_40, %mul3A_43, %mul3A_46, %mul3A_49, %mul3A_52, %mul3A_55, %mul3A_58 in 1 : vector<3200x128xf32>, vector<3200x128xf32>, vector<3200x128xf32>, vector<3200x128xf32>, vector<3200x128xf32>, vector<3200x128xf32>, vector<3200x128xf32>, vector<3200x128xf32> -> vector<3200x1024xf32>
    %get3A_59 = arith.constant 0 : index
    %get3A_60 = arith.constant 0 : index
    %get3A_61 = vector.load %arg7[%get3A_59, %get3A_60] : memref<1024x128xf32, #tpu.memory_space<vmem>>, vector<1024x128xf32>
    %dot_general3A_62 = arith.constant dense<0.000000e+00> : vector<3200x128xf32>
    %dot_general3A_63 = tpu.matmul %concatenate3A, %get3A_61, %dot_general3A_62 {dimension_numbers = #tpu.dot_dimension_numbers<[1], [0], [0], [1], [0, 0, 1, 1], [], []>, transpose_lhs_hint = false} : vector<3200x1024xf32>, vector<1024x128xf32>, vector<3200x128xf32> -> vector<3200x128xf32>
    %swap3A = arith.constant 0 : index
    %swap3A_64 = arith.constant 0 : index
    %swap3A_65 = vector.load %arg8[%swap3A, %swap3A_64] : memref<3200x128xf32, #tpu.memory_space<vmem>>, vector<3200x128xf32>
    tpu.vector_store %arg8[%swap3A, %swap3A_64], %dot_general3A_63 {strides = array<i32>} : memref<3200x128xf32, #tpu.memory_space<vmem>>, vector<3200x128xf32>,
    return
  }
  func.func @transform_0(%arg0: i32) -> (i32, i32) {
    %c0_i32 = arith.constant 0 : i32
    %c0_i32_0 = arith.constant 0 : i32
    return %arg0, %c0_i32 : i32, i32
  }
  func.func @transform_1(%arg0: i32) -> (i32, i32) {
    %c0_i32 = arith.constant 0 : i32
    %c0_i32_0 = arith.constant 0 : i32
    return %c0_i32, %arg0 : i32, i32
  }
  func.func @transform_2(%arg0: i32) -> (i32, i32, i32) {
    %c0_i32 = arith.constant 0 : i32
    %c0_i32_0 = arith.constant 0 : i32
    %c0_i32_1 = arith.constant 0 : i32
    return %c0_i32, %c0_i32_0, %arg0 : i32, i32, i32
  }
  func.func @transform_3(%arg0: i32) -> (i32, i32) {
    %c0_i32 = arith.constant 0 : i32
    %c0_i32_0 = arith.constant 0 : i32
    %c0_i32_1 = arith.constant 0 : i32
    return %c0_i32, %c0_i32_0 : i32, i32
  }
  func.func @transform_4(%arg0: i32) -> (i32, i32) {
    %c0_i32 = arith.constant 0 : i32
    %c0_i32_0 = arith.constant 0 : i32
    %c0_i32_1 = arith.constant 0 : i32
    return %c0_i32, %c0_i32_0 : i32, i32
  }
  func.func @transform_5(%arg0: i32) -> (i32, i32) {
    %c0_i32 = arith.constant 0 : i32
    %c0_i32_0 = arith.constant 0 : i32
    %c0_i32_1 = arith.constant 0 : i32
    return %c0_i32, %c0_i32_0 : i32, i32
  }
  func.func @transform_6(%arg0: i32) -> (i32, i32) {
    %c0_i32 = arith.constant 0 : i32
    %c0_i32_0 = arith.constant 0 : i32
    %c0_i32_1 = arith.constant 0 : i32
    return %c0_i32, %c0_i32_0 : i32, i32
  }
  func.func @transform_7(%arg0: i32) -> (i32, i32) {
    %c0_i32 = arith.constant 0 : i32
    %c0_i32_0 = arith.constant 0 : i32
    return %arg0, %c0_i32 : i32, i32
  }
}

</mosaic_0001>

<sc_bundles>
// kernel: kernel.5.cloned.1.call-start
scs
__scs_entry_jumppad:
0x0: {  	(pc) =	sbr.rel $0x88, $3  }
0x1: {  	(tag) =	ssettag $0x0;
	lr =	simm.s32 $0x1  }
0x2: {  	[smem:$0x3F98] =	sst lr;
	_ =	strace $0xD0000000  }
0x3: {  	_ = 	snop  }
0x4: {  	_ = 	snop  }
0x5: {  	_ = 	snop  }
0x6: {  	_ = 	snop  }
0x7: {  	_ = 	snop  }
__scs_overlays_trampoline_lowered:
0x8: {  	[smem:$0x3FA7] =	sst s0  }
0x9: {  	[smem:$0x3FA8] =	sst s1  }
0xa: {  	[smem:$0x3FA9] =	sst s2  }
0xb: {  	[smem:$0x3FAA] =	sst s3  }
0xc: {  	[smem:$0x3FAB] =	sst s4  }
0xd: {  	[smem:$0x3FAC] =	sst s5  }
0xe: {  	[smem:$0x3FAD] =	sst s6  }
0xf: {  	[smem:$0x3FAE] =	sst s7  }
0x10: {  	[smem:$0x3FAF] =	sst s8  }
0x11: {  	[smem:$0x3FB0] =	sst s9;
	s0 =	simm.s32 @!p0 $0x0  }
0x12: {  	s1 =	sld [smem:$0x3F96];
	s0 =	simm.s32 @p0 $0x1  }
0x13: {  	[smem:$0x3FB1] =	sst s0;
	s0 =	simm.s32 @!p1 $0x0  }
0x14: {  	s2 =	sld [smem:$0x3F95];
	s0 =	simm.s32 @p1 $0x1  }
0x15: {  	[smem:$0x3FB2] =	sst s0;
	s0 =	simm.s32 @!p2 $0x0  }
0x16: {  	s3 =	sld [smem:$0x3FDB];
	s0 =	simm.s32 @p2 $0x1  }
0x17: {  	s4 =	simm.s32 $0x1BF5;
	[smem:$0x3FB4] =	sst s0  }
0x18: {  	s0 =	sld [smem:$0x3F97];
	_ =	swait.ge [sflag:s4], $0x0  }
0x19: {  	s7 =	sld [smem:$0x3F98]  }
0x1a: {  	s8 =	sadd.s32 $0xFFFFE003, lr  }
0x1b: {  	s9 =	sadd.s32 $0xFFFFFEF7, lr;
	s5 =	simm.s32 $0xFFFFFFFF;
	p2 =	slt.u32 s8, $0xFFFFF086  }
0x1c: {  	p1 =	slt.u32 s9, $0xF7A;
	s5 =	simm.s32 @!p2 $0x0  }
0x1d: {  	s5 =	simm.s32 @p1 $0x1;
	p0 =	seq.s32 s7, s2  }
0x1e: {  	s7 =	smul.u32 @!p0 $0xF7A, s2;
	p2 =	seq.s32 @!p0 s5, $0x0  }
0x1f: {  	s9 =	smul.u32 $0xF7A, s1;
	s8 =	simm.s32 @!p0 $0x1BF5;
	p2 =	por !p2, p0  }
0x20: {  	[sflag:s8] =	ssyncset.s32 @!p0 $0xFFFFF086;
	s6 =	sadd.s32 @!p0 s3, s7;
	s7 =	simm.s32 @!p0 $0x108  }
0x21: {  	s3 =	sadd.s32 s3, s9;
	s6 =	sadd.s32 @!p0 $0x88, s6;
	s7 =	simm.s32 @p2 $0x1082  }
0x22: {  	[simem:s7], [sflag:s8] =	dma.local @!p0 [hbm:s6], $0xF7A  }
0x23: {  	s9 =	sor.u32 $0xD0000000, s2;
	s6 =	simm.s32 $0x108;
	_ =	swait.ge @!p0 [sflag:s8], $0x0  }
0x24: {  	s3 =	sadd.s32 $0x88, s3;
	s6 =	simm.s32 @!p1 $0x1082;
	[sflag:s4] =	ssyncset.s32 $0xFFFFF086  }
0x25: {  	[simem:s6], [sflag:s4] =	dma.local [hbm:s3], $0xF7A  }
0x26: {  	[smem:$0x3F98] =	sst s1;
	(tag) =	ssettag s2;
	_ =	strace s9  }
0x27: {  	s1 =	sld [smem:$0x3FA8]  }
0x28: {  	s2 =	sld [smem:$0x3FA9]  }
0x29: {  	s4 =	sld [smem:$0x3FAB]  }
0x2a: {  	p0 =	seq.s32 s5, $0x0;
	s5 =	sld [smem:$0x3FAC]  }
0x2b: {  	s6 =	sld [smem:$0x3FAD]  }
0x2c: {  	s7 =	sld [smem:$0x3FAE]  }
0x2d: {  	s3 =	simm.s32 $0x108;
	s8 =	sld [smem:$0x3FAF]  }
0x2e: {  	s3 =	simm.s32 @!p0 $0x1082;
	s9 =	sld [smem:$0x3FB0]  }
0x2f: {  	lr =	sadd.s32 s0, s3;
	s0 =	sld [smem:$0x3FA7]  }
0x30: {  	s3 =	sld [smem:$0x3FAA]  }
0x31: {  	[smem:$0x3FB3] =	sst s10  }
0x32: {  	s10 =	sld [smem:$0x3FB1];
	_ =	sdelay $0x3  }
0x33: {  	p0 =	seq.s32 s10, $0x1;
	s10 =	sld [smem:$0x3FB3];
	_ =	sdelay $0x3  }
0x34: {  	[smem:$0x3FB3] =	sst s10  }
0x35: {  	s10 =	sld [smem:$0x3FB2];
	_ =	sdelay $0x3  }
0x36: {  	p1 =	seq.s32 s10, $0x1;
	s10 =	sld [smem:$0x3FB3];
	_ =	sdelay $0x3  }
0x37: {  	[smem:$0x3FB3] =	sst s10  }
0x38: {  	s10 =	sld [smem:$0x3FB4]  }
0x39: {  	_ = 	snop;
	(pc) =	sbr.ind lr, $3  }
0x3a: {  	_ = 	snop  }
0x3b: {  	_ = 	snop  }
0x3c: {  	p2 =	seq.s32 s10, $0x1;
	s10 =	sld [smem:$0x3FB3]  }
0x3d: {  	_ =	shalt  }
0x3e: {  	_ =	shalt  }
0x3f: {  	_ =	shalt  }
0x40: {  	_ =	shalt  }
0x41: {  	_ =	shalt  }
0x42: {  	_ =	shalt  }
0x43: {  	_ =	shalt  }
0x44: {  	_ =	shalt  }
0x45: {  	_ =	shalt  }
0x46: {  	_ =	shalt  }
0x47: {  	_ =	shalt  }
0x48: {  	_ =	shalt  }
0x49: {  	_ =	shalt  }
0x4a: {  	_ =	shalt  }
0x4b: {  	_ =	shalt  }
0x4c: {  	_ =	shalt  }
0x4d: {  	_ =	shalt  }
0x4e: {  	_ =	shalt  }
0x4f: {  	_ =	shalt  }
0x50: {  	_ =	shalt  }
0x51: {  	_ =	shalt  }
0x52: {  	_ =	shalt  }
0x53: {  	_ =	shalt  }
0x54: {  	_ =	shalt  }
0x55: {  	_ =	shalt  }
0x56: {  	_ =	shalt  }
0x57: {  	_ =	shalt  }
0x58: {  	_ =	shalt  }
0x59: {  	_ =	shalt  }
0x5a: {  	_ =	shalt  }
0x5b: {  	_ =	shalt  }
0x5c: {  	_ =	shalt  }
0x5d: {  	_ =	shalt  }
0x5e: {  	_ =	shalt  }
0x5f: {  	_ =	shalt  }
0x60: {  	_ =	shalt  }
0x61: {  	_ =	shalt  }
0x62: {  	_ =	shalt  }
0x63: {  	_ =	shalt  }
0x64: {  	_ =	shalt  }
0x65: {  	_ =	shalt  }
0x66: {  	_ =	shalt  }
0x67: {  	_ =	shalt  }
0x68: {  	_ =	shalt  }
0x69: {  	_ =	shalt  }
0x6a: {  	_ =	shalt  }
0x6b: {  	_ =	shalt  }
0x6c: {  	_ =	shalt  }
0x6d: {  	_ =	shalt  }
0x6e: {  	_ =	shalt  }
0x6f: {  	_ =	shalt  }
0x70: {  	_ =	shalt  }
0x71: {  	_ =	shalt  }
0x72: {  	_ =	shalt  }
0x73: {  	_ =	shalt  }
0x74: {  	_ =	shalt  }
0x75: {  	_ =	shalt  }
0x76: {  	_ =	shalt  }
0x77: {  	_ =	shalt  }
0x78: {  	_ =	shalt  }
0x79: {  	_ =	shalt  }
0x7a: {  	_ =	shalt  }
0x7b: {  	_ =	shalt  }
0x7c: {  	_ =	shalt  }
0x7d: {  	_ =	shalt  }
0x7e: {  	_ =	shalt  }
0x7f: {  	_ =	shalt  }
0x80: {  	_ =	shalt  }
0x81: {  	_ =	shalt  }
0x82: {  	_ =	shalt  }
0x83: {  	_ =	shalt  }
0x84: {  	_ =	shalt  }
0x85: {  	_ =	shalt  }
0x86: {  	_ =	shalt  }
0x87: {  	_ =	shalt  }
.Lfunc_end0:
.L_simem_size_0:
called_computation_lowered:
.L_overlay_start_0:
0x88: {  	s2 =	sld [smem:$0x3FD9]  }
0x89: {  	s3 =	sld [smem:$0x3FFE];
	_ =	sdelay $0x1  }
0x8a: {  	s1 =	srdreg.scid  }
0x8b: {  	s0 =	sand.u32 $0x1, s1  }
0x8c: {  	s17 =	sshll.u32 s0, $0xA;
	s2 =	sadd.s32 s3, s2  }
0x8d: {  	s2 =	sadd.s32 s2, s17  }
0x8e: {  	[smem:$0x3FBF] =	sst s2  }
0x8f: {  	_ = 	snop  }
0x90: {  	s2 =	sld [smem:$0x3FD0];
	(tm) =	ssettm $0x1  }
0x91: {  	s18 =	sld [smem:$0x3FFB];
	_ =	sdelay $0x3  }
0x92: {  	_ =	strace s18  }
0x93: {  	s3 =	sld [smem:$0x3FFC];
	_ =	sdelay $0x3  }
0x94: {  	_ =	strace s3  }
0x95: {  	s3 =	sld [smem:$0x3FFD];
	_ =	sdelay $0x3  }
0x96: {  	_ =	strace s3  }
0x97: {  	_ =	strace $0x8FFFFFFF  }
0x98: {  	s19 =	sld [smem:$0x3FDB];
	_ =	sdelay $0x1  }
0x99: {  	s4 =	simm.s32 $_scs_section_size  }
0x9a: {  	s5 =	simm.s32 $_size__tile_overlayer_lowered;
	s6 =	simm.s32 $_tile_overlayer_lowered  }
0x9b: {  	s22 =	simm.s32 $0x1BFF;
	s21 =	sshll.u32 s6, $0x1;
	s3 =	sadd.s32 s4, s19  }
0x9c: {  	s7 =	simm.s32 $0x0;
	s20 =	sshll.u32 s5, $0x1;
	s5 =	sadd.s32 s21, s3  }
0x9d: {  	[timem:s7], [sflag:s22] =	dma.local [hbm:s5], s20  }
0x9e: {  	_ =	swait.ge [sflag:s22], s20  }
0x9f: {  	s4 =	ssub.s32 $0x0, s20;
	[sflag:s22] =	ssyncset.done $0x0  }
0xa0: {  	[sflag:s22] =	ssyncadd.s32 s4;
	_ =	sdelay $0x1  }
0xa1: {  	s23 =	simm.s32 $0x1B8B  }
0xa2: {  	_ =	swait.ge [sflag:s23], $0x1  }
0xa3: {  	[sflag:s23] =	ssyncset.done $0x0  }
0xa4: {  	s25 =	simm.s32 $0x1B8E;
	s24 =	sld [smem:$0x3FFE];
	[sflag:s23] =	ssyncadd.s32 $0xFFFFFFFF  }
0xa5: {  	s26 =	simm.s32 $execute0_lowered;
	[smem:$0x3FD2] =	sst s25  }
0xa6: {  	s5 =	sshll.u32 s26, $0x1;
	_ =	strace $0x80000046;
	[dreg:$0x1] =	wrdreg $0xFFFFFFFF  }
0xa7: {  	s28 =	simm.s32 $_size_execute0_lowered;
	s3 =	sadd.s32 s3, s5;
	[dreg:$0x0] =	wrdreg $0x0  }
0xa8: {  	s5 =	sshll.u32 s28, $0x1;
	[dreg:$0x2] =	wrdreg s3  }
0xa9: {  	[dreg:$0x3] =	wrdreg s5  }
0xaa: {  	[dreg:$0x4] =	wrdreg $0xC0  }
0xab: {  	_ =	task [dreg:s7], $0x5FFFF  }
0xac: {  	[dreg:$0x1] =	wrdreg $0xFFFFFFFF  }
0xad: {  	[dreg:$0x0] =	wrdreg $0x60  }
0xae: {  	[dreg:$0x2] =	wrdreg s24  }
0xaf: {  	[dreg:$0x3] =	wrdreg s2  }
0xb0: {  	[dreg:$0x4] =	wrdreg $0x0  }
0xb1: {  	[dreg:$0x5] =	wrdreg $0x27100  }
0xb2: {  	[dreg:$0x6] =	wrdreg $0x4E200  }
0xb3: {  	[dreg:$0x7] =	wrdreg $0x75300  }
0xb4: {  	[dreg:$0x8] =	wrdreg $0x9C400  }
0xb5: {  	[dreg:$0x9] =	wrdreg $0xC3500  }
0xb6: {  	[dreg:$0xa] =	wrdreg $0xEA600  }
0xb7: {  	[dreg:$0xb] =	wrdreg $0x111700  }
0xb8: {  	[dreg:$0xc] =	wrdreg $0x9  }
0xb9: {  	_ =	task.clear_ibuf [dreg:s7], $0xDFFFF;
	_ =	strace $0x90000046  }
0xba: {  	s29 =	simm.s32 $0x9;
	_ =	strace $0x80000048  }
0xbb: {  	_ =	swait.ge [sflag:s29], $0x1  }
0xbc: {  	[sflag:s29] =	ssyncadd.s32 $0xFFFFFFFF  }
0xbd: {  	_ =	strace $0x90000048  }
0xbe: {  	_ =	sfence  }
0xbf: {  	s30 =	sld [smem:$0x0];
	_ =	sdelay $0x2  }
0xc0: {  	s31 =	sshll.u32 s1, $0xD;
	s1 =	sshrl.u32 s1, $0x2  }
0xc1: {  	s3 =	sand.u32 $0x4000, s31;
	s1 =	sadd.s32 s1, s30  }
0xc2: {  	s0 =	sor.u32 s3, s0;
	s1 =	sshll.u32 s1, $0x11  }
0xc3: {  	s0 =	sor.u32 s1, s0  }
0xc4: {  	s0 =	sadd.s32 $0x8F2B, s0  }
0xc5: {  	[sflag:s0] =	ssyncadd.remote.s32 $0x1  }
0xc6: {  	_ =	sfence.sel $0xFFFF  }
0xc7: {  	[dreg:$0x0] =	wrdreg $0xFFFFFFFF;
	(pc) =	sbr.abs _section_cstart, $3  }
0xc8: {  	[dreg:$0x1] =	wrdreg $0xFFFFFFFF  }
0xc9: {  	_ =	task.clear_ibuf [dreg:s7], $0x2FFFF;
	_ =	strace $0x9FFFFFFF  }
0xca: {  	(tm) =	ssettm $0x7FFFFFFF  }
0xcb: {  	_ =	shalt  }
tec
execute0_lowered:
.L_overlay_start_1:
0x0: {  	(tag) =	ssettag $0x1  }
0x1: {  	s5 =	rddreg [dreg:$0x0]  }
0x2: {  	s6 =	rddreg [dreg:$0x1]  }
0x3: {  	s0 =	rddreg [dreg:$0x2]  }
0x4: {  	s1 =	rddreg [dreg:$0x3]  }
0x5: {  	s2 =	rddreg [dreg:$0x4]  }
0x6: {  	s3 =	rddreg [dreg:$0x5]  }
0x7: {  	s4 =	rddreg [dreg:$0x6]  }
0x8: {  	s7 =	rddreg [dreg:$0x7]  }
0x9: {  	s8 =	rddreg [dreg:$0x8];
	s20 =	stileid.u32  }
0xa: {  	s10 =	srdreg.scid;
	s12 =	smul.u32 $0x2710, s20  }
0xb: {  	s9 =	rddreg [dreg:$0x9];
	s17 =	smul.u32 $0xFFFFD800, s20  }
0xc: {  	s14 =	simm.s32 $0x0;
	s10 =	sand.u32 $0x1, s10;
	s21 =	smul.u32 $0x14000, s20  }
0xd: {  	[smem:$0x7FF] =	sst s14;
	s13 =	smul.u32 $0x138800, s10  }
0xe: {  	s11 =	sshll.u32 s10, $0x4;
	_ =	strace $0x80000047;
	s19 =	smul.u32 $0xFFFD8000, s10  }
0xf: {  	s31 =	ssub.s32 $0x2, s10;
	s10 =	smul.u32 $0x140000, s10;
	s11 =	sor.u32 s20, s11  }
0x10: {  	s15 =	sshrl.u32 s12, $0x3;
	s18 =	sshrl.u32 s31, $0x1;
	s23 =	sadd.s32 s12, s1  }
0x11: {  	s24 =	sadd.s32 s12, s2;
	s25 =	sadd.s32 s12, s3;
	[dreg:$0xf] =	wrdreg s23  }
0x12: {  	s28 =	sadd.s32 s12, s4;
	s11 =	smul.u32 $0x2800, s11;
	[dreg:$0x10] =	wrdreg s24  }
0x13: {  	s13 =	sadd.s32 s12, s13;
	s15 =	sadd.s32 s15, s5;
	[dreg:$0x11] =	wrdreg s25  }
0x14: {  	s17 =	sadd.s32 s19, s17;
	s10 =	sadd.s32 s21, s10;
	[dreg:$0x12] =	wrdreg s28  }
0x15: {  	s13 =	sshrl.u32 s13, $0x3;
	s22 =	sadd.s32 $0xB800, s15;
	s17 =	sadd.s32 $0x4E200, s17  }
0x16: {  	s10 =	sor.u32 $0x1000, s10;
	s19 =	sadd.s32 $0x28CC0, s15;
	s21 =	sadd.s32 $0x2DAE0, s15  }
0x17: {  	s30 =	sshrl.u32 s11, $0x3;
	s16 =	ssub.s32 $0x4E200, s11;
	[dreg:$0xe] =	wrdreg s22  }
0x18: {  	s26 =	sshrl.u32 s17, $0x9;
	s10 =	sshrl.u32 s10, $0x3;
	[dreg:$0x1d] =	wrdreg s19  }
0x19: {  	s11 =	sadd.s32 s6, s11;
	s17 =	sadd.s32 $0x1F080, s15;
	[dreg:$0x1e] =	wrdreg s21  }
0x1a: {  	s14 =	sadd.s32 s30, s5;
	s5 =	sadd.s32 s13, s5;
	[dreg:$0x13] =	wrdreg s11  }
0x1b: {  	s13 =	ssub.s32 s31, s18;
	s18 =	sadd.s32 s12, s0;
	[dreg:$0x1b] =	wrdreg s17  }
0x1c: {  	s6 =	sadd.s32 s10, s6;
	[dreg:$0xd] =	wrdreg s18  }
0x1d: {  	s30 =	sadd.s32 s12, s7;
	[dreg:$0x14] =	wrdreg s6  }
0x1e: {  	s31 =	sadd.s32 s12, s8;
	[dreg:$0x15] =	wrdreg s30  }
0x1f: {  	s10 =	sadd.s32 s12, s9;
	[dreg:$0x16] =	wrdreg s31  }
0x20: {  	s11 =	sadd.s32 $0x10620, s15;
	[dreg:$0x17] =	wrdreg s10  }
0x21: {  	s16 =	sshrl.u32 s16, $0x9;
	s12 =	sadd.s32 $0x15440, s15;
	[dreg:$0x18] =	wrdreg s11  }
0x22: {  	s16 =	smin.u32 s16, $0x14;
	[dreg:$0x19] =	wrdreg s12  }
0x23: {  	s18 =	sadd.s32 $0x23EA0, s15;
	[dreg:$0xb] =	wrdreg s16  }
0x24: {  	s22 =	sadd.s32 $0x1800, s14;
	[dreg:$0x1c] =	wrdreg s18  }
0x25: {  	s23 =	sadd.s32 $0x32A00, s5;
	[dreg:$0x1f] =	wrdreg s22  }
0x26: {  	s24 =	sadd.s32 $0x37820, s5;
	[smem:$0x7F5] =	sst s23  }
0x27: {  	s25 =	sadd.s32 $0x3C640, s5;
	[smem:$0x7F6] =	sst s24  }
0x28: {  	s28 =	sadd.s32 $0x46280, s5;
	[smem:$0x7F7] =	sst s25  }
0x29: {  	s30 =	sadd.s32 $0x4FEC0, s5;
	[smem:$0x7F9] =	sst s28  }
0x2a: {  	s19 =	simm.s32 $0x3;
	s31 =	smax.u32 s13, $0x1;
	[smem:$0x7FB] =	sst s30  }
0x2b: {  	s16 =	smin.u32 s26, $0x14;
	s26 =	sadd.s32 $0x41460, s5;
	[smem:$0x7FD] =	sst s31  }
0x2c: {  	s21 =	simm.s32 $0x1;
	s29 =	sshll.u32 s16, $0xC;
	[smem:$0x7F8] =	sst s26  }
0x2d: {  	s18 =	simm.s32 $0x2;
	s16 =	sadd.s32 $0x1A260, s15;
	[dreg:$0xc] =	wrdreg s29  }
0x2e: {  	s22 =	simm.s32 $0x0;
	[dreg:$0x1a] =	wrdreg s16;
	s29 =	sadd.s32 $0x4B0A0, s5  }
0x2f: {  	s15 =	sshll.u32 s20, $0x6;
	s5 =	sadd.s32 $0x54CE0, s5;
	[smem:$0x7FA] =	sst s29  }
0x30: {  	s20 =	simm.s32 $0x80;
	s17 =	sor.u32 $0x1C01, s15;
	[smem:$0x7FC] =	sst s5  }
.LBB2_1:
0x31: {  	s5 =	rddreg [dreg:$0xd]  }
0x32: {  	s23 =	rddreg [dreg:$0xe];
	s31 =	sshrl.u32 s5, $0x3  }
0x33: {  	[spmem:s31], [sflag:s17] =	dma.local [hbm:s23], $0x4E2  }
0x34: {  	s5 =	rddreg [dreg:$0xf]  }
0x35: {  	s24 =	rddreg [dreg:$0x18];
	s30 =	sshrl.u32 s5, $0x3  }
0x36: {  	[spmem:s30], [sflag:s17] =	dma.local [hbm:s24], $0x4E2  }
0x37: {  	s5 =	rddreg [dreg:$0x10]  }
0x38: {  	s25 =	rddreg [dreg:$0x19];
	s29 =	sshrl.u32 s5, $0x3  }
0x39: {  	[spmem:s29], [sflag:s17] =	dma.local [hbm:s25], $0x4E2  }
0x3a: {  	s5 =	rddreg [dreg:$0x11]  }
0x3b: {  	s26 =	rddreg [dreg:$0x1a];
	s28 =	sshrl.u32 s5, $0x3  }
0x3c: {  	[spmem:s28], [sflag:s17] =	dma.local [hbm:s26], $0x4E2  }
0x3d: {  	s5 =	rddreg [dreg:$0x12]  }
0x3e: {  	s6 =	rddreg [dreg:$0x1b];
	s26 =	sshrl.u32 s5, $0x3  }
0x3f: {  	[spmem:s26], [sflag:s17] =	dma.local [hbm:s6], $0x4E2  }
0x40: {  	s5 =	rddreg [dreg:$0x15]  }
0x41: {  	s10 =	rddreg [dreg:$0x1c];
	s25 =	sshrl.u32 s5, $0x3  }
0x42: {  	[spmem:s25], [sflag:s17] =	dma.local [hbm:s10], $0x4E2  }
0x43: {  	s5 =	rddreg [dreg:$0x16]  }
0x44: {  	s11 =	rddreg [dreg:$0x1d];
	s24 =	sshrl.u32 s5, $0x3  }
0x45: {  	[spmem:s24], [sflag:s17] =	dma.local [hbm:s11], $0x4E2  }
0x46: {  	s5 =	rddreg [dreg:$0x17]  }
0x47: {  	s12 =	rddreg [dreg:$0x1e];
	s23 =	sshrl.u32 s5, $0x3  }
0x48: {  	[spmem:s23], [sflag:s17] =	dma.local [hbm:s12], $0x4E2  }
0x49: {  	_ =	swait.ge [sflag:s21], $0x4E2  }
0x4a: {  	[sflag:s21] =	ssyncset.done $0x0  }
0x4b: {  	[sflag:s21] =	ssyncadd.s32 $0xFFFFFB1E  }
0x4c: {  	_ =	swait.ge [sflag:s21], $0x4E2  }
0x4d: {  	[sflag:s21] =	ssyncset.done $0x0  }
0x4e: {  	[sflag:s21] =	ssyncadd.s32 $0xFFFFFB1E  }
0x4f: {  	_ =	swait.ge [sflag:s21], $0x4E2  }
0x50: {  	[sflag:s21] =	ssyncset.done $0x0  }
0x51: {  	[sflag:s21] =	ssyncadd.s32 $0xFFFFFB1E  }
0x52: {  	_ =	swait.ge [sflag:s21], $0x4E2  }
0x53: {  	[sflag:s21] =	ssyncset.done $0x0  }
0x54: {  	[sflag:s21] =	ssyncadd.s32 $0xFFFFFB1E  }
0x55: {  	_ =	swait.ge [sflag:s21], $0x4E2  }
0x56: {  	[sflag:s21] =	ssyncset.done $0x0  }
0x57: {  	[sflag:s21] =	ssyncadd.s32 $0xFFFFFB1E  }
0x58: {  	_ =	swait.ge [sflag:s21], $0x4E2  }
0x59: {  	[sflag:s21] =	ssyncset.done $0x0  }
0x5a: {  	[sflag:s21] =	ssyncadd.s32 $0xFFFFFB1E  }
0x5b: {  	_ =	swait.ge [sflag:s21], $0x4E2  }
0x5c: {  	[sflag:s21] =	ssyncset.done $0x0  }
0x5d: {  	[sflag:s21] =	ssyncadd.s32 $0xFFFFFB1E  }
0x5e: {  	_ =	swait.ge [sflag:s21], $0x4E2  }
0x5f: {  	[sflag:s21] =	ssyncset.done $0x0  }
0x60: {  	[sflag:s21] =	ssyncadd.s32 $0xFFFFFB1E  }
0x61: {  	s13 =	simm.s32 $0x0;
	[bflag:$0x0] =	sbarrier.arrive $0xFFFF  }
0x62: {  	s16 =	simm.s32 $0x16080;
	s10 =	simm.s32 $0x13880;
	s6 =	rddreg [dreg:$0x1f]  }
0x63: {  	[tilespmem:s10], [sflag:$0x3] =	stream.linear.gather [hbm4b:s6+s13], $0x2800, $0x38;
	[tilespmem:$0x18080] =	vst v63  }
0x64: {  	s11 =	simm.s32 $0x0;
	s5 =	simm.s32 $0x13A00;
	_ =	swait.ge [sflag:s19], $0x2800  }
0x65: {  	s6 =	simm.s32 $0x4000;
	[sflag:s19] =	ssyncset.done $0x0;
	s14 =	rddreg [dreg:$0x13]  }
0x66: {  	s10 =	simm.s32 $0x1;
	s12 =	rddreg [dreg:$0x14];
	[sflag:s19] =	ssyncadd.s32 $0xFFFFD800  }
0x67: {  	[tilespmem:s16], [sflag:$0x2] =	stream.linear.gather [hbm4b:s14+s13], $0x1000, $0x38;
	[tilespmem:$0x18080] =	vst v63  }
.LBB2_2:
0x68: {  	_ =	swait.ge [sflag:s18], $0x1000  }
0x69: {  	s13 =	rddreg [dreg:$0xb]  }
0x6a: {  	p0 =	sge.u32 s10, s13  }
0x6b: {  	s13 =	sand.u32 @!p0 $0x4000, s6  }
0x6c: {  	[sflag:s18] =	ssyncset.done $0x0;
	s13 =	sshrl.u32 @!p0 s13, $0x2  }
0x6d: {  	[sflag:s18] =	ssyncadd.s32 $0xFFFFF000;
	s14 =	simm.s32 @!p0 $0x0;
	s13 =	sor.u32 @!p0 $0x16080, s13  }
0x6e: {  	[tilespmem:s13], [sflag:$0x2] =	stream.linear.gather @!p0 [hbm4b:s12+s14], $0x1000, $0x38;
	[tilespmem:$0x18080] =	vst v63  }
0x6f: {  	s13 =	sand.u32 $0x1000, s11  }
0x70: {  	s16 =	sadd.s32 $0xFFFFFE80, s5;
	s14 =	sor.u32 $0x16080, s13  }
0x71: {  	[spmem:s0] =	stream.indirect.scatter.add.f32 [tilespmem:s14], [sflag:$0x1], $0x1, s16, s20, $0xb8;
	[tilespmem:$0x18080] =	vst v63  }
0x72: {  	s14 =	sor.u32 $0x16100, s13  }
0x73: {  	[spmem:s1] =	stream.indirect.scatter.add.f32 [tilespmem:s14], [sflag:$0x1], $0x1, s16, s20, $0xb8;
	[tilespmem:$0x18080] =	vst v63  }
0x74: {  	s14 =	sor.u32 $0x16180, s13  }
0x75: {  	[spmem:s2] =	stream.indirect.scatter.add.f32 [tilespmem:s14], [sflag:$0x1], $0x1, s16, s20, $0xb8;
	[tilespmem:$0x18080] =	vst v63  }
0x76: {  	s14 =	sor.u32 $0x16200, s13  }
0x77: {  	[spmem:s3] =	stream.indirect.scatter.add.f32 [tilespmem:s14], [sflag:$0x1], $0x1, s16, s20, $0xb8;
	[tilespmem:$0x18080] =	vst v63  }
0x78: {  	s14 =	sor.u32 $0x16280, s13  }
0x79: {  	[spmem:s4] =	stream.indirect.scatter.add.f32 [tilespmem:s14], [sflag:$0x1], $0x1, s16, s20, $0xb8;
	[tilespmem:$0x18080] =	vst v63  }
0x7a: {  	s14 =	sor.u32 $0x16300, s13  }
0x7b: {  	[spmem:s7] =	stream.indirect.scatter.add.f32 [tilespmem:s14], [sflag:$0x1], $0x1, s16, s20, $0xb8;
	[tilespmem:$0x18080] =	vst v63  }
0x7c: {  	s14 =	sor.u32 $0x16380, s13  }
0x7d: {  	[spmem:s8] =	stream.indirect.scatter.add.f32 [tilespmem:s14], [sflag:$0x1], $0x1, s16, s20, $0xb8;
	[tilespmem:$0x18080] =	vst v63  }
0x7e: {  	s14 =	sor.u32 $0x16400, s13  }
0x7f: {  	[spmem:s9] =	stream.indirect.scatter.add.f32 [tilespmem:s14], [sflag:$0x1], $0x1, s16, s20, $0xb8;
	[tilespmem:$0x18080] =	vst v63  }
0x80: {  	s14 =	sor.u32 $0x16480, s13;
	s16 =	sadd.s32 $0xFFFFFF00, s5  }
0x81: {  	[spmem:s0] =	stream.indirect.scatter.add.f32 [tilespmem:s14], [sflag:$0x1], $0x1, s16, s20, $0xb8;
	[tilespmem:$0x18080] =	vst v63  }
0x82: {  	s14 =	sor.u32 $0x16500, s13  }
0x83: {  	[spmem:s1] =	stream.indirect.scatter.add.f32 [tilespmem:s14], [sflag:$0x1], $0x1, s16, s20, $0xb8;
	[tilespmem:$0x18080] =	vst v63  }
0x84: {  	s14 =	sor.u32 $0x16580, s13  }
0x85: {  	[spmem:s2] =	stream.indirect.scatter.add.f32 [tilespmem:s14], [sflag:$0x1], $0x1, s16, s20, $0xb8;
	[tilespmem:$0x18080] =	vst v63  }
0x86: {  	s14 =	sor.u32 $0x16600, s13  }
0x87: {  	[spmem:s3] =	stream.indirect.scatter.add.f32 [tilespmem:s14], [sflag:$0x1], $0x1, s16, s20, $0xb8;
	[tilespmem:$0x18080] =	vst v63  }
0x88: {  	s14 =	sor.u32 $0x16680, s13  }
0x89: {  	[spmem:s4] =	stream.indirect.scatter.add.f32 [tilespmem:s14], [sflag:$0x1], $0x1, s16, s20, $0xb8;
	[tilespmem:$0x18080] =	vst v63  }
0x8a: {  	s14 =	sor.u32 $0x16700, s13  }
0x8b: {  	[spmem:s7] =	stream.indirect.scatter.add.f32 [tilespmem:s14], [sflag:$0x1], $0x1, s16, s20, $0xb8;
	[tilespmem:$0x18080] =	vst v63  }
0x8c: {  	s14 =	sor.u32 $0x16780, s13  }
0x8d: {  	[spmem:s8] =	stream.indirect.scatter.add.f32 [tilespmem:s14], [sflag:$0x1], $0x1, s16, s20, $0xb8;
	[tilespmem:$0x18080] =	vst v63  }
0x8e: {  	s14 =	sor.u32 $0x16800, s13  }
0x8f: {  	[spmem:s9] =	stream.indirect.scatter.add.f32 [tilespmem:s14], [sflag:$0x1], $0x1, s16, s20, $0xb8;
	[tilespmem:$0x18080] =	vst v63  }
0x90: {  	s14 =	sor.u32 $0x16880, s13;
	s16 =	sadd.s32 $0xFFFFFF80, s5  }
0x91: {  	[spmem:s0] =	stream.indirect.scatter.add.f32 [tilespmem:s14], [sflag:$0x1], $0x1, s16, s20, $0xb8;
	[tilespmem:$0x18080] =	vst v63  }
0x92: {  	s14 =	sor.u32 $0x16900, s13  }
0x93: {  	[spmem:s1] =	stream.indirect.scatter.add.f32 [tilespmem:s14], [sflag:$0x1], $0x1, s16, s20, $0xb8;
	[tilespmem:$0x18080] =	vst v63  }
0x94: {  	s14 =	sor.u32 $0x16980, s13  }
0x95: {  	[spmem:s2] =	stream.indirect.scatter.add.f32 [tilespmem:s14], [sflag:$0x1], $0x1, s16, s20, $0xb8;
	[tilespmem:$0x18080] =	vst v63  }
0x96: {  	s14 =	sor.u32 $0x16A00, s13  }
0x97: {  	[spmem:s3] =	stream.indirect.scatter.add.f32 [tilespmem:s14], [sflag:$0x1], $0x1, s16, s20, $0xb8;
	[tilespmem:$0x18080] =	vst v63  }
0x98: {  	s14 =	sor.u32 $0x16A80, s13  }
0x99: {  	[spmem:s4] =	stream.indirect.scatter.add.f32 [tilespmem:s14], [sflag:$0x1], $0x1, s16, s20, $0xb8;
	[tilespmem:$0x18080] =	vst v63  }
0x9a: {  	s14 =	sor.u32 $0x16B00, s13  }
0x9b: {  	[spmem:s7] =	stream.indirect.scatter.add.f32 [tilespmem:s14], [sflag:$0x1], $0x1, s16, s20, $0xb8;
	[tilespmem:$0x18080] =	vst v63  }
0x9c: {  	s14 =	sor.u32 $0x16B80, s13  }
0x9d: {  	[spmem:s8] =	stream.indirect.scatter.add.f32 [tilespmem:s14], [sflag:$0x1], $0x1, s16, s20, $0xb8;
	[tilespmem:$0x18080] =	vst v63  }
0x9e: {  	s14 =	sor.u32 $0x16C00, s13  }
0x9f: {  	[spmem:s9] =	stream.indirect.scatter.add.f32 [tilespmem:s14], [sflag:$0x1], $0x1, s16, s20, $0xb8;
	[tilespmem:$0x18080] =	vst v63  }
0xa0: {  	s16 =	sor.u32 $0x16C80, s13  }
0xa1: {  	[spmem:s0] =	stream.indirect.scatter.add.f32 [tilespmem:s16], [sflag:$0x1], $0x1, s5, s20, $0xb8;
	[tilespmem:$0x18080] =	vst v63  }
0xa2: {  	s16 =	sor.u32 $0x16D00, s13  }
0xa3: {  	[spmem:s1] =	stream.indirect.scatter.add.f32 [tilespmem:s16], [sflag:$0x1], $0x1, s5, s20, $0xb8;
	[tilespmem:$0x18080] =	vst v63  }
0xa4: {  	s16 =	sor.u32 $0x16D80, s13  }
0xa5: {  	[spmem:s2] =	stream.indirect.scatter.add.f32 [tilespmem:s16], [sflag:$0x1], $0x1, s5, s20, $0xb8;
	[tilespmem:$0x18080] =	vst v63  }
0xa6: {  	s16 =	sor.u32 $0x16E00, s13  }
0xa7: {  	[spmem:s3] =	stream.indirect.scatter.add.f32 [tilespmem:s16], [sflag:$0x1], $0x1, s5, s20, $0xb8;
	[tilespmem:$0x18080] =	vst v63  }
0xa8: {  	s16 =	sor.u32 $0x16E80, s13  }
0xa9: {  	[spmem:s4] =	stream.indirect.scatter.add.f32 [tilespmem:s16], [sflag:$0x1], $0x1, s5, s20, $0xb8;
	[tilespmem:$0x18080] =	vst v63  }
0xaa: {  	s16 =	sor.u32 $0x16F00, s13  }
0xab: {  	[spmem:s7] =	stream.indirect.scatter.add.f32 [tilespmem:s16], [sflag:$0x1], $0x1, s5, s20, $0xb8;
	[tilespmem:$0x18080] =	vst v63  }
0xac: {  	s16 =	sor.u32 $0x16F80, s13  }
0xad: {  	[spmem:s8] =	stream.indirect.scatter.add.f32 [tilespmem:s16], [sflag:$0x1], $0x1, s5, s20, $0xb8;
	[tilespmem:$0x18080] =	vst v63  }
0xae: {  	s13 =	sadd.s32 $0x17000, s13  }
0xaf: {  	[spmem:s9] =	stream.indirect.scatter.add.f32 [tilespmem:s13], [sflag:$0x1], $0x1, s5, s20, $0xb8;
	[tilespmem:$0x18080] =	vst v63  }
0xb0: {  	_ =	swait.ge [sflag:s21], $0x80  }
0xb1: {  	[sflag:s21] =	ssyncset.done $0x0  }
0xb2: {  	[sflag:s21] =	ssyncadd.s32 $0xFFFFFF80  }
0xb3: {  	_ =	swait.ge [sflag:s21], $0x80  }
0xb4: {  	[sflag:s21] =	ssyncset.done $0x0  }
0xb5: {  	[sflag:s21] =	ssyncadd.s32 $0xFFFFFF80  }
0xb6: {  	_ =	swait.ge [sflag:s21], $0x80  }
0xb7: {  	[sflag:s21] =	ssyncset.done $0x0  }
0xb8: {  	[sflag:s21] =	ssyncadd.s32 $0xFFFFFF80  }
0xb9: {  	_ =	swait.ge [sflag:s21], $0x80  }
0xba: {  	[sflag:s21] =	ssyncset.done $0x0  }
0xbb: {  	[sflag:s21] =	ssyncadd.s32 $0xFFFFFF80  }
0xbc: {  	_ =	swait.ge [sflag:s21], $0x80  }
0xbd: {  	[sflag:s21] =	ssyncset.done $0x0  }
0xbe: {  	[sflag:s21] =	ssyncadd.s32 $0xFFFFFF80  }
0xbf: {  	_ =	swait.ge [sflag:s21], $0x80  }
0xc0: {  	[sflag:s21] =	ssyncset.done $0x0  }
0xc1: {  	[sflag:s21] =	ssyncadd.s32 $0xFFFFFF80  }
0xc2: {  	_ =	swait.ge [sflag:s21], $0x80  }
0xc3: {  	[sflag:s21] =	ssyncset.done $0x0  }
0xc4: {  	[sflag:s21] =	ssyncadd.s32 $0xFFFFFF80  }
0xc5: {  	_ =	swait.ge [sflag:s21], $0x80  }
0xc6: {  	[sflag:s21] =	ssyncset.done $0x0  }
0xc7: {  	[sflag:s21] =	ssyncadd.s32 $0xFFFFFF80  }
0xc8: {  	_ =	swait.ge [sflag:s21], $0x80  }
0xc9: {  	[sflag:s21] =	ssyncset.done $0x0  }
0xca: {  	[sflag:s21] =	ssyncadd.s32 $0xFFFFFF80  }
0xcb: {  	_ =	swait.ge [sflag:s21], $0x80  }
0xcc: {  	[sflag:s21] =	ssyncset.done $0x0  }
0xcd: {  	[sflag:s21] =	ssyncadd.s32 $0xFFFFFF80  }
0xce: {  	_ =	swait.ge [sflag:s21], $0x80  }
0xcf: {  	[sflag:s21] =	ssyncset.done $0x0  }
0xd0: {  	[sflag:s21] =	ssyncadd.s32 $0xFFFFFF80  }
0xd1: {  	_ =	swait.ge [sflag:s21], $0x80  }
0xd2: {  	[sflag:s21] =	ssyncset.done $0x0  }
0xd3: {  	[sflag:s21] =	ssyncadd.s32 $0xFFFFFF80  }
0xd4: {  	_ =	swait.ge [sflag:s21], $0x80  }
0xd5: {  	[sflag:s21] =	ssyncset.done $0x0  }
0xd6: {  	[sflag:s21] =	ssyncadd.s32 $0xFFFFFF80  }
0xd7: {  	_ =	swait.ge [sflag:s21], $0x80  }
0xd8: {  	[sflag:s21] =	ssyncset.done $0x0  }
0xd9: {  	[sflag:s21] =	ssyncadd.s32 $0xFFFFFF80  }
0xda: {  	_ =	swait.ge [sflag:s21], $0x80  }
0xdb: {  	[sflag:s21] =	ssyncset.done $0x0  }
0xdc: {  	[sflag:s21] =	ssyncadd.s32 $0xFFFFFF80  }
0xdd: {  	_ =	swait.ge [sflag:s21], $0x80  }
0xde: {  	[sflag:s21] =	ssyncset.done $0x0  }
0xdf: {  	[sflag:s21] =	ssyncadd.s32 $0xFFFFFF80  }
0xe0: {  	_ =	swait.ge [sflag:s21], $0x80  }
0xe1: {  	[sflag:s21] =	ssyncset.done $0x0  }
0xe2: {  	[sflag:s21] =	ssyncadd.s32 $0xFFFFFF80  }
0xe3: {  	_ =	swait.ge [sflag:s21], $0x80  }
0xe4: {  	[sflag:s21] =	ssyncset.done $0x0  }
0xe5: {  	[sflag:s21] =	ssyncadd.s32 $0xFFFFFF80  }
0xe6: {  	_ =	swait.ge [sflag:s21], $0x80  }
0xe7: {  	[sflag:s21] =	ssyncset.done $0x0  }
0xe8: {  	[sflag:s21] =	ssyncadd.s32 $0xFFFFFF80  }
0xe9: {  	_ =	swait.ge [sflag:s21], $0x80  }
0xea: {  	[sflag:s21] =	ssyncset.done $0x0  }
0xeb: {  	[sflag:s21] =	ssyncadd.s32 $0xFFFFFF80  }
0xec: {  	_ =	swait.ge [sflag:s21], $0x80  }
0xed: {  	[sflag:s21] =	ssyncset.done $0x0  }
0xee: {  	[sflag:s21] =	ssyncadd.s32 $0xFFFFFF80  }
0xef: {  	_ =	swait.ge [sflag:s21], $0x80  }
0xf0: {  	[sflag:s21] =	ssyncset.done $0x0  }
0xf1: {  	[sflag:s21] =	ssyncadd.s32 $0xFFFFFF80  }
0xf2: {  	_ =	swait.ge [sflag:s21], $0x80  }
0xf3: {  	[sflag:s21] =	ssyncset.done $0x0  }
0xf4: {  	[sflag:s21] =	ssyncadd.s32 $0xFFFFFF80  }
0xf5: {  	_ =	swait.ge [sflag:s21], $0x80  }
0xf6: {  	[sflag:s21] =	ssyncset.done $0x0  }
0xf7: {  	[sflag:s21] =	ssyncadd.s32 $0xFFFFFF80  }
0xf8: {  	_ =	swait.ge [sflag:s21], $0x80  }
0xf9: {  	[sflag:s21] =	ssyncset.done $0x0  }
0xfa: {  	[sflag:s21] =	ssyncadd.s32 $0xFFFFFF80  }
0xfb: {  	_ =	swait.ge [sflag:s21], $0x80  }
0xfc: {  	[sflag:s21] =	ssyncset.done $0x0  }
0xfd: {  	[sflag:s21] =	ssyncadd.s32 $0xFFFFFF80  }
0xfe: {  	_ =	swait.ge [sflag:s21], $0x80  }
0xff: {  	[sflag:s21] =	ssyncset.done $0x0  }
0x100: {  	[sflag:s21] =	ssyncadd.s32 $0xFFFFFF80  }
0x101: {  	_ =	swait.ge [sflag:s21], $0x80  }
0x102: {  	[sflag:s21] =	ssyncset.done $0x0  }
0x103: {  	[sflag:s21] =	ssyncadd.s32 $0xFFFFFF80  }
0x104: {  	_ =	swait.ge [sflag:s21], $0x80  }
0x105: {  	[sflag:s21] =	ssyncset.done $0x0  }
0x106: {  	[sflag:s21] =	ssyncadd.s32 $0xFFFFFF80  }
0x107: {  	_ =	swait.ge [sflag:s21], $0x80  }
0x108: {  	[sflag:s21] =	ssyncset.done $0x0  }
0x109: {  	[sflag:s21] =	ssyncadd.s32 $0xFFFFFF80  }
0x10a: {  	_ =	swait.ge [sflag:s21], $0x80  }
0x10b: {  	[sflag:s21] =	ssyncset.done $0x0  }
0x10c: {  	[sflag:s21] =	ssyncadd.s32 $0xFFFFFF80  }
0x10d: {  	_ =	swait.ge [sflag:s21], $0x80  }
0x10e: {  	s11 =	sadd.s32 $0x1000, s11;
	s16 =	rddreg [dreg:$0xc]  }
0x10f: {  	p0 =	sne.s32 s16, s11  }
.Ltmp0:
0x110: {  	_ = 	snop;
	(pc) =	sbr.rel @p0 .LBB2_2-.Ltmp0, $3  }
0x111: {  	_ =	sdelay $0x1  }
0x112: {  	s10 =	sadd.s32 $0x1, s10;
	s6 =	sadd.s32 $0x4000, s6;
	[sflag:s21] =	ssyncset.done $0x0  }
0x113: {  	s12 =	sadd.s32 $0x200, s12;
	s5 =	sadd.s32 $0x200, s5;
	[sflag:s21] =	ssyncadd.s32 $0xFFFFFF80  }
0x114: {  	[bflag:$0x0] =	sbarrier.arrive $0xFFFF  }
0x115: {  	s6 =	sld [smem:$0x7F5];
	_ =	sdelay $0x1  }
0x116: {  	s5 =	sor.u32 $0x1C03, s15  }
0x117: {  	[hbm:s6], [sflag:s5] =	dma.local [spmem:s31], $0x4E2  }
0x118: {  	_ =	swait.ge [sflag:s19], $0x4E2  }
0x119: {  	s12 =	sld [smem:$0x7F6]  }
0x11a: {  	[sflag:s19] =	ssyncset.done $0x0  }
0x11b: {  	[sflag:s19] =	ssyncadd.s32 $0xFFFFFB1E  }
0x11c: {  	[hbm:s12], [sflag:s5] =	dma.local [spmem:s30], $0x4E2  }
0x11d: {  	_ =	swait.ge [sflag:s19], $0x4E2  }
0x11e: {  	s13 =	sld [smem:$0x7F7]  }
0x11f: {  	[sflag:s19] =	ssyncset.done $0x0  }
0x120: {  	[sflag:s19] =	ssyncadd.s32 $0xFFFFFB1E  }
0x121: {  	[hbm:s13], [sflag:s5] =	dma.local [spmem:s29], $0x4E2  }
0x122: {  	_ =	swait.ge [sflag:s19], $0x4E2  }
0x123: {  	s14 =	sld [smem:$0x7F8]  }
0x124: {  	[sflag:s19] =	ssyncset.done $0x0  }
0x125: {  	[sflag:s19] =	ssyncadd.s32 $0xFFFFFB1E  }
0x126: {  	[hbm:s14], [sflag:s5] =	dma.local [spmem:s28], $0x4E2  }
0x127: {  	_ =	swait.ge [sflag:s19], $0x4E2  }
0x128: {  	s16 =	sld [smem:$0x7F9]  }
0x129: {  	[sflag:s19] =	ssyncset.done $0x0  }
0x12a: {  	[sflag:s19] =	ssyncadd.s32 $0xFFFFFB1E  }
0x12b: {  	[hbm:s16], [sflag:s5] =	dma.local [spmem:s26], $0x4E2  }
0x12c: {  	_ =	swait.ge [sflag:s19], $0x4E2  }
0x12d: {  	s28 =	sld [smem:$0x7FA]  }
0x12e: {  	[sflag:s19] =	ssyncset.done $0x0  }
0x12f: {  	[sflag:s19] =	ssyncadd.s32 $0xFFFFFB1E  }
0x130: {  	[hbm:s28], [sflag:s5] =	dma.local [spmem:s25], $0x4E2  }
0x131: {  	_ =	swait.ge [sflag:s19], $0x4E2  }
0x132: {  	s29 =	sld [smem:$0x7FB]  }
0x133: {  	[sflag:s19] =	ssyncset.done $0x0  }
0x134: {  	[sflag:s19] =	ssyncadd.s32 $0xFFFFFB1E  }
0x135: {  	[hbm:s29], [sflag:s5] =	dma.local [spmem:s24], $0x4E2  }
0x136: {  	_ =	swait.ge [sflag:s19], $0x4E2  }
0x137: {  	s30 =	sld [smem:$0x7FC]  }
0x138: {  	[sflag:s19] =	ssyncset.done $0x0  }
0x139: {  	[sflag:s19] =	ssyncadd.s32 $0xFFFFFB1E  }
0x13a: {  	[hbm:s30], [sflag:s5] =	dma.local [spmem:s23], $0x4E2  }
0x13b: {  	_ =	swait.ge [sflag:s19], $0x4E2  }
0x13c: {  	s31 =	sld [smem:$0x7FD];
	_ =	sdelay $0x1  }
0x13d: {  	s22 =	sadd.s32 $0x1, s22  }
0x13e: {  	p0 =	sne.s32 s22, s31  }
.Ltmp1:
0x13f: {  	_ = 	snop;
	(pc) =	sbr.rel @p0 .LBB2_1-.Ltmp1, $3  }
0x140: {  	_ =	sdelay $0x1  }
0x141: {  	[sflag:s19] =	ssyncset.done $0x0  }
0x142: {  	[sflag:s19] =	ssyncadd.s32 $0xFFFFFB1E  }
0x143: {  	_ =	sfence.sel $0x180000  }
0x144: {  	[bflag:$0x0] =	sbarrier.arrive $0xFFFF  }
0x145: {  	_ =	strace $0x90000047  }
0x146: {  	s0 =	stileid.u32;
	[bflag:$0x2] =	sbarrier.arrive $0xFFFF  }
0x147: {  	p0 =	sne.s32 s0, $0x0;
	s0 =	rddreg [dreg:$0xa]  }
0x148: {  	s0 =	sadd.s32 @!p0 $0x100000, s0  }
0x149: {  	[sflag:s0] =	ssyncadd.tile.s32 @!p0 $0x1;
	_ =	shalt  }
.Lfunc_end2:
_tile_overlayer_lowered:
.L_overlay_start_2:
0x14a: {  	(tag) =	ssettag $0x2  }
0x14b: {  	s0 =	rddreg [dreg:$0x0];
	s2 =	stileid.u32  }
0x14c: {  	s1 =	rddreg [dreg:$0x1];
	p0 =	sne.s32 s2, $0x0  }
0x14d: {  	s3 =	rddreg [dreg:$0x2];
	[bflag:$0x3] =	sbarrier.arrive $0xFFFF;
	s2 =	simm.s32 @!p0 $0x1C03  }
0x14e: {  	[timem:s3], [sflag:s2] =	dma.local @!p0 [hbm:s0], s1  }
0x14f: {  	s0 =	simm.s32 @!p0 $0x3  }
0x150: {  	_ =	swait.ge @!p0 [sflag:s0], s1  }
0x151: {  	s1 =	ssub.s32 @!p0 $0x0, s1;
	[sflag:s0] =	ssyncset.done @!p0 $0x0  }
0x152: {  	[sflag:s0] =	ssyncadd.s32 @!p0 s1  }
0x153: {  	[bflag:$0x3] =	sbarrier.arrive $0xFFFF  }
0x154: {  	_ =	shalt  }

</sc_bundles>
